<compile_context>
chip_gen: v7x
topology: tpu7x:2x2x1
jax: 0.10.2.dev20260603
libtpu: 0.0.44.dev20260713+nightly
codegen_flags: <defaults>
</compile_context>

<pallas_src>
import functools

import jax
import jax.numpy as jnp
from jax import lax
from jax.experimental import pallas as pl
from jax.experimental.pallas import tpu as pltpu
from jax.experimental.pallas import tpu_sc as plsc

_N = 10000
_E = 320000
_D = 128
_DE = 16
_NB = 64
_EPS = 1e-5
_NC = 2
_NS = 16
_NW = _NC * _NS
_CHUNK = 128
_CPW = 80
_EPW = _CPW * _CHUNK
_EPAD = _NW * _EPW
_HALF = _CPW // 2
_NSH = 10112
_RPT = _NSH // _NS
_ZCH = _NSH // _CHUNK
_TW = 32
_R = 1000
_G = _N // _R

def _mesh():
    return plsc.VectorSubcoreMesh(
        core_axis_name="c", subcore_axis_name="s",
        num_cores=_NC, num_subcores=_NS)


def _zero_buf(buf, width):
    def zrow(i, carry):
        for j in range(width // 16):
            buf[i, pl.ds(j * 16, 16)] = jnp.zeros((16,), jnp.float32)
        return carry
    lax.fori_loop(0, _CHUNK, zrow, 0)


def _zero_shared(s, zbuf, sh):
    def zch(t, carry):
        ch = s + t * _NS

        @pl.when(ch < _ZCH)
        def _():
            pltpu.sync_copy(zbuf, sh.at[pl.ds(ch * _CHUNK, _CHUNK)])
        return carry
    lax.fori_loop(0, (_ZCH + _NS - 1) // _NS, zch, 0)


@functools.lru_cache(maxsize=None)
def _make_row_scatter():
    scratch = [
        pltpu.VMEM((2, _CHUNK), jnp.int32),
        pltpu.VMEM((2, _CHUNK), jnp.int32),
        pltpu.VMEM((_CHUNK, _D), jnp.float32),
        pltpu.VMEM((_CHUNK, _D), jnp.float32),
        pltpu.VMEM_SHARED((_NSH, _D), jnp.float32),
        pltpu.SemaphoreType.DMA,
        pltpu.SemaphoreType.DMA,
    ]

    def body(x_hbm, src_hbm, dst_hbm, s_out,
             src_v, dst_v, rows0, rows1, s_sh, sem0, sem1):
        c = lax.axis_index("c")
        s = lax.axis_index("s")
        wid = s * _NC + c

        _zero_buf(rows0, _D)
        _zero_shared(s, rows0, s_sh)
        plsc.subcore_barrier()

        pltpu.sync_copy(src_hbm.at[wid, 0], src_v.at[0])
        pltpu.sync_copy(dst_hbm.at[wid, 0], dst_v.at[0])
        pltpu.sync_copy(src_hbm.at[wid, 1], src_v.at[1])
        pltpu.sync_copy(dst_hbm.at[wid, 1], dst_v.at[1])
        pltpu.async_copy(x_hbm.at[src_v.at[0]], rows0, sem0)

        def step(t, carry):
            j0 = 2 * t
            j1 = j0 + 1
            pltpu.async_copy(x_hbm.at[src_v.at[1]], rows1, sem1)
            pltpu.make_async_copy(x_hbm.at[src_v.at[0]], rows0, sem0).wait()
            pltpu.sync_copy(rows0, s_sh.at[dst_v.at[0]], add=True)

            @pl.when(t + 1 < _HALF)
            def _():
                pltpu.sync_copy(src_hbm.at[wid, j0 + 2], src_v.at[0])
                pltpu.sync_copy(dst_hbm.at[wid, j0 + 2], dst_v.at[0])
                pltpu.async_copy(x_hbm.at[src_v.at[0]], rows0, sem0)
            pltpu.make_async_copy(x_hbm.at[src_v.at[1]], rows1, sem1).wait()
            pltpu.sync_copy(rows1, s_sh.at[dst_v.at[1]], add=True)

            @pl.when(t + 1 < _HALF)
            def _():
                pltpu.sync_copy(src_hbm.at[wid, j1 + 2], src_v.at[1])
                pltpu.sync_copy(dst_hbm.at[wid, j1 + 2], dst_v.at[1])
            return carry
        lax.fori_loop(0, _HALF, step, 0)
        plsc.subcore_barrier()

        pltpu.sync_copy(s_sh.at[pl.ds(s * _RPT, _RPT)],
                        s_out.at[c, pl.ds(s * _RPT, _RPT)])

    return pl.kernel(
        body, mesh=_mesh(),
        out_type=jax.ShapeDtypeStruct((_NC, _NSH, _D), jnp.float32),
        scratch_types=scratch)


@functools.lru_cache(maxsize=None)
def _make_ea_scatter():
    scratch = [
        pltpu.VMEM((_CPW, _CHUNK), jnp.int32),
        pltpu.VMEM((_CHUNK, _D), jnp.float32),
        pltpu.VMEM((_CHUNK, _D), jnp.float32),
        pltpu.VMEM_SHARED((_NSH, _D), jnp.float32),
        pltpu.SemaphoreType.DMA,
        pltpu.SemaphoreType.DMA,
    ]

    def body(ea_hbm, dst_hbm, t_out, dst_v, ea0, ea1, t_sh, sem0, sem1):
        c = lax.axis_index("c")
        s = lax.axis_index("s")
        wid = s * _NC + c

        _zero_buf(ea0, _D)
        pltpu.sync_copy(dst_hbm.at[wid], dst_v)
        _zero_shared(s, ea0, t_sh)
        plsc.subcore_barrier()

        pltpu.async_copy(ea_hbm.at[wid, 0], ea0, sem0)

        def step(t, carry):
            j0 = 2 * t
            j1 = j0 + 1
            pltpu.async_copy(ea_hbm.at[wid, j1], ea1, sem1)
            pltpu.make_async_copy(ea_hbm.at[wid, j0], ea0, sem0).wait()
            pltpu.sync_copy(ea0, t_sh.at[dst_v.at[j0]], add=True)

            @pl.when(t + 1 < _HALF)
            def _():
                pltpu.async_copy(ea_hbm.at[wid, j0 + 2], ea0, sem0)
            pltpu.make_async_copy(ea_hbm.at[wid, j1], ea1, sem1).wait()
            pltpu.sync_copy(ea1, t_sh.at[dst_v.at[j1]], add=True)
            return carry
        lax.fori_loop(0, _HALF, step, 0)
        plsc.subcore_barrier()

        pltpu.sync_copy(t_sh.at[pl.ds(s * _RPT, _RPT)],
                        t_out.at[c, pl.ds(s * _RPT, _RPT)])

    return pl.kernel(
        body, mesh=_mesh(),
        out_type=jax.ShapeDtypeStruct((_NC, _NSH, _D), jnp.float32),
        scratch_types=scratch)


def _dense_body(x_ref, s_ref, t_ref, wd_ref, ws_ref, we_ref, b_ref,
                hpre_ref, stats_ref, sum_ref, sq_ref):
    i = pl.program_id(0)
    x = x_ref[...]
    ssum = s_ref[0] + s_ref[1] + x
    tb = t_ref[0] + t_ref[1]
    deg = tb[:, 16:17] + 1.0
    eap = tb[:, :16] + 1.0
    agg = deg * (jnp.dot(x, wd_ref[...], preferred_element_type=jnp.float32) + b_ref[...])
    agg = agg + jnp.dot(ssum, ws_ref[...], preferred_element_type=jnp.float32)
    agg = agg + jnp.dot(eap, we_ref[...], preferred_element_type=jnp.float32)
    hp = jnp.maximum(agg, 0.0)
    hpre_ref[...] = hp

    @pl.when(i == 0)
    def _():
        sum_ref[...] = jnp.zeros_like(sum_ref)
        sq_ref[...] = jnp.zeros_like(sq_ref)
    sum_ref[...] += jnp.sum(hp, axis=0, keepdims=True)
    sq_ref[...] += jnp.sum(hp * hp, axis=0, keepdims=True)

    @pl.when(i == _G - 1)
    def _():
        stats_ref[...] = jnp.concatenate([sum_ref[...], sq_ref[...]], axis=0)


def _layer_dense(x, s_pair, t_pair, wdt, wst, wet, b):
    return pl.pallas_call(
        _dense_body,
        grid=(_G,),
        in_specs=[
            pl.BlockSpec((_R, _D), lambda i: (i, 0)),
            pl.BlockSpec((2, _R, _D), lambda i: (0, i, 0)),
            pl.BlockSpec((2, _R, _D), lambda i: (0, i, 0)),
            pl.BlockSpec((_D, _D), lambda i: (0, 0)),
            pl.BlockSpec((_D, _D), lambda i: (0, 0)),
            pl.BlockSpec((_DE, _D), lambda i: (0, 0)),
            pl.BlockSpec((1, _D), lambda i: (0, 0)),
        ],
        out_specs=[
            pl.BlockSpec((_R, _D), lambda i: (i, 0)),
            pl.BlockSpec((2, _D), lambda i: (0, 0)),
        ],
        out_shape=[
            jax.ShapeDtypeStruct((_N, _D), jnp.float32),
            jax.ShapeDtypeStruct((2, _D), jnp.float32),
        ],
        scratch_shapes=[
            pltpu.VMEM((1, _D), jnp.float32),
            pltpu.VMEM((1, _D), jnp.float32),
        ],
    )(x, s_pair, t_pair, wdt, wst, wet, b)


def _bn_scale_shift(stats, g, be):
    mu = stats[0:1] / _N
    var = stats[1:2] / _N - mu * mu
    inv = g * lax.rsqrt(var + _EPS)
    return inv, be - mu * inv


def _bn_body(hp_ref, st_ref, g_ref, be_ref, h_ref):
    inv, shift = _bn_scale_shift(st_ref[...], g_ref[...], be_ref[...])
    h_ref[...] = jnp.maximum(hp_ref[...] * inv + shift, 0.0)


def _bn_apply(hpre, stats, g, be):
    return pl.pallas_call(
        _bn_body,
        grid=(_G,),
        in_specs=[
            pl.BlockSpec((_R, _D), lambda i: (i, 0)),
            pl.BlockSpec((2, _D), lambda i: (0, 0)),
            pl.BlockSpec((1, _D), lambda i: (0, 0)),
            pl.BlockSpec((1, _D), lambda i: (0, 0)),
        ],
        out_specs=pl.BlockSpec((_R, _D), lambda i: (i, 0)),
        out_shape=jax.ShapeDtypeStruct((_N, _D), jnp.float32),
    )(hpre, stats, g, be)


def _onehot(batch_block):
    io = lax.broadcasted_iota(jnp.int32, (_R, _NB), 1)
    return (batch_block == io).astype(jnp.float32)


def _bn_pool_body(hp_ref, st_ref, g_ref, be_ref, bt_ref, h_ref, m_ref, macc):
    i = pl.program_id(0)
    inv, shift = _bn_scale_shift(st_ref[...], g_ref[...], be_ref[...])
    h = jnp.maximum(hp_ref[...] * inv + shift, 0.0)
    h_ref[...] = h
    oh = _onehot(bt_ref[...])
    contrib = lax.dot_general(oh, h, (((0,), (0,)), ((), ())),
                              preferred_element_type=jnp.float32)

    @pl.when(i == 0)
    def _():
        macc[...] = jnp.zeros_like(macc)
    macc[...] += contrib

    @pl.when(i == _G - 1)
    def _():
        m_ref[...] = macc[...]


def _bn_pool(hpre, stats, g, be, batch2d):
    return pl.pallas_call(
        _bn_pool_body,
        grid=(_G,),
        in_specs=[
            pl.BlockSpec((_R, _D), lambda i: (i, 0)),
            pl.BlockSpec((2, _D), lambda i: (0, 0)),
            pl.BlockSpec((1, _D), lambda i: (0, 0)),
            pl.BlockSpec((1, _D), lambda i: (0, 0)),
            pl.BlockSpec((_R, 1), lambda i: (i, 0)),
        ],
        out_specs=[
            pl.BlockSpec((_R, _D), lambda i: (i, 0)),
            pl.BlockSpec((_NB, _D), lambda i: (0, 0)),
        ],
        out_shape=[
            jax.ShapeDtypeStruct((_N, _D), jnp.float32),
            jax.ShapeDtypeStruct((_NB, _D), jnp.float32),
        ],
        scratch_shapes=[pltpu.VMEM((_NB, _D), jnp.float32)],
    )(hpre, stats, g, be, batch2d)


def _final_body(h_ref, bt_ref, m_ref, fa_ref, fb_ref, fb1_ref, fw2_ref,
                fb2_ref, out_ref):
    oh = _onehot(bt_ref[...])
    rep = jnp.dot(oh, m_ref[...], preferred_element_type=jnp.float32)
    z = jnp.dot(h_ref[...], fa_ref[...], preferred_element_type=jnp.float32)
    z = z + jnp.dot(rep, fb_ref[...], preferred_element_type=jnp.float32)
    z = jnp.maximum(z + fb1_ref[...], 0.0)
    out_ref[...] = jnp.dot(z, fw2_ref[...], preferred_element_type=jnp.float32) + fb2_ref[...]


def _final(h2, batch2d, m, fat, fbt, fb1, fw2t, fb2):
    mlp = fat.shape[1]
    c = fw2t.shape[1]
    return pl.pallas_call(
        _final_body,
        grid=(_G,),
        in_specs=[
            pl.BlockSpec((_R, _D), lambda i: (i, 0)),
            pl.BlockSpec((_R, 1), lambda i: (i, 0)),
            pl.BlockSpec((_NB, _D), lambda i: (0, 0)),
            pl.BlockSpec((_D, mlp), lambda i: (0, 0)),
            pl.BlockSpec((_D, mlp), lambda i: (0, 0)),
            pl.BlockSpec((1, mlp), lambda i: (0, 0)),
            pl.BlockSpec((mlp, c), lambda i: (0, 0)),
            pl.BlockSpec((1, c), lambda i: (0, 0)),
        ],
        out_specs=pl.BlockSpec((_R, c), lambda i: (i, 0)),
        out_shape=jax.ShapeDtypeStruct((_N, c), jnp.float32),
    )(h2, batch2d, m, fat, fbt, fb1, fw2t, fb2)


def kernel(x, edge_index, edge_attr, batch, mask, W1, b1, W2, b2,
           g1, be1, g2, be2, fW1, fb1, fW2, fb2):
    del mask
    pad = _EPAD - _E
    src_r = jnp.concatenate(
        [edge_index[0], jnp.zeros((pad,), jnp.int32)]).reshape(_NW, _CPW, _CHUNK)
    dst_r = jnp.concatenate(
        [edge_index[1], jnp.full((pad,), _N, jnp.int32)]).reshape(_NW, _CPW, _CHUNK)
    ea_aug = jnp.zeros((_EPAD, _D), jnp.float32)
    ea_aug = ea_aug.at[:_E, :_DE].set(edge_attr).at[:_E, _DE].set(1.0)
    ea_r = ea_aug.reshape(_NW, _CPW, _CHUNK, _D)

    wd1t, ws1t, we1t = W1[:, :_D].T, W1[:, _D:2 * _D].T, W1[:, 2 * _D:].T
    wd2t, ws2t, we2t = W2[:, :_D].T, W2[:, _D:2 * _D].T, W2[:, 2 * _D:].T
    fat, fbt = fW1[:, :_D].T, fW1[:, _D:].T
    fw2t = fW2.T
    batch2d = batch.reshape(_N, 1)

    s1_pair = _make_row_scatter()(x, src_r, dst_r)
    ea_r = lax.optimization_barrier((ea_r, s1_pair))[0]
    t_pair = _make_ea_scatter()(ea_r, dst_r)
    hpre1, stats1 = _layer_dense(x, s1_pair, t_pair, wd1t, ws1t, we1t,
                                 b1.reshape(1, _D))
    h1 = _bn_apply(hpre1, stats1, g1.reshape(1, _D), be1.reshape(1, _D))

    s2_pair = _make_row_scatter()(h1, src_r, dst_r)
    hpre2, stats2 = _layer_dense(h1, s2_pair, t_pair, wd2t, ws2t, we2t,
                                 b2.reshape(1, _D))
    h2, m = _bn_pool(hpre2, stats2, g2.reshape(1, _D), be2.reshape(1, _D),
                     batch2d)
    return _final(h2, batch2d, m, fat, fbt, fb1.reshape(1, -1), fw2t,
                  fb2.reshape(1, -1))

# --- scband reference (transcript-rebuilt; emitter-appended) ---
"""Pipeline reference for scband-model-withgraph-embedding-modif-11467562680506 (READ-ONLY COPY).

The authoritative reference and input builder live on the scoring server;
editing this copy changes nothing except your own understanding.
"""

import jax, jax.numpy as jnp
import numpy as np

N = 10000
E = 320000
D = 128
DE = 16
H1 = 128
H2 = 128
MLP = 256
C = 16
B = 64
EPS = 1e-5


def setup_inputs(seed: int = 0) -> dict:
    key = jax.random.key(seed)
    ks = jax.random.split(key, 20)
    s = 0.05
    inp = {}
    inp['x'] = jax.random.normal(ks[0], (N, D), dtype=jnp.float32)
    inp['edge_index'] = jax.random.randint(ks[1], (2, E), 0, N, dtype=jnp.int32)
    inp['edge_attr'] = jax.random.normal(ks[2], (E, DE), dtype=jnp.float32)
    inp['batch'] = jnp.sort(jax.random.randint(ks[3], (N,), 0, B, dtype=jnp.int32))
    inp['mask'] = jnp.ones((N,), dtype=bool)
    inp['W1'] = jax.random.normal(ks[4], (H1, 2 * D + DE), dtype=jnp.float32) * s
    inp['b1'] = jax.random.normal(ks[5], (H1,), dtype=jnp.float32) * s
    inp['W2'] = jax.random.normal(ks[6], (H2, 2 * H1 + DE), dtype=jnp.float32) * s
    inp['b2'] = jax.random.normal(ks[7], (H2,), dtype=jnp.float32) * s
    inp['g1'] = jnp.ones((H1,), dtype=jnp.float32)
    inp['be1'] = jnp.zeros((H1,), dtype=jnp.float32)
    inp['g2'] = jnp.ones((H2,), dtype=jnp.float32)
    inp['be2'] = jnp.zeros((H2,), dtype=jnp.float32)
    inp['fW1'] = jax.random.normal(ks[8], (MLP, 2 * H2), dtype=jnp.float32) * s
    inp['fb1'] = jax.random.normal(ks[9], (MLP,), dtype=jnp.float32) * s
    inp['fW2'] = jax.random.normal(ks[10], (C, MLP), dtype=jnp.float32) * s
    inp['fb2'] = jax.random.normal(ks[11], (C,), dtype=jnp.float32) * s
    return inp


def _mp_layer(x, src, dst, ea, W, b):
    # message = Linear(cat[x_i (dst), x_j (src), edge_attr]); aggr='add' at dst; then relu
    m = jnp.concatenate([x[dst], x[src], ea], axis=1) @ W.T + b
    agg = jax.ops.segment_sum(m, dst, num_segments=x.shape[0])
    return jax.nn.relu(agg)


def _bn(h, g, be):
    mu = jnp.mean(h, axis=0)
    var = jnp.var(h, axis=0)
    return (h - mu) / jnp.sqrt(var + EPS) * g + be


def reference(x, edge_index, edge_attr, batch, mask, W1, b1, W2, b2, g1, be1, g2, be2, fW1, fb1, fW2, fb2):
    n = x.shape[0]
    loop = jnp.arange(n, dtype=edge_index.dtype)
    src = jnp.concatenate([edge_index[0], loop])
    dst = jnp.concatenate([edge_index[1], loop])
    ea = jnp.concatenate([edge_attr, jnp.ones((n, edge_attr.shape[1]), dtype=edge_attr.dtype)], axis=0)

    h = _mp_layer(x, src, dst, ea, W1, b1)
    h = _bn(h, g1, be1)
    h = jax.nn.relu(h)

    h = _mp_layer(h, src, dst, ea, W2, b2)
    h = _bn(h, g2, be2)
    h = jax.nn.relu(h)

    graph_embedd = jax.ops.segment_sum(h, batch, num_segments=B)
    # repeat_interleave(graph_embedd, bincount(batch)) == graph_embedd[batch] since batch is sorted
    graph_embed_rep = graph_embedd[batch]
    new_input = jnp.concatenate([h, graph_embed_rep], axis=1)
    node_out = jax.nn.relu(new_input @ fW1.T + fb1)
    out = node_out @ fW2.T + fb2
    return out

if __name__ == "__main__":
    import jax
    _d = setup_inputs()
    print(jax.jit(kernel)(*tuple(_d.values())))

</pallas_src>

<mosaic_0001>
#map = affine_map<(d0, d1) -> (0, 0)>
#map1 = affine_map<(d0, d1) -> (0, 0, 0)>
module attributes {stable_mosaic.version = 14 : i64} {
  func.func @body(%arg0: i32, %arg1: i32, %arg2: memref<10000x128xf32, #tpu.memory_space<hbm>>, %arg3: memref<32x80x128xi32, #tpu.memory_space<hbm>>, %arg4: memref<32x80x128xi32, #tpu.memory_space<hbm>>, %arg5: memref<2x10112x128xf32, #tpu.memory_space<hbm>>, %arg6: memref<2x128xi32, #tpu.memory_space<vmem>>, %arg7: memref<2x128xi32, #tpu.memory_space<vmem>>, %arg8: memref<128x128xf32, #tpu.memory_space<vmem>>, %arg9: memref<128x128xf32, #tpu.memory_space<vmem>>, %arg10: memref<10112x128xf32, #tpu.memory_space<vmem_shared>>, %arg11: memref<!tpu.dma_semaphore, #tpu.memory_space<semaphore_mem>>, %arg12: memref<!tpu.dma_semaphore, #tpu.memory_space<semaphore_mem>>) attributes {dimension_semantics = [#tpu.dimension_semantics<core_parallel>, #tpu.dimension_semantics<subcore_parallel>], iteration_bounds = array<i64: 2, 16>, scalar_prefetch = 0 : i64, scratch_operands = 7 : i64, tpu.core_type = #tpu.core_type<sc_vector_subcore>, window_params = [{transform_indices = #map}, {transform_indices = #map1}, {transform_indices = #map1}, {transform_indices = #map1}]} {
    %mul3A = arith.constant 2 : i32
    %mul3A_0 = arith.muli %arg1, %mul3A : i32
    %add3A = arith.addi %mul3A_0, %arg0 : i32
    %scan3A = arith.constant 0 : i32
    %scan3A_1 = arith.constant 0 : i32
    %scan3A_2 = arith.constant 128 : i32
    %scan3A_3 = arith.addi %scan3A_1, %scan3A_2 : i32
    %scan3A_4 = arith.constant 1 : i32
    scf.for %scan3A_36 = %scan3A_1 to %scan3A_3 step %scan3A_4  : i32 {
      %broadcast_in_dim3A = arith.constant 0.000000e+00 : f32
      %broadcast_in_dim3A_37 = vector.broadcast %broadcast_in_dim3A : f32 to vector<16xf32>
      %swap3A = arith.index_cast %scan3A_36 : i32 to index
      %swap3A_38 = arith.constant 0 : index
      %swap3A_39 = tpu.vector_load %arg8[%swap3A, %swap3A_38] {strides = array<i32>} : memref<128x128xf32, #tpu.memory_space<vmem>>, vector<1x16xf32>,
      %swap3A_40 = vector.shape_cast %swap3A_39 : vector<1x16xf32> to vector<16xf32>
      %swap3A_41 = vector.shape_cast %broadcast_in_dim3A_37 : vector<16xf32> to vector<1x16xf32>
      tpu.vector_store %arg8[%swap3A, %swap3A_38], %swap3A_41 {strides = array<i32>} : memref<128x128xf32, #tpu.memory_space<vmem>>, vector<1x16xf32>,
      %broadcast_in_dim3A_42 = arith.constant 0.000000e+00 : f32
      %broadcast_in_dim3A_43 = vector.broadcast %broadcast_in_dim3A_42 : f32 to vector<16xf32>
      %swap3A_44 = arith.index_cast %scan3A_36 : i32 to index
      %swap3A_45 = arith.constant 16 : index
      %swap3A_46 = tpu.vector_load %arg8[%swap3A_44, %swap3A_45] {strides = array<i32>} : memref<128x128xf32, #tpu.memory_space<vmem>>, vector<1x16xf32>,
      %swap3A_47 = vector.shape_cast %swap3A_46 : vector<1x16xf32> to vector<16xf32>
      %swap3A_48 = vector.shape_cast %broadcast_in_dim3A_43 : vector<16xf32> to vector<1x16xf32>
      tpu.vector_store %arg8[%swap3A_44, %swap3A_45], %swap3A_48 {strides = array<i32>} : memref<128x128xf32, #tpu.memory_space<vmem>>, vector<1x16xf32>,
      %broadcast_in_dim3A_49 = arith.constant 0.000000e+00 : f32
      %broadcast_in_dim3A_50 = vector.broadcast %broadcast_in_dim3A_49 : f32 to vector<16xf32>
      %swap3A_51 = arith.index_cast %scan3A_36 : i32 to index
      %swap3A_52 = arith.constant 32 : index
      %swap3A_53 = tpu.vector_load %arg8[%swap3A_51, %swap3A_52] {strides = array<i32>} : memref<128x128xf32, #tpu.memory_space<vmem>>, vector<1x16xf32>,
      %swap3A_54 = vector.shape_cast %swap3A_53 : vector<1x16xf32> to vector<16xf32>
      %swap3A_55 = vector.shape_cast %broadcast_in_dim3A_50 : vector<16xf32> to vector<1x16xf32>
      tpu.vector_store %arg8[%swap3A_51, %swap3A_52], %swap3A_55 {strides = array<i32>} : memref<128x128xf32, #tpu.memory_space<vmem>>, vector<1x16xf32>,
      %broadcast_in_dim3A_56 = arith.constant 0.000000e+00 : f32
      %broadcast_in_dim3A_57 = vector.broadcast %broadcast_in_dim3A_56 : f32 to vector<16xf32>
      %swap3A_58 = arith.index_cast %scan3A_36 : i32 to index
      %swap3A_59 = arith.constant 48 : index
      %swap3A_60 = tpu.vector_load %arg8[%swap3A_58, %swap3A_59] {strides = array<i32>} : memref<128x128xf32, #tpu.memory_space<vmem>>, vector<1x16xf32>,
      %swap3A_61 = vector.shape_cast %swap3A_60 : vector<1x16xf32> to vector<16xf32>
      %swap3A_62 = vector.shape_cast %broadcast_in_dim3A_57 : vector<16xf32> to vector<1x16xf32>
      tpu.vector_store %arg8[%swap3A_58, %swap3A_59], %swap3A_62 {strides = array<i32>} : memref<128x128xf32, #tpu.memory_space<vmem>>, vector<1x16xf32>,
      %broadcast_in_dim3A_63 = arith.constant 0.000000e+00 : f32
      %broadcast_in_dim3A_64 = vector.broadcast %broadcast_in_dim3A_63 : f32 to vector<16xf32>
      %swap3A_65 = arith.index_cast %scan3A_36 : i32 to index
      %swap3A_66 = arith.constant 64 : index
      %swap3A_67 = tpu.vector_load %arg8[%swap3A_65, %swap3A_66] {strides = array<i32>} : memref<128x128xf32, #tpu.memory_space<vmem>>, vector<1x16xf32>,
      %swap3A_68 = vector.shape_cast %swap3A_67 : vector<1x16xf32> to vector<16xf32>
      %swap3A_69 = vector.shape_cast %broadcast_in_dim3A_64 : vector<16xf32> to vector<1x16xf32>
      tpu.vector_store %arg8[%swap3A_65, %swap3A_66], %swap3A_69 {strides = array<i32>} : memref<128x128xf32, #tpu.memory_space<vmem>>, vector<1x16xf32>,
      %broadcast_in_dim3A_70 = arith.constant 0.000000e+00 : f32
      %broadcast_in_dim3A_71 = vector.broadcast %broadcast_in_dim3A_70 : f32 to vector<16xf32>
      %swap3A_72 = arith.index_cast %scan3A_36 : i32 to index
      %swap3A_73 = arith.constant 80 : index
      %swap3A_74 = tpu.vector_load %arg8[%swap3A_72, %swap3A_73] {strides = array<i32>} : memref<128x128xf32, #tpu.memory_space<vmem>>, vector<1x16xf32>,
      %swap3A_75 = vector.shape_cast %swap3A_74 : vector<1x16xf32> to vector<16xf32>
      %swap3A_76 = vector.shape_cast %broadcast_in_dim3A_71 : vector<16xf32> to vector<1x16xf32>
      tpu.vector_store %arg8[%swap3A_72, %swap3A_73], %swap3A_76 {strides = array<i32>} : memref<128x128xf32, #tpu.memory_space<vmem>>, vector<1x16xf32>,
      %broadcast_in_dim3A_77 = arith.constant 0.000000e+00 : f32
      %broadcast_in_dim3A_78 = vector.broadcast %broadcast_in_dim3A_77 : f32 to vector<16xf32>
      %swap3A_79 = arith.index_cast %scan3A_36 : i32 to index
      %swap3A_80 = arith.constant 96 : index
      %swap3A_81 = tpu.vector_load %arg8[%swap3A_79, %swap3A_80] {strides = array<i32>} : memref<128x128xf32, #tpu.memory_space<vmem>>, vector<1x16xf32>,
      %swap3A_82 = vector.shape_cast %swap3A_81 : vector<1x16xf32> to vector<16xf32>
      %swap3A_83 = vector.shape_cast %broadcast_in_dim3A_78 : vector<16xf32> to vector<1x16xf32>
      tpu.vector_store %arg8[%swap3A_79, %swap3A_80], %swap3A_83 {strides = array<i32>} : memref<128x128xf32, #tpu.memory_space<vmem>>, vector<1x16xf32>,
      %broadcast_in_dim3A_84 = arith.constant 0.000000e+00 : f32
      %broadcast_in_dim3A_85 = vector.broadcast %broadcast_in_dim3A_84 : f32 to vector<16xf32>
      %swap3A_86 = arith.index_cast %scan3A_36 : i32 to index
      %swap3A_87 = arith.constant 112 : index
      %swap3A_88 = tpu.vector_load %arg8[%swap3A_86, %swap3A_87] {strides = array<i32>} : memref<128x128xf32, #tpu.memory_space<vmem>>, vector<1x16xf32>,
      %swap3A_89 = vector.shape_cast %swap3A_88 : vector<1x16xf32> to vector<16xf32>
      %swap3A_90 = vector.shape_cast %broadcast_in_dim3A_85 : vector<16xf32> to vector<1x16xf32>
      tpu.vector_store %arg8[%swap3A_86, %swap3A_87], %swap3A_90 {strides = array<i32>} : memref<128x128xf32, #tpu.memory_space<vmem>>, vector<1x16xf32>,
    }
    %scan3A_5 = arith.constant 128 : i32
    %scan3A_6 = arith.constant 0 : i32
    %scan3A_7 = arith.constant 0 : i32
    %scan3A_8 = arith.constant 5 : i32
    %scan3A_9 = arith.addi %scan3A_7, %scan3A_8 : i32
    %scan3A_10 = arith.constant 1 : i32
    scf.for %scan3A_36 = %scan3A_7 to %scan3A_9 step %scan3A_10  : i32 {
      %mul3A_37 = arith.constant 16 : i32
      %mul3A_38 = arith.muli %scan3A_36, %mul3A_37 : i32
      %add3A_39 = arith.addi %arg1, %mul3A_38 : i32
      %lt3A = arith.constant 79 : i32
      %lt3A_40 = arith.cmpi slt, %add3A_39, %lt3A : i32
      %convert_element_type3A = arith.extui %lt3A_40 : i1 to i32
      %cond3A = arith.constant 0 : i32
      %cond3A_41 = arith.cmpi ne, %convert_element_type3A, %cond3A : i32
      scf.if %cond3A_41 {
        %mul3A_42 = arith.constant 128 : i32
        %mul3A_43 = arith.muli %add3A_39, %mul3A_42 : i32
        "tpu.region"() ({
          %run_scoped3A_44 = tpu.sem_alloc : memref<!tpu.dma_semaphore, #tpu.memory_space<semaphore_mem>>
          %dma_start3A_45 = arith.constant 0 : i32
          %dma_start3A_46 = tpu.memref_slice %arg10[%mul3A_43, %dma_start3A_45] : memref<10112x128xf32, #tpu.memory_space<vmem_shared>> -> memref<128x128xf32, #tpu.memory_space<vmem_shared>>
          %dma_start3A_47 = arith.constant 0 : i32
          %dma_start3A_48 = tpu.memref_slice %arg10[%mul3A_43, %dma_start3A_47] : memref<10112x128xf32, #tpu.memory_space<vmem_shared>> -> memref<128x128xf32, #tpu.memory_space<vmem_shared>>
          tpu.enqueue_dma source(%arg8 : memref<128x128xf32, #tpu.memory_space<vmem>>) target(%dma_start3A_48 : memref<128x128xf32, #tpu.memory_space<vmem_shared>>) target_semaphore(%run_scoped3A_44 : memref<!tpu.dma_semaphore, #tpu.memory_space<semaphore_mem>>)
          %dma_wait3A = arith.constant 0 : i32
          %dma_wait3A_49 = tpu.memref_slice %arg10[%mul3A_43, %dma_wait3A] : memref<10112x128xf32, #tpu.memory_space<vmem_shared>> -> memref<128x128xf32, #tpu.memory_space<vmem_shared>>
          %dma_wait3A_50 = arith.constant 0 : i32
          %dma_wait3A_51 = tpu.memref_slice %arg10[%mul3A_43, %dma_wait3A_50] : memref<10112x128xf32, #tpu.memory_space<vmem_shared>> -> memref<128x128xf32, #tpu.memory_space<vmem_shared>>
          tpu.wait_dma2 semaphore(%run_scoped3A_44 : memref<!tpu.dma_semaphore, #tpu.memory_space<semaphore_mem>>) src(%arg8 : memref<128x128xf32, #tpu.memory_space<vmem>>) dst(%dma_wait3A_51 : memref<128x128xf32, #tpu.memory_space<vmem_shared>>)
          tpu.yield
        }) : () -> ()
      } else {
      }
    }
    %scan3A_11 = arith.constant 5 : i32
    %barrier3A = arith.constant 0 : index
    tpu.barrier barrier_id(%barrier3A)
    %run_scoped3A = arith.constant 0 : i32
    %run_scoped3A_12 = arith.constant 0 : i32
    "tpu.region"() ({
      %run_scoped3A_36 = tpu.sem_alloc : memref<!tpu.dma_semaphore, #tpu.memory_space<semaphore_mem>>
      %dma_start3A_37 = arith.constant 0 : i32
      %dma_start3A_38 = tpu.memref_slice %arg6[%run_scoped3A_12, %dma_start3A_37] : memref<2x128xi32, #tpu.memory_space<vmem>> -> memref<1x128xi32, #tpu.memory_space<vmem>>
      %dma_start3A_39 = tpu.memref_squeeze %dma_start3A_38 : memref<1x128xi32, #tpu.memory_space<vmem>> -> memref<128xi32, #tpu.memory_space<vmem>>
      %dma_start3A_40 = arith.constant 0 : i32
      %dma_start3A_41 = tpu.memref_slice %arg3[%add3A, %run_scoped3A, %dma_start3A_40] : memref<32x80x128xi32, #tpu.memory_space<hbm>> -> memref<1x1x128xi32, #tpu.memory_space<hbm>>
      %dma_start3A_42 = tpu.memref_squeeze %dma_start3A_41 : memref<1x1x128xi32, #tpu.memory_space<hbm>> -> memref<128xi32, #tpu.memory_space<hbm>>
      %dma_start3A_43 = arith.constant 0 : i32
      %dma_start3A_44 = tpu.memref_slice %arg6[%run_scoped3A_12, %dma_start3A_43] : memref<2x128xi32, #tpu.memory_space<vmem>> -> memref<1x128xi32, #tpu.memory_space<vmem>>
      %dma_start3A_45 = tpu.memref_squeeze %dma_start3A_44 : memref<1x128xi32, #tpu.memory_space<vmem>> -> memref<128xi32, #tpu.memory_space<vmem>>
      %dma_start3A_46 = arith.constant 0 : i32
      %dma_start3A_47 = tpu.memref_slice %arg3[%add3A, %run_scoped3A, %dma_start3A_46] : memref<32x80x128xi32, #tpu.memory_space<hbm>> -> memref<1x1x128xi32, #tpu.memory_space<hbm>>
      %dma_start3A_48 = tpu.memref_squeeze %dma_start3A_47 : memref<1x1x128xi32, #tpu.memory_space<hbm>> -> memref<128xi32, #tpu.memory_space<hbm>>
      tpu.enqueue_dma source(%dma_start3A_48 : memref<128xi32, #tpu.memory_space<hbm>>) target(%dma_start3A_45 : memref<128xi32, #tpu.memory_space<vmem>>) target_semaphore(%run_scoped3A_36 : memref<!tpu.dma_semaphore, #tpu.memory_space<semaphore_mem>>)
      %dma_wait3A = arith.constant 0 : i32
      %dma_wait3A_49 = tpu.memref_slice %arg6[%run_scoped3A_12, %dma_wait3A] : memref<2x128xi32, #tpu.memory_space<vmem>> -> memref<1x128xi32, #tpu.memory_space<vmem>>
      %dma_wait3A_50 = tpu.memref_squeeze %dma_wait3A_49 : memref<1x128xi32, #tpu.memory_space<vmem>> -> memref<128xi32, #tpu.memory_space<vmem>>
      %dma_wait3A_51 = arith.constant 0 : i32
      %dma_wait3A_52 = tpu.memref_slice %arg3[%add3A, %run_scoped3A, %dma_wait3A_51] : memref<32x80x128xi32, #tpu.memory_space<hbm>> -> memref<1x1x128xi32, #tpu.memory_space<hbm>>
      %dma_wait3A_53 = tpu.memref_squeeze %dma_wait3A_52 : memref<1x1x128xi32, #tpu.memory_space<hbm>> -> memref<128xi32, #tpu.memory_space<hbm>>
      %dma_wait3A_54 = arith.constant 0 : i32
      %dma_wait3A_55 = tpu.memref_slice %arg6[%run_scoped3A_12, %dma_wait3A_54] : memref<2x128xi32, #tpu.memory_space<vmem>> -> memref<1x128xi32, #tpu.memory_space<vmem>>
      %dma_wait3A_56 = tpu.memref_squeeze %dma_wait3A_55 : memref<1x128xi32, #tpu.memory_space<vmem>> -> memref<128xi32, #tpu.memory_space<vmem>>
      %dma_wait3A_57 = arith.constant 0 : i32
      %dma_wait3A_58 = tpu.memref_slice %arg3[%add3A, %run_scoped3A, %dma_wait3A_57] : memref<32x80x128xi32, #tpu.memory_space<hbm>> -> memref<1x1x128xi32, #tpu.memory_space<hbm>>
      %dma_wait3A_59 = tpu.memref_squeeze %dma_wait3A_58 : memref<1x1x128xi32, #tpu.memory_space<hbm>> -> memref<128xi32, #tpu.memory_space<hbm>>
      tpu.wait_dma2 semaphore(%run_scoped3A_36 : memref<!tpu.dma_semaphore, #tpu.memory_space<semaphore_mem>>) src(%dma_wait3A_59 : memref<128xi32, #tpu.memory_space<hbm>>) dst(%dma_wait3A_56 : memref<128xi32, #tpu.memory_space<vmem>>)
      tpu.yield
    }) : () -> ()
    %run_scoped3A_13 = arith.constant 0 : i32
    %run_scoped3A_14 = arith.constant 0 : i32
    "tpu.region"() ({
      %run_scoped3A_36 = tpu.sem_alloc : memref<!tpu.dma_semaphore, #tpu.memory_space<semaphore_mem>>
      %dma_start3A_37 = arith.constant 0 : i32
      %dma_start3A_38 = tpu.memref_slice %arg7[%run_scoped3A_14, %dma_start3A_37] : memref<2x128xi32, #tpu.memory_space<vmem>> -> memref<1x128xi32, #tpu.memory_space<vmem>>
      %dma_start3A_39 = tpu.memref_squeeze %dma_start3A_38 : memref<1x128xi32, #tpu.memory_space<vmem>> -> memref<128xi32, #tpu.memory_space<vmem>>
      %dma_start3A_40 = arith.constant 0 : i32
      %dma_start3A_41 = tpu.memref_slice %arg4[%add3A, %run_scoped3A_13, %dma_start3A_40] : memref<32x80x128xi32, #tpu.memory_space<hbm>> -> memref<1x1x128xi32, #tpu.memory_space<hbm>>
      %dma_start3A_42 = tpu.memref_squeeze %dma_start3A_41 : memref<1x1x128xi32, #tpu.memory_space<hbm>> -> memref<128xi32, #tpu.memory_space<hbm>>
      %dma_start3A_43 = arith.constant 0 : i32
      %dma_start3A_44 = tpu.memref_slice %arg7[%run_scoped3A_14, %dma_start3A_43] : memref<2x128xi32, #tpu.memory_space<vmem>> -> memref<1x128xi32, #tpu.memory_space<vmem>>
      %dma_start3A_45 = tpu.memref_squeeze %dma_start3A_44 : memref<1x128xi32, #tpu.memory_space<vmem>> -> memref<128xi32, #tpu.memory_space<vmem>>
      %dma_start3A_46 = arith.constant 0 : i32
      %dma_start3A_47 = tpu.memref_slice %arg4[%add3A, %run_scoped3A_13, %dma_start3A_46] : memref<32x80x128xi32, #tpu.memory_space<hbm>> -> memref<1x1x128xi32, #tpu.memory_space<hbm>>
      %dma_start3A_48 = tpu.memref_squeeze %dma_start3A_47 : memref<1x1x128xi32, #tpu.memory_space<hbm>> -> memref<128xi32, #tpu.memory_space<hbm>>
      tpu.enqueue_dma source(%dma_start3A_48 : memref<128xi32, #tpu.memory_space<hbm>>) target(%dma_start3A_45 : memref<128xi32, #tpu.memory_space<vmem>>) target_semaphore(%run_scoped3A_36 : memref<!tpu.dma_semaphore, #tpu.memory_space<semaphore_mem>>)
      %dma_wait3A = arith.constant 0 : i32
      %dma_wait3A_49 = tpu.memref_slice %arg7[%run_scoped3A_14, %dma_wait3A] : memref<2x128xi32, #tpu.memory_space<vmem>> -> memref<1x128xi32, #tpu.memory_space<vmem>>
      %dma_wait3A_50 = tpu.memref_squeeze %dma_wait3A_49 : memref<1x128xi32, #tpu.memory_space<vmem>> -> memref<128xi32, #tpu.memory_space<vmem>>
      %dma_wait3A_51 = arith.constant 0 : i32
      %dma_wait3A_52 = tpu.memref_slice %arg4[%add3A, %run_scoped3A_13, %dma_wait3A_51] : memref<32x80x128xi32, #tpu.memory_space<hbm>> -> memref<1x1x128xi32, #tpu.memory_space<hbm>>
      %dma_wait3A_53 = tpu.memref_squeeze %dma_wait3A_52 : memref<1x1x128xi32, #tpu.memory_space<hbm>> -> memref<128xi32, #tpu.memory_space<hbm>>
      %dma_wait3A_54 = arith.constant 0 : i32
      %dma_wait3A_55 = tpu.memref_slice %arg7[%run_scoped3A_14, %dma_wait3A_54] : memref<2x128xi32, #tpu.memory_space<vmem>> -> memref<1x128xi32, #tpu.memory_space<vmem>>
      %dma_wait3A_56 = tpu.memref_squeeze %dma_wait3A_55 : memref<1x128xi32, #tpu.memory_space<vmem>> -> memref<128xi32, #tpu.memory_space<vmem>>
      %dma_wait3A_57 = arith.constant 0 : i32
      %dma_wait3A_58 = tpu.memref_slice %arg4[%add3A, %run_scoped3A_13, %dma_wait3A_57] : memref<32x80x128xi32, #tpu.memory_space<hbm>> -> memref<1x1x128xi32, #tpu.memory_space<hbm>>
      %dma_wait3A_59 = tpu.memref_squeeze %dma_wait3A_58 : memref<1x1x128xi32, #tpu.memory_space<hbm>> -> memref<128xi32, #tpu.memory_space<hbm>>
      tpu.wait_dma2 semaphore(%run_scoped3A_36 : memref<!tpu.dma_semaphore, #tpu.memory_space<semaphore_mem>>) src(%dma_wait3A_59 : memref<128xi32, #tpu.memory_space<hbm>>) dst(%dma_wait3A_56 : memref<128xi32, #tpu.memory_space<vmem>>)
      tpu.yield
    }) : () -> ()
    %run_scoped3A_15 = arith.constant 1 : i32
    %run_scoped3A_16 = arith.constant 1 : i32
    "tpu.region"() ({
      %run_scoped3A_36 = tpu.sem_alloc : memref<!tpu.dma_semaphore, #tpu.memory_space<semaphore_mem>>
      %dma_start3A_37 = arith.constant 0 : i32
      %dma_start3A_38 = tpu.memref_slice %arg6[%run_scoped3A_16, %dma_start3A_37] : memref<2x128xi32, #tpu.memory_space<vmem>> -> memref<1x128xi32, #tpu.memory_space<vmem>>
      %dma_start3A_39 = tpu.memref_squeeze %dma_start3A_38 : memref<1x128xi32, #tpu.memory_space<vmem>> -> memref<128xi32, #tpu.memory_space<vmem>>
      %dma_start3A_40 = arith.constant 0 : i32
      %dma_start3A_41 = tpu.memref_slice %arg3[%add3A, %run_scoped3A_15, %dma_start3A_40] : memref<32x80x128xi32, #tpu.memory_space<hbm>> -> memref<1x1x128xi32, #tpu.memory_space<hbm>>
      %dma_start3A_42 = tpu.memref_squeeze %dma_start3A_41 : memref<1x1x128xi32, #tpu.memory_space<hbm>> -> memref<128xi32, #tpu.memory_space<hbm>>
      %dma_start3A_43 = arith.constant 0 : i32
      %dma_start3A_44 = tpu.memref_slice %arg6[%run_scoped3A_16, %dma_start3A_43] : memref<2x128xi32, #tpu.memory_space<vmem>> -> memref<1x128xi32, #tpu.memory_space<vmem>>
      %dma_start3A_45 = tpu.memref_squeeze %dma_start3A_44 : memref<1x128xi32, #tpu.memory_space<vmem>> -> memref<128xi32, #tpu.memory_space<vmem>>
      %dma_start3A_46 = arith.constant 0 : i32
      %dma_start3A_47 = tpu.memref_slice %arg3[%add3A, %run_scoped3A_15, %dma_start3A_46] : memref<32x80x128xi32, #tpu.memory_space<hbm>> -> memref<1x1x128xi32, #tpu.memory_space<hbm>>
      %dma_start3A_48 = tpu.memref_squeeze %dma_start3A_47 : memref<1x1x128xi32, #tpu.memory_space<hbm>> -> memref<128xi32, #tpu.memory_space<hbm>>
      tpu.enqueue_dma source(%dma_start3A_48 : memref<128xi32, #tpu.memory_space<hbm>>) target(%dma_start3A_45 : memref<128xi32, #tpu.memory_space<vmem>>) target_semaphore(%run_scoped3A_36 : memref<!tpu.dma_semaphore, #tpu.memory_space<semaphore_mem>>)
      %dma_wait3A = arith.constant 0 : i32
      %dma_wait3A_49 = tpu.memref_slice %arg6[%run_scoped3A_16, %dma_wait3A] : memref<2x128xi32, #tpu.memory_space<vmem>> -> memref<1x128xi32, #tpu.memory_space<vmem>>
      %dma_wait3A_50 = tpu.memref_squeeze %dma_wait3A_49 : memref<1x128xi32, #tpu.memory_space<vmem>> -> memref<128xi32, #tpu.memory_space<vmem>>
      %dma_wait3A_51 = arith.constant 0 : i32
      %dma_wait3A_52 = tpu.memref_slice %arg3[%add3A, %run_scoped3A_15, %dma_wait3A_51] : memref<32x80x128xi32, #tpu.memory_space<hbm>> -> memref<1x1x128xi32, #tpu.memory_space<hbm>>
      %dma_wait3A_53 = tpu.memref_squeeze %dma_wait3A_52 : memref<1x1x128xi32, #tpu.memory_space<hbm>> -> memref<128xi32, #tpu.memory_space<hbm>>
      %dma_wait3A_54 = arith.constant 0 : i32
      %dma_wait3A_55 = tpu.memref_slice %arg6[%run_scoped3A_16, %dma_wait3A_54] : memref<2x128xi32, #tpu.memory_space<vmem>> -> memref<1x128xi32, #tpu.memory_space<vmem>>
      %dma_wait3A_56 = tpu.memref_squeeze %dma_wait3A_55 : memref<1x128xi32, #tpu.memory_space<vmem>> -> memref<128xi32, #tpu.memory_space<vmem>>
      %dma_wait3A_57 = arith.constant 0 : i32
      %dma_wait3A_58 = tpu.memref_slice %arg3[%add3A, %run_scoped3A_15, %dma_wait3A_57] : memref<32x80x128xi32, #tpu.memory_space<hbm>> -> memref<1x1x128xi32, #tpu.memory_space<hbm>>
      %dma_wait3A_59 = tpu.memref_squeeze %dma_wait3A_58 : memref<1x1x128xi32, #tpu.memory_space<hbm>> -> memref<128xi32, #tpu.memory_space<hbm>>
      tpu.wait_dma2 semaphore(%run_scoped3A_36 : memref<!tpu.dma_semaphore, #tpu.memory_space<semaphore_mem>>) src(%dma_wait3A_59 : memref<128xi32, #tpu.memory_space<hbm>>) dst(%dma_wait3A_56 : memref<128xi32, #tpu.memory_space<vmem>>)
      tpu.yield
    }) : () -> ()
    %run_scoped3A_17 = arith.constant 1 : i32
    %run_scoped3A_18 = arith.constant 1 : i32
    "tpu.region"() ({
      %run_scoped3A_36 = tpu.sem_alloc : memref<!tpu.dma_semaphore, #tpu.memory_space<semaphore_mem>>
      %dma_start3A_37 = arith.constant 0 : i32
      %dma_start3A_38 = tpu.memref_slice %arg7[%run_scoped3A_18, %dma_start3A_37] : memref<2x128xi32, #tpu.memory_space<vmem>> -> memref<1x128xi32, #tpu.memory_space<vmem>>
      %dma_start3A_39 = tpu.memref_squeeze %dma_start3A_38 : memref<1x128xi32, #tpu.memory_space<vmem>> -> memref<128xi32, #tpu.memory_space<vmem>>
      %dma_start3A_40 = arith.constant 0 : i32
      %dma_start3A_41 = tpu.memref_slice %arg4[%add3A, %run_scoped3A_17, %dma_start3A_40] : memref<32x80x128xi32, #tpu.memory_space<hbm>> -> memref<1x1x128xi32, #tpu.memory_space<hbm>>
      %dma_start3A_42 = tpu.memref_squeeze %dma_start3A_41 : memref<1x1x128xi32, #tpu.memory_space<hbm>> -> memref<128xi32, #tpu.memory_space<hbm>>
      %dma_start3A_43 = arith.constant 0 : i32
      %dma_start3A_44 = tpu.memref_slice %arg7[%run_scoped3A_18, %dma_start3A_43] : memref<2x128xi32, #tpu.memory_space<vmem>> -> memref<1x128xi32, #tpu.memory_space<vmem>>
      %dma_start3A_45 = tpu.memref_squeeze %dma_start3A_44 : memref<1x128xi32, #tpu.memory_space<vmem>> -> memref<128xi32, #tpu.memory_space<vmem>>
      %dma_start3A_46 = arith.constant 0 : i32
      %dma_start3A_47 = tpu.memref_slice %arg4[%add3A, %run_scoped3A_17, %dma_start3A_46] : memref<32x80x128xi32, #tpu.memory_space<hbm>> -> memref<1x1x128xi32, #tpu.memory_space<hbm>>
      %dma_start3A_48 = tpu.memref_squeeze %dma_start3A_47 : memref<1x1x128xi32, #tpu.memory_space<hbm>> -> memref<128xi32, #tpu.memory_space<hbm>>
      tpu.enqueue_dma source(%dma_start3A_48 : memref<128xi32, #tpu.memory_space<hbm>>) target(%dma_start3A_45 : memref<128xi32, #tpu.memory_space<vmem>>) target_semaphore(%run_scoped3A_36 : memref<!tpu.dma_semaphore, #tpu.memory_space<semaphore_mem>>)
      %dma_wait3A = arith.constant 0 : i32
      %dma_wait3A_49 = tpu.memref_slice %arg7[%run_scoped3A_18, %dma_wait3A] : memref<2x128xi32, #tpu.memory_space<vmem>> -> memref<1x128xi32, #tpu.memory_space<vmem>>
      %dma_wait3A_50 = tpu.memref_squeeze %dma_wait3A_49 : memref<1x128xi32, #tpu.memory_space<vmem>> -> memref<128xi32, #tpu.memory_space<vmem>>
      %dma_wait3A_51 = arith.constant 0 : i32
      %dma_wait3A_52 = tpu.memref_slice %arg4[%add3A, %run_scoped3A_17, %dma_wait3A_51] : memref<32x80x128xi32, #tpu.memory_space<hbm>> -> memref<1x1x128xi32, #tpu.memory_space<hbm>>
      %dma_wait3A_53 = tpu.memref_squeeze %dma_wait3A_52 : memref<1x1x128xi32, #tpu.memory_space<hbm>> -> memref<128xi32, #tpu.memory_space<hbm>>
      %dma_wait3A_54 = arith.constant 0 : i32
      %dma_wait3A_55 = tpu.memref_slice %arg7[%run_scoped3A_18, %dma_wait3A_54] : memref<2x128xi32, #tpu.memory_space<vmem>> -> memref<1x128xi32, #tpu.memory_space<vmem>>
      %dma_wait3A_56 = tpu.memref_squeeze %dma_wait3A_55 : memref<1x128xi32, #tpu.memory_space<vmem>> -> memref<128xi32, #tpu.memory_space<vmem>>
      %dma_wait3A_57 = arith.constant 0 : i32
      %dma_wait3A_58 = tpu.memref_slice %arg4[%add3A, %run_scoped3A_17, %dma_wait3A_57] : memref<32x80x128xi32, #tpu.memory_space<hbm>> -> memref<1x1x128xi32, #tpu.memory_space<hbm>>
      %dma_wait3A_59 = tpu.memref_squeeze %dma_wait3A_58 : memref<1x1x128xi32, #tpu.memory_space<hbm>> -> memref<128xi32, #tpu.memory_space<hbm>>
      tpu.wait_dma2 semaphore(%run_scoped3A_36 : memref<!tpu.dma_semaphore, #tpu.memory_space<semaphore_mem>>) src(%dma_wait3A_59 : memref<128xi32, #tpu.memory_space<hbm>>) dst(%dma_wait3A_56 : memref<128xi32, #tpu.memory_space<vmem>>)
      tpu.yield
    }) : () -> ()
    %dma_start3A = arith.constant 0 : i32
    %dma_start3A_19 = arith.constant 0 : i32
    %dma_start3A_20 = tpu.memref_slice %arg6[%dma_start3A, %dma_start3A_19] : memref<2x128xi32, #tpu.memory_space<vmem>> -> memref<1x128xi32, #tpu.memory_space<vmem>>
    %dma_start3A_21 = tpu.memref_squeeze %dma_start3A_20 : memref<1x128xi32, #tpu.memory_space<vmem>> -> memref<128xi32, #tpu.memory_space<vmem>>
    %dma_start3A_22 = arith.constant 0 : i32
    %dma_start3A_23 = arith.constant 0 : i32
    %dma_start3A_24 = tpu.memref_slice %arg2[%dma_start3A_22, %dma_start3A_23] : memref<10000x128xf32, #tpu.memory_space<hbm>> -> memref<10000x128xf32, #tpu.memory_space<hbm>>
    tpu.enqueue_indirect_dma source(%dma_start3A_24 : memref<10000x128xf32, #tpu.memory_space<hbm>>) target(%arg8 : memref<128x128xf32, #tpu.memory_space<vmem>>) offsets(%dma_start3A_21 : memref<128xi32, #tpu.memory_space<vmem>>) semaphore(%arg11 : memref<!tpu.dma_semaphore, #tpu.memory_space<semaphore_mem>>)
    %scan3A_25 = arith.constant 0 : i32
    %scan3A_26 = arith.constant 0 : i32
    %scan3A_27 = arith.constant 40 : i32
    %scan3A_28 = arith.addi %scan3A_26, %scan3A_27 : i32
    %scan3A_29 = arith.constant 1 : i32
    scf.for %scan3A_36 = %scan3A_26 to %scan3A_28 step %scan3A_29  : i32 {
      %mul3A_37 = arith.constant 2 : i32
      %mul3A_38 = arith.muli %mul3A_37, %scan3A_36 : i32
      %add3A_39 = arith.constant 1 : i32
      %add3A_40 = arith.addi %mul3A_38, %add3A_39 : i32
      %dma_start3A_41 = arith.constant 1 : i32
      %dma_start3A_42 = arith.constant 0 : i32
      %dma_start3A_43 = tpu.memref_slice %arg6[%dma_start3A_41, %dma_start3A_42] : memref<2x128xi32, #tpu.memory_space<vmem>> -> memref<1x128xi32, #tpu.memory_space<vmem>>
      %dma_start3A_44 = tpu.memref_squeeze %dma_start3A_43 : memref<1x128xi32, #tpu.memory_space<vmem>> -> memref<128xi32, #tpu.memory_space<vmem>>
      %dma_start3A_45 = arith.constant 0 : i32
      %dma_start3A_46 = arith.constant 0 : i32
      %dma_start3A_47 = tpu.memref_slice %arg2[%dma_start3A_45, %dma_start3A_46] : memref<10000x128xf32, #tpu.memory_space<hbm>> -> memref<10000x128xf32, #tpu.memory_space<hbm>>
      tpu.enqueue_indirect_dma source(%dma_start3A_47 : memref<10000x128xf32, #tpu.memory_space<hbm>>) target(%arg9 : memref<128x128xf32, #tpu.memory_space<vmem>>) offsets(%dma_start3A_44 : memref<128xi32, #tpu.memory_space<vmem>>) semaphore(%arg12 : memref<!tpu.dma_semaphore, #tpu.memory_space<semaphore_mem>>)
      %dma_wait3A = arith.constant 0 : i32
      %dma_wait3A_48 = arith.constant 0 : i32
      %dma_wait3A_49 = tpu.memref_slice %arg6[%dma_wait3A, %dma_wait3A_48] : memref<2x128xi32, #tpu.memory_space<vmem>> -> memref<1x128xi32, #tpu.memory_space<vmem>>
      %dma_wait3A_50 = tpu.memref_squeeze %dma_wait3A_49 : memref<1x128xi32, #tpu.memory_space<vmem>> -> memref<128xi32, #tpu.memory_space<vmem>>
      %dma_wait3A_51 = arith.constant 0 : i32
      %dma_wait3A_52 = arith.constant 0 : i32
      %dma_wait3A_53 = tpu.memref_slice %arg2[%dma_wait3A_51, %dma_wait3A_52] : memref<10000x128xf32, #tpu.memory_space<hbm>> -> memref<10000x128xf32, #tpu.memory_space<hbm>>
      tpu.wait_indirect_dma semaphore(%arg11 : memref<!tpu.dma_semaphore, #tpu.memory_space<semaphore_mem>>) src(%dma_wait3A_53 : memref<10000x128xf32, #tpu.memory_space<hbm>>) dst(%arg8 : memref<128x128xf32, #tpu.memory_space<vmem>>)
      %run_scoped3A_54 = arith.constant 0 : i32
      "tpu.region"() ({
        %run_scoped3A_74 = tpu.sem_alloc : memref<!tpu.dma_semaphore, #tpu.memory_space<semaphore_mem>>
        %dma_start3A_75 = arith.constant 0 : i32
        %dma_start3A_76 = tpu.memref_slice %arg7[%run_scoped3A_54, %dma_start3A_75] : memref<2x128xi32, #tpu.memory_space<vmem>> -> memref<1x128xi32, #tpu.memory_space<vmem>>
        %dma_start3A_77 = tpu.memref_squeeze %dma_start3A_76 : memref<1x128xi32, #tpu.memory_space<vmem>> -> memref<128xi32, #tpu.memory_space<vmem>>
        %dma_start3A_78 = arith.constant 0 : i32
        %dma_start3A_79 = arith.constant 0 : i32
        %dma_start3A_80 = tpu.memref_slice %arg10[%dma_start3A_78, %dma_start3A_79] : memref<10112x128xf32, #tpu.memory_space<vmem_shared>> -> memref<10112x128xf32, #tpu.memory_space<vmem_shared>>
        tpu.enqueue_indirect_dma source(%arg8 : memref<128x128xf32, #tpu.memory_space<vmem>>) target(%dma_start3A_80 : memref<10112x128xf32, #tpu.memory_space<vmem_shared>>) offsets(%dma_start3A_77 : memref<128xi32, #tpu.memory_space<vmem>>) semaphore(%run_scoped3A_74 : memref<!tpu.dma_semaphore, #tpu.memory_space<semaphore_mem>>) {add = true}
        %dma_wait3A_81 = arith.constant 0 : i32
        %dma_wait3A_82 = tpu.memref_slice %arg7[%run_scoped3A_54, %dma_wait3A_81] : memref<2x128xi32, #tpu.memory_space<vmem>> -> memref<1x128xi32, #tpu.memory_space<vmem>>
        %dma_wait3A_83 = tpu.memref_squeeze %dma_wait3A_82 : memref<1x128xi32, #tpu.memory_space<vmem>> -> memref<128xi32, #tpu.memory_space<vmem>>
        %dma_wait3A_84 = arith.constant 0 : i32
        %dma_wait3A_85 = arith.constant 0 : i32
        %dma_wait3A_86 = tpu.memref_slice %arg10[%dma_wait3A_84, %dma_wait3A_85] : memref<10112x128xf32, #tpu.memory_space<vmem_shared>> -> memref<10112x128xf32, #tpu.memory_space<vmem_shared>>
        tpu.wait_indirect_dma semaphore(%run_scoped3A_74 : memref<!tpu.dma_semaphore, #tpu.memory_space<semaphore_mem>>) src(%arg8 : memref<128x128xf32, #tpu.memory_space<vmem>>) dst(%dma_wait3A_86 : memref<10112x128xf32, #tpu.memory_space<vmem_shared>>)
        tpu.yield
      }) : () -> ()
      %add3A_55 = arith.constant 1 : i32
      %add3A_56 = arith.addi %scan3A_36, %add3A_55 : i32
      %lt3A = arith.constant 40 : i32
      %lt3A_57 = arith.cmpi slt, %add3A_56, %lt3A : i32
      %convert_element_type3A = arith.extui %lt3A_57 : i1 to i32
      %cond3A = arith.constant 0 : i32
      %cond3A_58 = arith.cmpi ne, %convert_element_type3A, %cond3A : i32
      scf.if %cond3A_58 {
        %add3A_74 = arith.constant 2 : i32
        %add3A_75 = arith.addi %mul3A_38, %add3A_74 : i32
        %run_scoped3A_76 = arith.constant 0 : i32
        "tpu.region"() ({
          %run_scoped3A_87 = tpu.sem_alloc : memref<!tpu.dma_semaphore, #tpu.memory_space<semaphore_mem>>
          %dma_start3A_88 = arith.constant 0 : i32
          %dma_start3A_89 = tpu.memref_slice %arg6[%run_scoped3A_76, %dma_start3A_88] : memref<2x128xi32, #tpu.memory_space<vmem>> -> memref<1x128xi32, #tpu.memory_space<vmem>>
          %dma_start3A_90 = tpu.memref_squeeze %dma_start3A_89 : memref<1x128xi32, #tpu.memory_space<vmem>> -> memref<128xi32, #tpu.memory_space<vmem>>
          %dma_start3A_91 = arith.constant 0 : i32
          %dma_start3A_92 = tpu.memref_slice %arg3[%add3A, %add3A_75, %dma_start3A_91] : memref<32x80x128xi32, #tpu.memory_space<hbm>> -> memref<1x1x128xi32, #tpu.memory_space<hbm>>
          %dma_start3A_93 = tpu.memref_squeeze %dma_start3A_92 : memref<1x1x128xi32, #tpu.memory_space<hbm>> -> memref<128xi32, #tpu.memory_space<hbm>>
          %dma_start3A_94 = arith.constant 0 : i32
          %dma_start3A_95 = tpu.memref_slice %arg6[%run_scoped3A_76, %dma_start3A_94] : memref<2x128xi32, #tpu.memory_space<vmem>> -> memref<1x128xi32, #tpu.memory_space<vmem>>
          %dma_start3A_96 = tpu.memref_squeeze %dma_start3A_95 : memref<1x128xi32, #tpu.memory_space<vmem>> -> memref<128xi32, #tpu.memory_space<vmem>>
          %dma_start3A_97 = arith.constant 0 : i32
          %dma_start3A_98 = tpu.memref_slice %arg3[%add3A, %add3A_75, %dma_start3A_97] : memref<32x80x128xi32, #tpu.memory_space<hbm>> -> memref<1x1x128xi32, #tpu.memory_space<hbm>>
          %dma_start3A_99 = tpu.memref_squeeze %dma_start3A_98 : memref<1x1x128xi32, #tpu.memory_space<hbm>> -> memref<128xi32, #tpu.memory_space<hbm>>
          tpu.enqueue_dma source(%dma_start3A_99 : memref<128xi32, #tpu.memory_space<hbm>>) target(%dma_start3A_96 : memref<128xi32, #tpu.memory_space<vmem>>) target_semaphore(%run_scoped3A_87 : memref<!tpu.dma_semaphore, #tpu.memory_space<semaphore_mem>>)
          %dma_wait3A_100 = arith.constant 0 : i32
          %dma_wait3A_101 = tpu.memref_slice %arg6[%run_scoped3A_76, %dma_wait3A_100] : memref<2x128xi32, #tpu.memory_space<vmem>> -> memref<1x128xi32, #tpu.memory_space<vmem>>
          %dma_wait3A_102 = tpu.memref_squeeze %dma_wait3A_101 : memref<1x128xi32, #tpu.memory_space<vmem>> -> memref<128xi32, #tpu.memory_space<vmem>>
          %dma_wait3A_103 = arith.constant 0 : i32
          %dma_wait3A_104 = tpu.memref_slice %arg3[%add3A, %add3A_75, %dma_wait3A_103] : memref<32x80x128xi32, #tpu.memory_space<hbm>> -> memref<1x1x128xi32, #tpu.memory_space<hbm>>
          %dma_wait3A_105 = tpu.memref_squeeze %dma_wait3A_104 : memref<1x1x128xi32, #tpu.memory_space<hbm>> -> memref<128xi32, #tpu.memory_space<hbm>>
          %dma_wait3A_106 = arith.constant 0 : i32
          %dma_wait3A_107 = tpu.memref_slice %arg6[%run_scoped3A_76, %dma_wait3A_106] : memref<2x128xi32, #tpu.memory_space<vmem>> -> memref<1x128xi32, #tpu.memory_space<vmem>>
          %dma_wait3A_108 = tpu.memref_squeeze %dma_wait3A_107 : memref<1x128xi32, #tpu.memory_space<vmem>> -> memref<128xi32, #tpu.memory_space<vmem>>
          %dma_wait3A_109 = arith.constant 0 : i32
          %dma_wait3A_110 = tpu.memref_slice %arg3[%add3A, %add3A_75, %dma_wait3A_109] : memref<32x80x128xi32, #tpu.memory_space<hbm>> -> memref<1x1x128xi32, #tpu.memory_space<hbm>>
          %dma_wait3A_111 = tpu.memref_squeeze %dma_wait3A_110 : memref<1x1x128xi32, #tpu.memory_space<hbm>> -> memref<128xi32, #tpu.memory_space<hbm>>
          tpu.wait_dma2 semaphore(%run_scoped3A_87 : memref<!tpu.dma_semaphore, #tpu.memory_space<semaphore_mem>>) src(%dma_wait3A_111 : memref<128xi32, #tpu.memory_space<hbm>>) dst(%dma_wait3A_108 : memref<128xi32, #tpu.memory_space<vmem>>)
          tpu.yield
        }) : () -> ()
        %add3A_77 = arith.constant 2 : i32
        %add3A_78 = arith.addi %mul3A_38, %add3A_77 : i32
        %run_scoped3A_79 = arith.constant 0 : i32
        "tpu.region"() ({
          %run_scoped3A_87 = tpu.sem_alloc : memref<!tpu.dma_semaphore, #tpu.memory_space<semaphore_mem>>
          %dma_start3A_88 = arith.constant 0 : i32
          %dma_start3A_89 = tpu.memref_slice %arg7[%run_scoped3A_79, %dma_start3A_88] : memref<2x128xi32, #tpu.memory_space<vmem>> -> memref<1x128xi32, #tpu.memory_space<vmem>>
          %dma_start3A_90 = tpu.memref_squeeze %dma_start3A_89 : memref<1x128xi32, #tpu.memory_space<vmem>> -> memref<128xi32, #tpu.memory_space<vmem>>
          %dma_start3A_91 = arith.constant 0 : i32
          %dma_start3A_92 = tpu.memref_slice %arg4[%add3A, %add3A_78, %dma_start3A_91] : memref<32x80x128xi32, #tpu.memory_space<hbm>> -> memref<1x1x128xi32, #tpu.memory_space<hbm>>
          %dma_start3A_93 = tpu.memref_squeeze %dma_start3A_92 : memref<1x1x128xi32, #tpu.memory_space<hbm>> -> memref<128xi32, #tpu.memory_space<hbm>>
          %dma_start3A_94 = arith.constant 0 : i32
          %dma_start3A_95 = tpu.memref_slice %arg7[%run_scoped3A_79, %dma_start3A_94] : memref<2x128xi32, #tpu.memory_space<vmem>> -> memref<1x128xi32, #tpu.memory_space<vmem>>
          %dma_start3A_96 = tpu.memref_squeeze %dma_start3A_95 : memref<1x128xi32, #tpu.memory_space<vmem>> -> memref<128xi32, #tpu.memory_space<vmem>>
          %dma_start3A_97 = arith.constant 0 : i32
          %dma_start3A_98 = tpu.memref_slice %arg4[%add3A, %add3A_78, %dma_start3A_97] : memref<32x80x128xi32, #tpu.memory_space<hbm>> -> memref<1x1x128xi32, #tpu.memory_space<hbm>>
          %dma_start3A_99 = tpu.memref_squeeze %dma_start3A_98 : memref<1x1x128xi32, #tpu.memory_space<hbm>> -> memref<128xi32, #tpu.memory_space<hbm>>
          tpu.enqueue_dma source(%dma_start3A_99 : memref<128xi32, #tpu.memory_space<hbm>>) target(%dma_start3A_96 : memref<128xi32, #tpu.memory_space<vmem>>) target_semaphore(%run_scoped3A_87 : memref<!tpu.dma_semaphore, #tpu.memory_space<semaphore_mem>>)
          %dma_wait3A_100 = arith.constant 0 : i32
          %dma_wait3A_101 = tpu.memref_slice %arg7[%run_scoped3A_79, %dma_wait3A_100] : memref<2x128xi32, #tpu.memory_space<vmem>> -> memref<1x128xi32, #tpu.memory_space<vmem>>
          %dma_wait3A_102 = tpu.memref_squeeze %dma_wait3A_101 : memref<1x128xi32, #tpu.memory_space<vmem>> -> memref<128xi32, #tpu.memory_space<vmem>>
          %dma_wait3A_103 = arith.constant 0 : i32
          %dma_wait3A_104 = tpu.memref_slice %arg4[%add3A, %add3A_78, %dma_wait3A_103] : memref<32x80x128xi32, #tpu.memory_space<hbm>> -> memref<1x1x128xi32, #tpu.memory_space<hbm>>
          %dma_wait3A_105 = tpu.memref_squeeze %dma_wait3A_104 : memref<1x1x128xi32, #tpu.memory_space<hbm>> -> memref<128xi32, #tpu.memory_space<hbm>>
          %dma_wait3A_106 = arith.constant 0 : i32
          %dma_wait3A_107 = tpu.memref_slice %arg7[%run_scoped3A_79, %dma_wait3A_106] : memref<2x128xi32, #tpu.memory_space<vmem>> -> memref<1x128xi32, #tpu.memory_space<vmem>>
          %dma_wait3A_108 = tpu.memref_squeeze %dma_wait3A_107 : memref<1x128xi32, #tpu.memory_space<vmem>> -> memref<128xi32, #tpu.memory_space<vmem>>
          %dma_wait3A_109 = arith.constant 0 : i32
          %dma_wait3A_110 = tpu.memref_slice %arg4[%add3A, %add3A_78, %dma_wait3A_109] : memref<32x80x128xi32, #tpu.memory_space<hbm>> -> memref<1x1x128xi32, #tpu.memory_space<hbm>>
          %dma_wait3A_111 = tpu.memref_squeeze %dma_wait3A_110 : memref<1x1x128xi32, #tpu.memory_space<hbm>> -> memref<128xi32, #tpu.memory_space<hbm>>
          tpu.wait_dma2 semaphore(%run_scoped3A_87 : memref<!tpu.dma_semaphore, #tpu.memory_space<semaphore_mem>>) src(%dma_wait3A_111 : memref<128xi32, #tpu.memory_space<hbm>>) dst(%dma_wait3A_108 : memref<128xi32, #tpu.memory_space<vmem>>)
          tpu.yield
        }) : () -> ()
        %dma_start3A_80 = arith.constant 0 : i32
        %dma_start3A_81 = arith.constant 0 : i32
        %dma_start3A_82 = tpu.memref_slice %arg6[%dma_start3A_80, %dma_start3A_81] : memref<2x128xi32, #tpu.memory_space<vmem>> -> memref<1x128xi32, #tpu.memory_space<vmem>>
        %dma_start3A_83 = tpu.memref_squeeze %dma_start3A_82 : memref<1x128xi32, #tpu.memory_space<vmem>> -> memref<128xi32, #tpu.memory_space<vmem>>
        %dma_start3A_84 = arith.constant 0 : i32
        %dma_start3A_85 = arith.constant 0 : i32
        %dma_start3A_86 = tpu.memref_slice %arg2[%dma_start3A_84, %dma_start3A_85] : memref<10000x128xf32, #tpu.memory_space<hbm>> -> memref<10000x128xf32, #tpu.memory_space<hbm>>
        tpu.enqueue_indirect_dma source(%dma_start3A_86 : memref<10000x128xf32, #tpu.memory_space<hbm>>) target(%arg8 : memref<128x128xf32, #tpu.memory_space<vmem>>) offsets(%dma_start3A_83 : memref<128xi32, #tpu.memory_space<vmem>>) semaphore(%arg11 : memref<!tpu.dma_semaphore, #tpu.memory_space<semaphore_mem>>)
      } else {
      }
      %dma_wait3A_59 = arith.constant 1 : i32
      %dma_wait3A_60 = arith.constant 0 : i32
      %dma_wait3A_61 = tpu.memref_slice %arg6[%dma_wait3A_59, %dma_wait3A_60] : memref<2x128xi32, #tpu.memory_space<vmem>> -> memref<1x128xi32, #tpu.memory_space<vmem>>
      %dma_wait3A_62 = tpu.memref_squeeze %dma_wait3A_61 : memref<1x128xi32, #tpu.memory_space<vmem>> -> memref<128xi32, #tpu.memory_space<vmem>>
      %dma_wait3A_63 = arith.constant 0 : i32
      %dma_wait3A_64 = arith.constant 0 : i32
      %dma_wait3A_65 = tpu.memref_slice %arg2[%dma_wait3A_63, %dma_wait3A_64] : memref<10000x128xf32, #tpu.memory_space<hbm>> -> memref<10000x128xf32, #tpu.memory_space<hbm>>
      tpu.wait_indirect_dma semaphore(%arg12 : memref<!tpu.dma_semaphore, #tpu.memory_space<semaphore_mem>>) src(%dma_wait3A_65 : memref<10000x128xf32, #tpu.memory_space<hbm>>) dst(%arg9 : memref<128x128xf32, #tpu.memory_space<vmem>>)
      %run_scoped3A_66 = arith.constant 1 : i32
      "tpu.region"() ({
        %run_scoped3A_74 = tpu.sem_alloc : memref<!tpu.dma_semaphore, #tpu.memory_space<semaphore_mem>>
        %dma_start3A_75 = arith.constant 0 : i32
        %dma_start3A_76 = tpu.memref_slice %arg7[%run_scoped3A_66, %dma_start3A_75] : memref<2x128xi32, #tpu.memory_space<vmem>> -> memref<1x128xi32, #tpu.memory_space<vmem>>
        %dma_start3A_77 = tpu.memref_squeeze %dma_start3A_76 : memref<1x128xi32, #tpu.memory_space<vmem>> -> memref<128xi32, #tpu.memory_space<vmem>>
        %dma_start3A_78 = arith.constant 0 : i32
        %dma_start3A_79 = arith.constant 0 : i32
        %dma_start3A_80 = tpu.memref_slice %arg10[%dma_start3A_78, %dma_start3A_79] : memref<10112x128xf32, #tpu.memory_space<vmem_shared>> -> memref<10112x128xf32, #tpu.memory_space<vmem_shared>>
        tpu.enqueue_indirect_dma source(%arg9 : memref<128x128xf32, #tpu.memory_space<vmem>>) target(%dma_start3A_80 : memref<10112x128xf32, #tpu.memory_space<vmem_shared>>) offsets(%dma_start3A_77 : memref<128xi32, #tpu.memory_space<vmem>>) semaphore(%run_scoped3A_74 : memref<!tpu.dma_semaphore, #tpu.memory_space<semaphore_mem>>) {add = true}
        %dma_wait3A_81 = arith.constant 0 : i32
        %dma_wait3A_82 = tpu.memref_slice %arg7[%run_scoped3A_66, %dma_wait3A_81] : memref<2x128xi32, #tpu.memory_space<vmem>> -> memref<1x128xi32, #tpu.memory_space<vmem>>
        %dma_wait3A_83 = tpu.memref_squeeze %dma_wait3A_82 : memref<1x128xi32, #tpu.memory_space<vmem>> -> memref<128xi32, #tpu.memory_space<vmem>>
        %dma_wait3A_84 = arith.constant 0 : i32
        %dma_wait3A_85 = arith.constant 0 : i32
        %dma_wait3A_86 = tpu.memref_slice %arg10[%dma_wait3A_84, %dma_wait3A_85] : memref<10112x128xf32, #tpu.memory_space<vmem_shared>> -> memref<10112x128xf32, #tpu.memory_space<vmem_shared>>
        tpu.wait_indirect_dma semaphore(%run_scoped3A_74 : memref<!tpu.dma_semaphore, #tpu.memory_space<semaphore_mem>>) src(%arg9 : memref<128x128xf32, #tpu.memory_space<vmem>>) dst(%dma_wait3A_86 : memref<10112x128xf32, #tpu.memory_space<vmem_shared>>)
        tpu.yield
      }) : () -> ()
      %add3A_67 = arith.constant 1 : i32
      %add3A_68 = arith.addi %scan3A_36, %add3A_67 : i32
      %lt3A_69 = arith.constant 40 : i32
      %lt3A_70 = arith.cmpi slt, %add3A_68, %lt3A_69 : i32
      %convert_element_type3A_71 = arith.extui %lt3A_70 : i1 to i32
      %cond3A_72 = arith.constant 0 : i32
      %cond3A_73 = arith.cmpi ne, %convert_element_type3A_71, %cond3A_72 : i32
      scf.if %cond3A_73 {
        %add3A_74 = arith.constant 2 : i32
        %add3A_75 = arith.addi %add3A_40, %add3A_74 : i32
        %run_scoped3A_76 = arith.constant 1 : i32
        "tpu.region"() ({
          %run_scoped3A_80 = tpu.sem_alloc : memref<!tpu.dma_semaphore, #tpu.memory_space<semaphore_mem>>
          %dma_start3A_81 = arith.constant 0 : i32
          %dma_start3A_82 = tpu.memref_slice %arg6[%run_scoped3A_76, %dma_start3A_81] : memref<2x128xi32, #tpu.memory_space<vmem>> -> memref<1x128xi32, #tpu.memory_space<vmem>>
          %dma_start3A_83 = tpu.memref_squeeze %dma_start3A_82 : memref<1x128xi32, #tpu.memory_space<vmem>> -> memref<128xi32, #tpu.memory_space<vmem>>
          %dma_start3A_84 = arith.constant 0 : i32
          %dma_start3A_85 = tpu.memref_slice %arg3[%add3A, %add3A_75, %dma_start3A_84] : memref<32x80x128xi32, #tpu.memory_space<hbm>> -> memref<1x1x128xi32, #tpu.memory_space<hbm>>
          %dma_start3A_86 = tpu.memref_squeeze %dma_start3A_85 : memref<1x1x128xi32, #tpu.memory_space<hbm>> -> memref<128xi32, #tpu.memory_space<hbm>>
          %dma_start3A_87 = arith.constant 0 : i32
          %dma_start3A_88 = tpu.memref_slice %arg6[%run_scoped3A_76, %dma_start3A_87] : memref<2x128xi32, #tpu.memory_space<vmem>> -> memref<1x128xi32, #tpu.memory_space<vmem>>
          %dma_start3A_89 = tpu.memref_squeeze %dma_start3A_88 : memref<1x128xi32, #tpu.memory_space<vmem>> -> memref<128xi32, #tpu.memory_space<vmem>>
          %dma_start3A_90 = arith.constant 0 : i32
          %dma_start3A_91 = tpu.memref_slice %arg3[%add3A, %add3A_75, %dma_start3A_90] : memref<32x80x128xi32, #tpu.memory_space<hbm>> -> memref<1x1x128xi32, #tpu.memory_space<hbm>>
          %dma_start3A_92 = tpu.memref_squeeze %dma_start3A_91 : memref<1x1x128xi32, #tpu.memory_space<hbm>> -> memref<128xi32, #tpu.memory_space<hbm>>
          tpu.enqueue_dma source(%dma_start3A_92 : memref<128xi32, #tpu.memory_space<hbm>>) target(%dma_start3A_89 : memref<128xi32, #tpu.memory_space<vmem>>) target_semaphore(%run_scoped3A_80 : memref<!tpu.dma_semaphore, #tpu.memory_space<semaphore_mem>>)
          %dma_wait3A_93 = arith.constant 0 : i32
          %dma_wait3A_94 = tpu.memref_slice %arg6[%run_scoped3A_76, %dma_wait3A_93] : memref<2x128xi32, #tpu.memory_space<vmem>> -> memref<1x128xi32, #tpu.memory_space<vmem>>
          %dma_wait3A_95 = tpu.memref_squeeze %dma_wait3A_94 : memref<1x128xi32, #tpu.memory_space<vmem>> -> memref<128xi32, #tpu.memory_space<vmem>>
          %dma_wait3A_96 = arith.constant 0 : i32
          %dma_wait3A_97 = tpu.memref_slice %arg3[%add3A, %add3A_75, %dma_wait3A_96] : memref<32x80x128xi32, #tpu.memory_space<hbm>> -> memref<1x1x128xi32, #tpu.memory_space<hbm>>
          %dma_wait3A_98 = tpu.memref_squeeze %dma_wait3A_97 : memref<1x1x128xi32, #tpu.memory_space<hbm>> -> memref<128xi32, #tpu.memory_space<hbm>>
          %dma_wait3A_99 = arith.constant 0 : i32
          %dma_wait3A_100 = tpu.memref_slice %arg6[%run_scoped3A_76, %dma_wait3A_99] : memref<2x128xi32, #tpu.memory_space<vmem>> -> memref<1x128xi32, #tpu.memory_space<vmem>>
          %dma_wait3A_101 = tpu.memref_squeeze %dma_wait3A_100 : memref<1x128xi32, #tpu.memory_space<vmem>> -> memref<128xi32, #tpu.memory_space<vmem>>
          %dma_wait3A_102 = arith.constant 0 : i32
          %dma_wait3A_103 = tpu.memref_slice %arg3[%add3A, %add3A_75, %dma_wait3A_102] : memref<32x80x128xi32, #tpu.memory_space<hbm>> -> memref<1x1x128xi32, #tpu.memory_space<hbm>>
          %dma_wait3A_104 = tpu.memref_squeeze %dma_wait3A_103 : memref<1x1x128xi32, #tpu.memory_space<hbm>> -> memref<128xi32, #tpu.memory_space<hbm>>
          tpu.wait_dma2 semaphore(%run_scoped3A_80 : memref<!tpu.dma_semaphore, #tpu.memory_space<semaphore_mem>>) src(%dma_wait3A_104 : memref<128xi32, #tpu.memory_space<hbm>>) dst(%dma_wait3A_101 : memref<128xi32, #tpu.memory_space<vmem>>)
          tpu.yield
        }) : () -> ()
        %add3A_77 = arith.constant 2 : i32
        %add3A_78 = arith.addi %add3A_40, %add3A_77 : i32
        %run_scoped3A_79 = arith.constant 1 : i32
        "tpu.region"() ({
          %run_scoped3A_80 = tpu.sem_alloc : memref<!tpu.dma_semaphore, #tpu.memory_space<semaphore_mem>>
          %dma_start3A_81 = arith.constant 0 : i32
          %dma_start3A_82 = tpu.memref_slice %arg7[%run_scoped3A_79, %dma_start3A_81] : memref<2x128xi32, #tpu.memory_space<vmem>> -> memref<1x128xi32, #tpu.memory_space<vmem>>
          %dma_start3A_83 = tpu.memref_squeeze %dma_start3A_82 : memref<1x128xi32, #tpu.memory_space<vmem>> -> memref<128xi32, #tpu.memory_space<vmem>>
          %dma_start3A_84 = arith.constant 0 : i32
          %dma_start3A_85 = tpu.memref_slice %arg4[%add3A, %add3A_78, %dma_start3A_84] : memref<32x80x128xi32, #tpu.memory_space<hbm>> -> memref<1x1x128xi32, #tpu.memory_space<hbm>>
          %dma_start3A_86 = tpu.memref_squeeze %dma_start3A_85 : memref<1x1x128xi32, #tpu.memory_space<hbm>> -> memref<128xi32, #tpu.memory_space<hbm>>
          %dma_start3A_87 = arith.constant 0 : i32
          %dma_start3A_88 = tpu.memref_slice %arg7[%run_scoped3A_79, %dma_start3A_87] : memref<2x128xi32, #tpu.memory_space<vmem>> -> memref<1x128xi32, #tpu.memory_space<vmem>>
          %dma_start3A_89 = tpu.memref_squeeze %dma_start3A_88 : memref<1x128xi32, #tpu.memory_space<vmem>> -> memref<128xi32, #tpu.memory_space<vmem>>
          %dma_start3A_90 = arith.constant 0 : i32
          %dma_start3A_91 = tpu.memref_slice %arg4[%add3A, %add3A_78, %dma_start3A_90] : memref<32x80x128xi32, #tpu.memory_space<hbm>> -> memref<1x1x128xi32, #tpu.memory_space<hbm>>
          %dma_start3A_92 = tpu.memref_squeeze %dma_start3A_91 : memref<1x1x128xi32, #tpu.memory_space<hbm>> -> memref<128xi32, #tpu.memory_space<hbm>>
          tpu.enqueue_dma source(%dma_start3A_92 : memref<128xi32, #tpu.memory_space<hbm>>) target(%dma_start3A_89 : memref<128xi32, #tpu.memory_space<vmem>>) target_semaphore(%run_scoped3A_80 : memref<!tpu.dma_semaphore, #tpu.memory_space<semaphore_mem>>)
          %dma_wait3A_93 = arith.constant 0 : i32
          %dma_wait3A_94 = tpu.memref_slice %arg7[%run_scoped3A_79, %dma_wait3A_93] : memref<2x128xi32, #tpu.memory_space<vmem>> -> memref<1x128xi32, #tpu.memory_space<vmem>>
          %dma_wait3A_95 = tpu.memref_squeeze %dma_wait3A_94 : memref<1x128xi32, #tpu.memory_space<vmem>> -> memref<128xi32, #tpu.memory_space<vmem>>
          %dma_wait3A_96 = arith.constant 0 : i32
          %dma_wait3A_97 = tpu.memref_slice %arg4[%add3A, %add3A_78, %dma_wait3A_96] : memref<32x80x128xi32, #tpu.memory_space<hbm>> -> memref<1x1x128xi32, #tpu.memory_space<hbm>>
          %dma_wait3A_98 = tpu.memref_squeeze %dma_wait3A_97 : memref<1x1x128xi32, #tpu.memory_space<hbm>> -> memref<128xi32, #tpu.memory_space<hbm>>
          %dma_wait3A_99 = arith.constant 0 : i32
          %dma_wait3A_100 = tpu.memref_slice %arg7[%run_scoped3A_79, %dma_wait3A_99] : memref<2x128xi32, #tpu.memory_space<vmem>> -> memref<1x128xi32, #tpu.memory_space<vmem>>
          %dma_wait3A_101 = tpu.memref_squeeze %dma_wait3A_100 : memref<1x128xi32, #tpu.memory_space<vmem>> -> memref<128xi32, #tpu.memory_space<vmem>>
          %dma_wait3A_102 = arith.constant 0 : i32
          %dma_wait3A_103 = tpu.memref_slice %arg4[%add3A, %add3A_78, %dma_wait3A_102] : memref<32x80x128xi32, #tpu.memory_space<hbm>> -> memref<1x1x128xi32, #tpu.memory_space<hbm>>
          %dma_wait3A_104 = tpu.memref_squeeze %dma_wait3A_103 : memref<1x1x128xi32, #tpu.memory_space<hbm>> -> memref<128xi32, #tpu.memory_space<hbm>>
          tpu.wait_dma2 semaphore(%run_scoped3A_80 : memref<!tpu.dma_semaphore, #tpu.memory_space<semaphore_mem>>) src(%dma_wait3A_104 : memref<128xi32, #tpu.memory_space<hbm>>) dst(%dma_wait3A_101 : memref<128xi32, #tpu.memory_space<vmem>>)
          tpu.yield
        }) : () -> ()
      } else {
      }
    }
    %scan3A_30 = arith.constant 40 : i32
    %barrier3A_31 = arith.constant 0 : index
    tpu.barrier barrier_id(%barrier3A_31)
    %mul3A_32 = arith.constant 632 : i32
    %mul3A_33 = arith.muli %arg1, %mul3A_32 : i32
    %mul3A_34 = arith.constant 632 : i32
    %mul3A_35 = arith.muli %arg1, %mul3A_34 : i32
    "tpu.region"() ({
      %run_scoped3A_36 = tpu.sem_alloc : memref<!tpu.dma_semaphore, #tpu.memory_space<semaphore_mem>>
      %dma_start3A_37 = arith.constant 0 : i32
      %dma_start3A_38 = tpu.memref_slice %arg5[%arg0, %mul3A_35, %dma_start3A_37] : memref<2x10112x128xf32, #tpu.memory_space<hbm>> -> memref<1x632x128xf32, #tpu.memory_space<hbm>>
      %dma_start3A_39 = tpu.memref_squeeze %dma_start3A_38 : memref<1x632x128xf32, #tpu.memory_space<hbm>> -> memref<632x128xf32, #tpu.memory_space<hbm>>
      %dma_start3A_40 = arith.constant 0 : i32
      %dma_start3A_41 = tpu.memref_slice %arg10[%mul3A_33, %dma_start3A_40] : memref<10112x128xf32, #tpu.memory_space<vmem_shared>> -> memref<632x128xf32, #tpu.memory_space<vmem_shared>>
      tpu.enqueue_dma source(%dma_start3A_41 : memref<632x128xf32, #tpu.memory_space<vmem_shared>>) target(%dma_start3A_39 : memref<632x128xf32, #tpu.memory_space<hbm>>) target_semaphore(%run_scoped3A_36 : memref<!tpu.dma_semaphore, #tpu.memory_space<semaphore_mem>>)
      %dma_wait3A = arith.constant 0 : i32
      %dma_wait3A_42 = tpu.memref_slice %arg5[%arg0, %mul3A_35, %dma_wait3A] : memref<2x10112x128xf32, #tpu.memory_space<hbm>> -> memref<1x632x128xf32, #tpu.memory_space<hbm>>
      %dma_wait3A_43 = tpu.memref_squeeze %dma_wait3A_42 : memref<1x632x128xf32, #tpu.memory_space<hbm>> -> memref<632x128xf32, #tpu.memory_space<hbm>>
      %dma_wait3A_44 = arith.constant 0 : i32
      %dma_wait3A_45 = tpu.memref_slice %arg10[%mul3A_33, %dma_wait3A_44] : memref<10112x128xf32, #tpu.memory_space<vmem_shared>> -> memref<632x128xf32, #tpu.memory_space<vmem_shared>>
      tpu.wait_dma2 semaphore(%run_scoped3A_36 : memref<!tpu.dma_semaphore, #tpu.memory_space<semaphore_mem>>) src(%dma_wait3A_45 : memref<632x128xf32, #tpu.memory_space<vmem_shared>>) dst(%dma_wait3A_43 : memref<632x128xf32, #tpu.memory_space<hbm>>)
      tpu.yield
    }) : () -> ()
    return
  }
}

#map = affine_map<(d0, d1) -> (0, 0, 0, 0)>
#map1 = affine_map<(d0, d1) -> (0, 0, 0)>
module attributes {stable_mosaic.version = 14 : i64} {
  func.func @body(%arg0: i32, %arg1: i32, %arg2: memref<32x80x128x128xf32, #tpu.memory_space<hbm>>, %arg3: memref<32x80x128xi32, #tpu.memory_space<hbm>>, %arg4: memref<2x10112x128xf32, #tpu.memory_space<hbm>>, %arg5: memref<80x128xi32, #tpu.memory_space<vmem>>, %arg6: memref<128x128xf32, #tpu.memory_space<vmem>>, %arg7: memref<128x128xf32, #tpu.memory_space<vmem>>, %arg8: memref<10112x128xf32, #tpu.memory_space<vmem_shared>>, %arg9: memref<!tpu.dma_semaphore, #tpu.memory_space<semaphore_mem>>, %arg10: memref<!tpu.dma_semaphore, #tpu.memory_space<semaphore_mem>>) attributes {dimension_semantics = [#tpu.dimension_semantics<core_parallel>, #tpu.dimension_semantics<subcore_parallel>], iteration_bounds = array<i64: 2, 16>, scalar_prefetch = 0 : i64, scratch_operands = 6 : i64, tpu.core_type = #tpu.core_type<sc_vector_subcore>, window_params = [{transform_indices = #map}, {transform_indices = #map1}, {transform_indices = #map1}]} {
    %mul3A = arith.constant 2 : i32
    %mul3A_0 = arith.muli %arg1, %mul3A : i32
    %add3A = arith.addi %mul3A_0, %arg0 : i32
    %scan3A = arith.constant 0 : i32
    %scan3A_1 = arith.constant 0 : i32
    %scan3A_2 = arith.constant 128 : i32
    %scan3A_3 = arith.addi %scan3A_1, %scan3A_2 : i32
    %scan3A_4 = arith.constant 1 : i32
    scf.for %scan3A_31 = %scan3A_1 to %scan3A_3 step %scan3A_4  : i32 {
      %broadcast_in_dim3A = arith.constant 0.000000e+00 : f32
      %broadcast_in_dim3A_32 = vector.broadcast %broadcast_in_dim3A : f32 to vector<16xf32>
      %swap3A = arith.index_cast %scan3A_31 : i32 to index
      %swap3A_33 = arith.constant 0 : index
      %swap3A_34 = tpu.vector_load %arg6[%swap3A, %swap3A_33] {strides = array<i32>} : memref<128x128xf32, #tpu.memory_space<vmem>>, vector<1x16xf32>,
      %swap3A_35 = vector.shape_cast %swap3A_34 : vector<1x16xf32> to vector<16xf32>
      %swap3A_36 = vector.shape_cast %broadcast_in_dim3A_32 : vector<16xf32> to vector<1x16xf32>
      tpu.vector_store %arg6[%swap3A, %swap3A_33], %swap3A_36 {strides = array<i32>} : memref<128x128xf32, #tpu.memory_space<vmem>>, vector<1x16xf32>,
      %broadcast_in_dim3A_37 = arith.constant 0.000000e+00 : f32
      %broadcast_in_dim3A_38 = vector.broadcast %broadcast_in_dim3A_37 : f32 to vector<16xf32>
      %swap3A_39 = arith.index_cast %scan3A_31 : i32 to index
      %swap3A_40 = arith.constant 16 : index
      %swap3A_41 = tpu.vector_load %arg6[%swap3A_39, %swap3A_40] {strides = array<i32>} : memref<128x128xf32, #tpu.memory_space<vmem>>, vector<1x16xf32>,
      %swap3A_42 = vector.shape_cast %swap3A_41 : vector<1x16xf32> to vector<16xf32>
      %swap3A_43 = vector.shape_cast %broadcast_in_dim3A_38 : vector<16xf32> to vector<1x16xf32>
      tpu.vector_store %arg6[%swap3A_39, %swap3A_40], %swap3A_43 {strides = array<i32>} : memref<128x128xf32, #tpu.memory_space<vmem>>, vector<1x16xf32>,
      %broadcast_in_dim3A_44 = arith.constant 0.000000e+00 : f32
      %broadcast_in_dim3A_45 = vector.broadcast %broadcast_in_dim3A_44 : f32 to vector<16xf32>
      %swap3A_46 = arith.index_cast %scan3A_31 : i32 to index
      %swap3A_47 = arith.constant 32 : index
      %swap3A_48 = tpu.vector_load %arg6[%swap3A_46, %swap3A_47] {strides = array<i32>} : memref<128x128xf32, #tpu.memory_space<vmem>>, vector<1x16xf32>,
      %swap3A_49 = vector.shape_cast %swap3A_48 : vector<1x16xf32> to vector<16xf32>
      %swap3A_50 = vector.shape_cast %broadcast_in_dim3A_45 : vector<16xf32> to vector<1x16xf32>
      tpu.vector_store %arg6[%swap3A_46, %swap3A_47], %swap3A_50 {strides = array<i32>} : memref<128x128xf32, #tpu.memory_space<vmem>>, vector<1x16xf32>,
      %broadcast_in_dim3A_51 = arith.constant 0.000000e+00 : f32
      %broadcast_in_dim3A_52 = vector.broadcast %broadcast_in_dim3A_51 : f32 to vector<16xf32>
      %swap3A_53 = arith.index_cast %scan3A_31 : i32 to index
      %swap3A_54 = arith.constant 48 : index
      %swap3A_55 = tpu.vector_load %arg6[%swap3A_53, %swap3A_54] {strides = array<i32>} : memref<128x128xf32, #tpu.memory_space<vmem>>, vector<1x16xf32>,
      %swap3A_56 = vector.shape_cast %swap3A_55 : vector<1x16xf32> to vector<16xf32>
      %swap3A_57 = vector.shape_cast %broadcast_in_dim3A_52 : vector<16xf32> to vector<1x16xf32>
      tpu.vector_store %arg6[%swap3A_53, %swap3A_54], %swap3A_57 {strides = array<i32>} : memref<128x128xf32, #tpu.memory_space<vmem>>, vector<1x16xf32>,
      %broadcast_in_dim3A_58 = arith.constant 0.000000e+00 : f32
      %broadcast_in_dim3A_59 = vector.broadcast %broadcast_in_dim3A_58 : f32 to vector<16xf32>
      %swap3A_60 = arith.index_cast %scan3A_31 : i32 to index
      %swap3A_61 = arith.constant 64 : index
      %swap3A_62 = tpu.vector_load %arg6[%swap3A_60, %swap3A_61] {strides = array<i32>} : memref<128x128xf32, #tpu.memory_space<vmem>>, vector<1x16xf32>,
      %swap3A_63 = vector.shape_cast %swap3A_62 : vector<1x16xf32> to vector<16xf32>
      %swap3A_64 = vector.shape_cast %broadcast_in_dim3A_59 : vector<16xf32> to vector<1x16xf32>
      tpu.vector_store %arg6[%swap3A_60, %swap3A_61], %swap3A_64 {strides = array<i32>} : memref<128x128xf32, #tpu.memory_space<vmem>>, vector<1x16xf32>,
      %broadcast_in_dim3A_65 = arith.constant 0.000000e+00 : f32
      %broadcast_in_dim3A_66 = vector.broadcast %broadcast_in_dim3A_65 : f32 to vector<16xf32>
      %swap3A_67 = arith.index_cast %scan3A_31 : i32 to index
      %swap3A_68 = arith.constant 80 : index
      %swap3A_69 = tpu.vector_load %arg6[%swap3A_67, %swap3A_68] {strides = array<i32>} : memref<128x128xf32, #tpu.memory_space<vmem>>, vector<1x16xf32>,
      %swap3A_70 = vector.shape_cast %swap3A_69 : vector<1x16xf32> to vector<16xf32>
      %swap3A_71 = vector.shape_cast %broadcast_in_dim3A_66 : vector<16xf32> to vector<1x16xf32>
      tpu.vector_store %arg6[%swap3A_67, %swap3A_68], %swap3A_71 {strides = array<i32>} : memref<128x128xf32, #tpu.memory_space<vmem>>, vector<1x16xf32>,
      %broadcast_in_dim3A_72 = arith.constant 0.000000e+00 : f32
      %broadcast_in_dim3A_73 = vector.broadcast %broadcast_in_dim3A_72 : f32 to vector<16xf32>
      %swap3A_74 = arith.index_cast %scan3A_31 : i32 to index
      %swap3A_75 = arith.constant 96 : index
      %swap3A_76 = tpu.vector_load %arg6[%swap3A_74, %swap3A_75] {strides = array<i32>} : memref<128x128xf32, #tpu.memory_space<vmem>>, vector<1x16xf32>,
      %swap3A_77 = vector.shape_cast %swap3A_76 : vector<1x16xf32> to vector<16xf32>
      %swap3A_78 = vector.shape_cast %broadcast_in_dim3A_73 : vector<16xf32> to vector<1x16xf32>
      tpu.vector_store %arg6[%swap3A_74, %swap3A_75], %swap3A_78 {strides = array<i32>} : memref<128x128xf32, #tpu.memory_space<vmem>>, vector<1x16xf32>,
      %broadcast_in_dim3A_79 = arith.constant 0.000000e+00 : f32
      %broadcast_in_dim3A_80 = vector.broadcast %broadcast_in_dim3A_79 : f32 to vector<16xf32>
      %swap3A_81 = arith.index_cast %scan3A_31 : i32 to index
      %swap3A_82 = arith.constant 112 : index
      %swap3A_83 = tpu.vector_load %arg6[%swap3A_81, %swap3A_82] {strides = array<i32>} : memref<128x128xf32, #tpu.memory_space<vmem>>, vector<1x16xf32>,
      %swap3A_84 = vector.shape_cast %swap3A_83 : vector<1x16xf32> to vector<16xf32>
      %swap3A_85 = vector.shape_cast %broadcast_in_dim3A_80 : vector<16xf32> to vector<1x16xf32>
      tpu.vector_store %arg6[%swap3A_81, %swap3A_82], %swap3A_85 {strides = array<i32>} : memref<128x128xf32, #tpu.memory_space<vmem>>, vector<1x16xf32>,
    }
    %scan3A_5 = arith.constant 128 : i32
    "tpu.region"() ({
      %run_scoped3A = tpu.sem_alloc : memref<!tpu.dma_semaphore, #tpu.memory_space<semaphore_mem>>
      %dma_start3A_31 = arith.constant 0 : i32
      %dma_start3A_32 = arith.constant 0 : i32
      %dma_start3A_33 = tpu.memref_slice %arg3[%add3A, %dma_start3A_31, %dma_start3A_32] : memref<32x80x128xi32, #tpu.memory_space<hbm>> -> memref<1x80x128xi32, #tpu.memory_space<hbm>>
      %dma_start3A_34 = tpu.memref_squeeze %dma_start3A_33 : memref<1x80x128xi32, #tpu.memory_space<hbm>> -> memref<80x128xi32, #tpu.memory_space<hbm>>
      %dma_start3A_35 = arith.constant 0 : i32
      %dma_start3A_36 = arith.constant 0 : i32
      %dma_start3A_37 = tpu.memref_slice %arg3[%add3A, %dma_start3A_35, %dma_start3A_36] : memref<32x80x128xi32, #tpu.memory_space<hbm>> -> memref<1x80x128xi32, #tpu.memory_space<hbm>>
      %dma_start3A_38 = tpu.memref_squeeze %dma_start3A_37 : memref<1x80x128xi32, #tpu.memory_space<hbm>> -> memref<80x128xi32, #tpu.memory_space<hbm>>
      tpu.enqueue_dma source(%dma_start3A_38 : memref<80x128xi32, #tpu.memory_space<hbm>>) target(%arg5 : memref<80x128xi32, #tpu.memory_space<vmem>>) target_semaphore(%run_scoped3A : memref<!tpu.dma_semaphore, #tpu.memory_space<semaphore_mem>>)
      %dma_wait3A = arith.constant 0 : i32
      %dma_wait3A_39 = arith.constant 0 : i32
      %dma_wait3A_40 = tpu.memref_slice %arg3[%add3A, %dma_wait3A, %dma_wait3A_39] : memref<32x80x128xi32, #tpu.memory_space<hbm>> -> memref<1x80x128xi32, #tpu.memory_space<hbm>>
      %dma_wait3A_41 = tpu.memref_squeeze %dma_wait3A_40 : memref<1x80x128xi32, #tpu.memory_space<hbm>> -> memref<80x128xi32, #tpu.memory_space<hbm>>
      %dma_wait3A_42 = arith.constant 0 : i32
      %dma_wait3A_43 = arith.constant 0 : i32
      %dma_wait3A_44 = tpu.memref_slice %arg3[%add3A, %dma_wait3A_42, %dma_wait3A_43] : memref<32x80x128xi32, #tpu.memory_space<hbm>> -> memref<1x80x128xi32, #tpu.memory_space<hbm>>
      %dma_wait3A_45 = tpu.memref_squeeze %dma_wait3A_44 : memref<1x80x128xi32, #tpu.memory_space<hbm>> -> memref<80x128xi32, #tpu.memory_space<hbm>>
      tpu.wait_dma2 semaphore(%run_scoped3A : memref<!tpu.dma_semaphore, #tpu.memory_space<semaphore_mem>>) src(%dma_wait3A_45 : memref<80x128xi32, #tpu.memory_space<hbm>>) dst(%arg5 : memref<80x128xi32, #tpu.memory_space<vmem>>)
      tpu.yield
    }) : () -> ()
    %scan3A_6 = arith.constant 0 : i32
    %scan3A_7 = arith.constant 0 : i32
    %scan3A_8 = arith.constant 5 : i32
    %scan3A_9 = arith.addi %scan3A_7, %scan3A_8 : i32
    %scan3A_10 = arith.constant 1 : i32
    scf.for %scan3A_31 = %scan3A_7 to %scan3A_9 step %scan3A_10  : i32 {
      %mul3A_32 = arith.constant 16 : i32
      %mul3A_33 = arith.muli %scan3A_31, %mul3A_32 : i32
      %add3A_34 = arith.addi %arg1, %mul3A_33 : i32
      %lt3A = arith.constant 79 : i32
      %lt3A_35 = arith.cmpi slt, %add3A_34, %lt3A : i32
      %convert_element_type3A = arith.extui %lt3A_35 : i1 to i32
      %cond3A = arith.constant 0 : i32
      %cond3A_36 = arith.cmpi ne, %convert_element_type3A, %cond3A : i32
      scf.if %cond3A_36 {
        %mul3A_37 = arith.constant 128 : i32
        %mul3A_38 = arith.muli %add3A_34, %mul3A_37 : i32
        "tpu.region"() ({
          %run_scoped3A = tpu.sem_alloc : memref<!tpu.dma_semaphore, #tpu.memory_space<semaphore_mem>>
          %dma_start3A_39 = arith.constant 0 : i32
          %dma_start3A_40 = tpu.memref_slice %arg8[%mul3A_38, %dma_start3A_39] : memref<10112x128xf32, #tpu.memory_space<vmem_shared>> -> memref<128x128xf32, #tpu.memory_space<vmem_shared>>
          %dma_start3A_41 = arith.constant 0 : i32
          %dma_start3A_42 = tpu.memref_slice %arg8[%mul3A_38, %dma_start3A_41] : memref<10112x128xf32, #tpu.memory_space<vmem_shared>> -> memref<128x128xf32, #tpu.memory_space<vmem_shared>>
          tpu.enqueue_dma source(%arg6 : memref<128x128xf32, #tpu.memory_space<vmem>>) target(%dma_start3A_42 : memref<128x128xf32, #tpu.memory_space<vmem_shared>>) target_semaphore(%run_scoped3A : memref<!tpu.dma_semaphore, #tpu.memory_space<semaphore_mem>>)
          %dma_wait3A = arith.constant 0 : i32
          %dma_wait3A_43 = tpu.memref_slice %arg8[%mul3A_38, %dma_wait3A] : memref<10112x128xf32, #tpu.memory_space<vmem_shared>> -> memref<128x128xf32, #tpu.memory_space<vmem_shared>>
          %dma_wait3A_44 = arith.constant 0 : i32
          %dma_wait3A_45 = tpu.memref_slice %arg8[%mul3A_38, %dma_wait3A_44] : memref<10112x128xf32, #tpu.memory_space<vmem_shared>> -> memref<128x128xf32, #tpu.memory_space<vmem_shared>>
          tpu.wait_dma2 semaphore(%run_scoped3A : memref<!tpu.dma_semaphore, #tpu.memory_space<semaphore_mem>>) src(%arg6 : memref<128x128xf32, #tpu.memory_space<vmem>>) dst(%dma_wait3A_45 : memref<128x128xf32, #tpu.memory_space<vmem_shared>>)
          tpu.yield
        }) : () -> ()
      } else {
      }
    }
    %scan3A_11 = arith.constant 5 : i32
    %barrier3A = arith.constant 0 : index
    tpu.barrier barrier_id(%barrier3A)
    %dma_start3A = arith.constant 0 : i32
    %dma_start3A_12 = arith.constant 0 : i32
    %dma_start3A_13 = arith.constant 0 : i32
    %dma_start3A_14 = tpu.memref_slice %arg2[%add3A, %dma_start3A, %dma_start3A_12, %dma_start3A_13] : memref<32x80x128x128xf32, #tpu.memory_space<hbm>> -> memref<1x1x128x128xf32, #tpu.memory_space<hbm>>
    %dma_start3A_15 = tpu.memref_squeeze %dma_start3A_14 : memref<1x1x128x128xf32, #tpu.memory_space<hbm>> -> memref<128x128xf32, #tpu.memory_space<hbm>>
    %dma_start3A_16 = arith.constant 0 : i32
    %dma_start3A_17 = arith.constant 0 : i32
    %dma_start3A_18 = tpu.memref_slice %arg2[%add3A, %dma_start3A, %dma_start3A_16, %dma_start3A_17] : memref<32x80x128x128xf32, #tpu.memory_space<hbm>> -> memref<1x1x128x128xf32, #tpu.memory_space<hbm>>
    %dma_start3A_19 = tpu.memref_squeeze %dma_start3A_18 : memref<1x1x128x128xf32, #tpu.memory_space<hbm>> -> memref<128x128xf32, #tpu.memory_space<hbm>>
    tpu.enqueue_dma source(%dma_start3A_19 : memref<128x128xf32, #tpu.memory_space<hbm>>) target(%arg6 : memref<128x128xf32, #tpu.memory_space<vmem>>) target_semaphore(%arg9 : memref<!tpu.dma_semaphore, #tpu.memory_space<semaphore_mem>>)
    %scan3A_20 = arith.constant 0 : i32
    %scan3A_21 = arith.constant 0 : i32
    %scan3A_22 = arith.constant 40 : i32
    %scan3A_23 = arith.addi %scan3A_21, %scan3A_22 : i32
    %scan3A_24 = arith.constant 1 : i32
    scf.for %scan3A_31 = %scan3A_21 to %scan3A_23 step %scan3A_24  : i32 {
      %mul3A_32 = arith.constant 2 : i32
      %mul3A_33 = arith.muli %mul3A_32, %scan3A_31 : i32
      %add3A_34 = arith.constant 1 : i32
      %add3A_35 = arith.addi %mul3A_33, %add3A_34 : i32
      %dma_start3A_36 = arith.constant 0 : i32
      %dma_start3A_37 = arith.constant 0 : i32
      %dma_start3A_38 = tpu.memref_slice %arg2[%add3A, %add3A_35, %dma_start3A_36, %dma_start3A_37] : memref<32x80x128x128xf32, #tpu.memory_space<hbm>> -> memref<1x1x128x128xf32, #tpu.memory_space<hbm>>
      %dma_start3A_39 = tpu.memref_squeeze %dma_start3A_38 : memref<1x1x128x128xf32, #tpu.memory_space<hbm>> -> memref<128x128xf32, #tpu.memory_space<hbm>>
      %dma_start3A_40 = arith.constant 0 : i32
      %dma_start3A_41 = arith.constant 0 : i32
      %dma_start3A_42 = tpu.memref_slice %arg2[%add3A, %add3A_35, %dma_start3A_40, %dma_start3A_41] : memref<32x80x128x128xf32, #tpu.memory_space<hbm>> -> memref<1x1x128x128xf32, #tpu.memory_space<hbm>>
      %dma_start3A_43 = tpu.memref_squeeze %dma_start3A_42 : memref<1x1x128x128xf32, #tpu.memory_space<hbm>> -> memref<128x128xf32, #tpu.memory_space<hbm>>
      tpu.enqueue_dma source(%dma_start3A_43 : memref<128x128xf32, #tpu.memory_space<hbm>>) target(%arg7 : memref<128x128xf32, #tpu.memory_space<vmem>>) target_semaphore(%arg10 : memref<!tpu.dma_semaphore, #tpu.memory_space<semaphore_mem>>)
      %dma_wait3A = arith.constant 0 : i32
      %dma_wait3A_44 = arith.constant 0 : i32
      %dma_wait3A_45 = tpu.memref_slice %arg2[%add3A, %mul3A_33, %dma_wait3A, %dma_wait3A_44] : memref<32x80x128x128xf32, #tpu.memory_space<hbm>> -> memref<1x1x128x128xf32, #tpu.memory_space<hbm>>
      %dma_wait3A_46 = tpu.memref_squeeze %dma_wait3A_45 : memref<1x1x128x128xf32, #tpu.memory_space<hbm>> -> memref<128x128xf32, #tpu.memory_space<hbm>>
      %dma_wait3A_47 = arith.constant 0 : i32
      %dma_wait3A_48 = arith.constant 0 : i32
      %dma_wait3A_49 = tpu.memref_slice %arg2[%add3A, %mul3A_33, %dma_wait3A_47, %dma_wait3A_48] : memref<32x80x128x128xf32, #tpu.memory_space<hbm>> -> memref<1x1x128x128xf32, #tpu.memory_space<hbm>>
      %dma_wait3A_50 = tpu.memref_squeeze %dma_wait3A_49 : memref<1x1x128x128xf32, #tpu.memory_space<hbm>> -> memref<128x128xf32, #tpu.memory_space<hbm>>
      tpu.wait_dma2 semaphore(%arg9 : memref<!tpu.dma_semaphore, #tpu.memory_space<semaphore_mem>>) src(%dma_wait3A_50 : memref<128x128xf32, #tpu.memory_space<hbm>>) dst(%arg6 : memref<128x128xf32, #tpu.memory_space<vmem>>)
      "tpu.region"() ({
        %run_scoped3A = tpu.sem_alloc : memref<!tpu.dma_semaphore, #tpu.memory_space<semaphore_mem>>
        %dma_start3A_63 = arith.constant 0 : i32
        %dma_start3A_64 = tpu.memref_slice %arg5[%mul3A_33, %dma_start3A_63] : memref<80x128xi32, #tpu.memory_space<vmem>> -> memref<1x128xi32, #tpu.memory_space<vmem>>
        %dma_start3A_65 = tpu.memref_squeeze %dma_start3A_64 : memref<1x128xi32, #tpu.memory_space<vmem>> -> memref<128xi32, #tpu.memory_space<vmem>>
        %dma_start3A_66 = arith.constant 0 : i32
        %dma_start3A_67 = arith.constant 0 : i32
        %dma_start3A_68 = tpu.memref_slice %arg8[%dma_start3A_66, %dma_start3A_67] : memref<10112x128xf32, #tpu.memory_space<vmem_shared>> -> memref<10112x128xf32, #tpu.memory_space<vmem_shared>>
        tpu.enqueue_indirect_dma source(%arg6 : memref<128x128xf32, #tpu.memory_space<vmem>>) target(%dma_start3A_68 : memref<10112x128xf32, #tpu.memory_space<vmem_shared>>) offsets(%dma_start3A_65 : memref<128xi32, #tpu.memory_space<vmem>>) semaphore(%run_scoped3A : memref<!tpu.dma_semaphore, #tpu.memory_space<semaphore_mem>>) {add = true}
        %dma_wait3A_69 = arith.constant 0 : i32
        %dma_wait3A_70 = tpu.memref_slice %arg5[%mul3A_33, %dma_wait3A_69] : memref<80x128xi32, #tpu.memory_space<vmem>> -> memref<1x128xi32, #tpu.memory_space<vmem>>
        %dma_wait3A_71 = tpu.memref_squeeze %dma_wait3A_70 : memref<1x128xi32, #tpu.memory_space<vmem>> -> memref<128xi32, #tpu.memory_space<vmem>>
        %dma_wait3A_72 = arith.constant 0 : i32
        %dma_wait3A_73 = arith.constant 0 : i32
        %dma_wait3A_74 = tpu.memref_slice %arg8[%dma_wait3A_72, %dma_wait3A_73] : memref<10112x128xf32, #tpu.memory_space<vmem_shared>> -> memref<10112x128xf32, #tpu.memory_space<vmem_shared>>
        tpu.wait_indirect_dma semaphore(%run_scoped3A : memref<!tpu.dma_semaphore, #tpu.memory_space<semaphore_mem>>) src(%arg6 : memref<128x128xf32, #tpu.memory_space<vmem>>) dst(%dma_wait3A_74 : memref<10112x128xf32, #tpu.memory_space<vmem_shared>>)
        tpu.yield
      }) : () -> ()
      %add3A_51 = arith.constant 1 : i32
      %add3A_52 = arith.addi %scan3A_31, %add3A_51 : i32
      %lt3A = arith.constant 40 : i32
      %lt3A_53 = arith.cmpi slt, %add3A_52, %lt3A : i32
      %convert_element_type3A = arith.extui %lt3A_53 : i1 to i32
      %cond3A = arith.constant 0 : i32
      %cond3A_54 = arith.cmpi ne, %convert_element_type3A, %cond3A : i32
      scf.if %cond3A_54 {
        %add3A_63 = arith.constant 2 : i32
        %add3A_64 = arith.addi %mul3A_33, %add3A_63 : i32
        %dma_start3A_65 = arith.constant 0 : i32
        %dma_start3A_66 = arith.constant 0 : i32
        %dma_start3A_67 = tpu.memref_slice %arg2[%add3A, %add3A_64, %dma_start3A_65, %dma_start3A_66] : memref<32x80x128x128xf32, #tpu.memory_space<hbm>> -> memref<1x1x128x128xf32, #tpu.memory_space<hbm>>
        %dma_start3A_68 = tpu.memref_squeeze %dma_start3A_67 : memref<1x1x128x128xf32, #tpu.memory_space<hbm>> -> memref<128x128xf32, #tpu.memory_space<hbm>>
        %dma_start3A_69 = arith.constant 0 : i32
        %dma_start3A_70 = arith.constant 0 : i32
        %dma_start3A_71 = tpu.memref_slice %arg2[%add3A, %add3A_64, %dma_start3A_69, %dma_start3A_70] : memref<32x80x128x128xf32, #tpu.memory_space<hbm>> -> memref<1x1x128x128xf32, #tpu.memory_space<hbm>>
        %dma_start3A_72 = tpu.memref_squeeze %dma_start3A_71 : memref<1x1x128x128xf32, #tpu.memory_space<hbm>> -> memref<128x128xf32, #tpu.memory_space<hbm>>
        tpu.enqueue_dma source(%dma_start3A_72 : memref<128x128xf32, #tpu.memory_space<hbm>>) target(%arg6 : memref<128x128xf32, #tpu.memory_space<vmem>>) target_semaphore(%arg9 : memref<!tpu.dma_semaphore, #tpu.memory_space<semaphore_mem>>)
      } else {
      }
      %dma_wait3A_55 = arith.constant 0 : i32
      %dma_wait3A_56 = arith.constant 0 : i32
      %dma_wait3A_57 = tpu.memref_slice %arg2[%add3A, %add3A_35, %dma_wait3A_55, %dma_wait3A_56] : memref<32x80x128x128xf32, #tpu.memory_space<hbm>> -> memref<1x1x128x128xf32, #tpu.memory_space<hbm>>
      %dma_wait3A_58 = tpu.memref_squeeze %dma_wait3A_57 : memref<1x1x128x128xf32, #tpu.memory_space<hbm>> -> memref<128x128xf32, #tpu.memory_space<hbm>>
      %dma_wait3A_59 = arith.constant 0 : i32
      %dma_wait3A_60 = arith.constant 0 : i32
      %dma_wait3A_61 = tpu.memref_slice %arg2[%add3A, %add3A_35, %dma_wait3A_59, %dma_wait3A_60] : memref<32x80x128x128xf32, #tpu.memory_space<hbm>> -> memref<1x1x128x128xf32, #tpu.memory_space<hbm>>
      %dma_wait3A_62 = tpu.memref_squeeze %dma_wait3A_61 : memref<1x1x128x128xf32, #tpu.memory_space<hbm>> -> memref<128x128xf32, #tpu.memory_space<hbm>>
      tpu.wait_dma2 semaphore(%arg10 : memref<!tpu.dma_semaphore, #tpu.memory_space<semaphore_mem>>) src(%dma_wait3A_62 : memref<128x128xf32, #tpu.memory_space<hbm>>) dst(%arg7 : memref<128x128xf32, #tpu.memory_space<vmem>>)
      "tpu.region"() ({
        %run_scoped3A = tpu.sem_alloc : memref<!tpu.dma_semaphore, #tpu.memory_space<semaphore_mem>>
        %dma_start3A_63 = arith.constant 0 : i32
        %dma_start3A_64 = tpu.memref_slice %arg5[%add3A_35, %dma_start3A_63] : memref<80x128xi32, #tpu.memory_space<vmem>> -> memref<1x128xi32, #tpu.memory_space<vmem>>
        %dma_start3A_65 = tpu.memref_squeeze %dma_start3A_64 : memref<1x128xi32, #tpu.memory_space<vmem>> -> memref<128xi32, #tpu.memory_space<vmem>>
        %dma_start3A_66 = arith.constant 0 : i32
        %dma_start3A_67 = arith.constant 0 : i32
        %dma_start3A_68 = tpu.memref_slice %arg8[%dma_start3A_66, %dma_start3A_67] : memref<10112x128xf32, #tpu.memory_space<vmem_shared>> -> memref<10112x128xf32, #tpu.memory_space<vmem_shared>>
        tpu.enqueue_indirect_dma source(%arg7 : memref<128x128xf32, #tpu.memory_space<vmem>>) target(%dma_start3A_68 : memref<10112x128xf32, #tpu.memory_space<vmem_shared>>) offsets(%dma_start3A_65 : memref<128xi32, #tpu.memory_space<vmem>>) semaphore(%run_scoped3A : memref<!tpu.dma_semaphore, #tpu.memory_space<semaphore_mem>>) {add = true}
        %dma_wait3A_69 = arith.constant 0 : i32
        %dma_wait3A_70 = tpu.memref_slice %arg5[%add3A_35, %dma_wait3A_69] : memref<80x128xi32, #tpu.memory_space<vmem>> -> memref<1x128xi32, #tpu.memory_space<vmem>>
        %dma_wait3A_71 = tpu.memref_squeeze %dma_wait3A_70 : memref<1x128xi32, #tpu.memory_space<vmem>> -> memref<128xi32, #tpu.memory_space<vmem>>
        %dma_wait3A_72 = arith.constant 0 : i32
        %dma_wait3A_73 = arith.constant 0 : i32
        %dma_wait3A_74 = tpu.memref_slice %arg8[%dma_wait3A_72, %dma_wait3A_73] : memref<10112x128xf32, #tpu.memory_space<vmem_shared>> -> memref<10112x128xf32, #tpu.memory_space<vmem_shared>>
        tpu.wait_indirect_dma semaphore(%run_scoped3A : memref<!tpu.dma_semaphore, #tpu.memory_space<semaphore_mem>>) src(%arg7 : memref<128x128xf32, #tpu.memory_space<vmem>>) dst(%dma_wait3A_74 : memref<10112x128xf32, #tpu.memory_space<vmem_shared>>)
        tpu.yield
      }) : () -> ()
    }
    %scan3A_25 = arith.constant 40 : i32
    %barrier3A_26 = arith.constant 0 : index
    tpu.barrier barrier_id(%barrier3A_26)
    %mul3A_27 = arith.constant 632 : i32
    %mul3A_28 = arith.muli %arg1, %mul3A_27 : i32
    %mul3A_29 = arith.constant 632 : i32
    %mul3A_30 = arith.muli %arg1, %mul3A_29 : i32
    "tpu.region"() ({
      %run_scoped3A = tpu.sem_alloc : memref<!tpu.dma_semaphore, #tpu.memory_space<semaphore_mem>>
      %dma_start3A_31 = arith.constant 0 : i32
      %dma_start3A_32 = tpu.memref_slice %arg4[%arg0, %mul3A_30, %dma_start3A_31] : memref<2x10112x128xf32, #tpu.memory_space<hbm>> -> memref<1x632x128xf32, #tpu.memory_space<hbm>>
      %dma_start3A_33 = tpu.memref_squeeze %dma_start3A_32 : memref<1x632x128xf32, #tpu.memory_space<hbm>> -> memref<632x128xf32, #tpu.memory_space<hbm>>
      %dma_start3A_34 = arith.constant 0 : i32
      %dma_start3A_35 = tpu.memref_slice %arg8[%mul3A_28, %dma_start3A_34] : memref<10112x128xf32, #tpu.memory_space<vmem_shared>> -> memref<632x128xf32, #tpu.memory_space<vmem_shared>>
      tpu.enqueue_dma source(%dma_start3A_35 : memref<632x128xf32, #tpu.memory_space<vmem_shared>>) target(%dma_start3A_33 : memref<632x128xf32, #tpu.memory_space<hbm>>) target_semaphore(%run_scoped3A : memref<!tpu.dma_semaphore, #tpu.memory_space<semaphore_mem>>)
      %dma_wait3A = arith.constant 0 : i32
      %dma_wait3A_36 = tpu.memref_slice %arg4[%arg0, %mul3A_30, %dma_wait3A] : memref<2x10112x128xf32, #tpu.memory_space<hbm>> -> memref<1x632x128xf32, #tpu.memory_space<hbm>>
      %dma_wait3A_37 = tpu.memref_squeeze %dma_wait3A_36 : memref<1x632x128xf32, #tpu.memory_space<hbm>> -> memref<632x128xf32, #tpu.memory_space<hbm>>
      %dma_wait3A_38 = arith.constant 0 : i32
      %dma_wait3A_39 = tpu.memref_slice %arg8[%mul3A_28, %dma_wait3A_38] : memref<10112x128xf32, #tpu.memory_space<vmem_shared>> -> memref<632x128xf32, #tpu.memory_space<vmem_shared>>
      tpu.wait_dma2 semaphore(%run_scoped3A : memref<!tpu.dma_semaphore, #tpu.memory_space<semaphore_mem>>) src(%dma_wait3A_39 : memref<632x128xf32, #tpu.memory_space<vmem_shared>>) dst(%dma_wait3A_37 : memref<632x128xf32, #tpu.memory_space<hbm>>)
      tpu.yield
    }) : () -> ()
    return
  }
}

#map = affine_map<(d0, d1) -> (0, 0)>
#map1 = affine_map<(d0, d1) -> (0, 0, 0)>
module attributes {stable_mosaic.version = 14 : i64} {
  func.func @body(%arg0: i32, %arg1: i32, %arg2: memref<10000x128xf32, #tpu.memory_space<hbm>>, %arg3: memref<32x80x128xi32, #tpu.memory_space<hbm>>, %arg4: memref<32x80x128xi32, #tpu.memory_space<hbm>>, %arg5: memref<2x10112x128xf32, #tpu.memory_space<hbm>>, %arg6: memref<2x128xi32, #tpu.memory_space<vmem>>, %arg7: memref<2x128xi32, #tpu.memory_space<vmem>>, %arg8: memref<128x128xf32, #tpu.memory_space<vmem>>, %arg9: memref<128x128xf32, #tpu.memory_space<vmem>>, %arg10: memref<10112x128xf32, #tpu.memory_space<vmem_shared>>, %arg11: memref<!tpu.dma_semaphore, #tpu.memory_space<semaphore_mem>>, %arg12: memref<!tpu.dma_semaphore, #tpu.memory_space<semaphore_mem>>) attributes {dimension_semantics = [#tpu.dimension_semantics<core_parallel>, #tpu.dimension_semantics<subcore_parallel>], iteration_bounds = array<i64: 2, 16>, scalar_prefetch = 0 : i64, scratch_operands = 7 : i64, tpu.core_type = #tpu.core_type<sc_vector_subcore>, window_params = [{transform_indices = #map}, {transform_indices = #map1}, {transform_indices = #map1}, {transform_indices = #map1}]} {
    %mul3A = arith.constant 2 : i32
    %mul3A_0 = arith.muli %arg1, %mul3A : i32
    %add3A = arith.addi %mul3A_0, %arg0 : i32
    %scan3A = arith.constant 0 : i32
    %scan3A_1 = arith.constant 0 : i32
    %scan3A_2 = arith.constant 128 : i32
    %scan3A_3 = arith.addi %scan3A_1, %scan3A_2 : i32
    %scan3A_4 = arith.constant 1 : i32
    scf.for %scan3A_36 = %scan3A_1 to %scan3A_3 step %scan3A_4  : i32 {
      %broadcast_in_dim3A = arith.constant 0.000000e+00 : f32
      %broadcast_in_dim3A_37 = vector.broadcast %broadcast_in_dim3A : f32 to vector<16xf32>
      %swap3A = arith.index_cast %scan3A_36 : i32 to index
      %swap3A_38 = arith.constant 0 : index
      %swap3A_39 = tpu.vector_load %arg8[%swap3A, %swap3A_38] {strides = array<i32>} : memref<128x128xf32, #tpu.memory_space<vmem>>, vector<1x16xf32>,
      %swap3A_40 = vector.shape_cast %swap3A_39 : vector<1x16xf32> to vector<16xf32>
      %swap3A_41 = vector.shape_cast %broadcast_in_dim3A_37 : vector<16xf32> to vector<1x16xf32>
      tpu.vector_store %arg8[%swap3A, %swap3A_38], %swap3A_41 {strides = array<i32>} : memref<128x128xf32, #tpu.memory_space<vmem>>, vector<1x16xf32>,
      %broadcast_in_dim3A_42 = arith.constant 0.000000e+00 : f32
      %broadcast_in_dim3A_43 = vector.broadcast %broadcast_in_dim3A_42 : f32 to vector<16xf32>
      %swap3A_44 = arith.index_cast %scan3A_36 : i32 to index
      %swap3A_45 = arith.constant 16 : index
      %swap3A_46 = tpu.vector_load %arg8[%swap3A_44, %swap3A_45] {strides = array<i32>} : memref<128x128xf32, #tpu.memory_space<vmem>>, vector<1x16xf32>,
      %swap3A_47 = vector.shape_cast %swap3A_46 : vector<1x16xf32> to vector<16xf32>
      %swap3A_48 = vector.shape_cast %broadcast_in_dim3A_43 : vector<16xf32> to vector<1x16xf32>
      tpu.vector_store %arg8[%swap3A_44, %swap3A_45], %swap3A_48 {strides = array<i32>} : memref<128x128xf32, #tpu.memory_space<vmem>>, vector<1x16xf32>,
      %broadcast_in_dim3A_49 = arith.constant 0.000000e+00 : f32
      %broadcast_in_dim3A_50 = vector.broadcast %broadcast_in_dim3A_49 : f32 to vector<16xf32>
      %swap3A_51 = arith.index_cast %scan3A_36 : i32 to index
      %swap3A_52 = arith.constant 32 : index
      %swap3A_53 = tpu.vector_load %arg8[%swap3A_51, %swap3A_52] {strides = array<i32>} : memref<128x128xf32, #tpu.memory_space<vmem>>, vector<1x16xf32>,
      %swap3A_54 = vector.shape_cast %swap3A_53 : vector<1x16xf32> to vector<16xf32>
      %swap3A_55 = vector.shape_cast %broadcast_in_dim3A_50 : vector<16xf32> to vector<1x16xf32>
      tpu.vector_store %arg8[%swap3A_51, %swap3A_52], %swap3A_55 {strides = array<i32>} : memref<128x128xf32, #tpu.memory_space<vmem>>, vector<1x16xf32>,
      %broadcast_in_dim3A_56 = arith.constant 0.000000e+00 : f32
      %broadcast_in_dim3A_57 = vector.broadcast %broadcast_in_dim3A_56 : f32 to vector<16xf32>
      %swap3A_58 = arith.index_cast %scan3A_36 : i32 to index
      %swap3A_59 = arith.constant 48 : index
      %swap3A_60 = tpu.vector_load %arg8[%swap3A_58, %swap3A_59] {strides = array<i32>} : memref<128x128xf32, #tpu.memory_space<vmem>>, vector<1x16xf32>,
      %swap3A_61 = vector.shape_cast %swap3A_60 : vector<1x16xf32> to vector<16xf32>
      %swap3A_62 = vector.shape_cast %broadcast_in_dim3A_57 : vector<16xf32> to vector<1x16xf32>
      tpu.vector_store %arg8[%swap3A_58, %swap3A_59], %swap3A_62 {strides = array<i32>} : memref<128x128xf32, #tpu.memory_space<vmem>>, vector<1x16xf32>,
      %broadcast_in_dim3A_63 = arith.constant 0.000000e+00 : f32
      %broadcast_in_dim3A_64 = vector.broadcast %broadcast_in_dim3A_63 : f32 to vector<16xf32>
      %swap3A_65 = arith.index_cast %scan3A_36 : i32 to index
      %swap3A_66 = arith.constant 64 : index
      %swap3A_67 = tpu.vector_load %arg8[%swap3A_65, %swap3A_66] {strides = array<i32>} : memref<128x128xf32, #tpu.memory_space<vmem>>, vector<1x16xf32>,
      %swap3A_68 = vector.shape_cast %swap3A_67 : vector<1x16xf32> to vector<16xf32>
      %swap3A_69 = vector.shape_cast %broadcast_in_dim3A_64 : vector<16xf32> to vector<1x16xf32>
      tpu.vector_store %arg8[%swap3A_65, %swap3A_66], %swap3A_69 {strides = array<i32>} : memref<128x128xf32, #tpu.memory_space<vmem>>, vector<1x16xf32>,
      %broadcast_in_dim3A_70 = arith.constant 0.000000e+00 : f32
      %broadcast_in_dim3A_71 = vector.broadcast %broadcast_in_dim3A_70 : f32 to vector<16xf32>
      %swap3A_72 = arith.index_cast %scan3A_36 : i32 to index
      %swap3A_73 = arith.constant 80 : index
      %swap3A_74 = tpu.vector_load %arg8[%swap3A_72, %swap3A_73] {strides = array<i32>} : memref<128x128xf32, #tpu.memory_space<vmem>>, vector<1x16xf32>,
      %swap3A_75 = vector.shape_cast %swap3A_74 : vector<1x16xf32> to vector<16xf32>
      %swap3A_76 = vector.shape_cast %broadcast_in_dim3A_71 : vector<16xf32> to vector<1x16xf32>
      tpu.vector_store %arg8[%swap3A_72, %swap3A_73], %swap3A_76 {strides = array<i32>} : memref<128x128xf32, #tpu.memory_space<vmem>>, vector<1x16xf32>,
      %broadcast_in_dim3A_77 = arith.constant 0.000000e+00 : f32
      %broadcast_in_dim3A_78 = vector.broadcast %broadcast_in_dim3A_77 : f32 to vector<16xf32>
      %swap3A_79 = arith.index_cast %scan3A_36 : i32 to index
      %swap3A_80 = arith.constant 96 : index
      %swap3A_81 = tpu.vector_load %arg8[%swap3A_79, %swap3A_80] {strides = array<i32>} : memref<128x128xf32, #tpu.memory_space<vmem>>, vector<1x16xf32>,
      %swap3A_82 = vector.shape_cast %swap3A_81 : vector<1x16xf32> to vector<16xf32>
      %swap3A_83 = vector.shape_cast %broadcast_in_dim3A_78 : vector<16xf32> to vector<1x16xf32>
      tpu.vector_store %arg8[%swap3A_79, %swap3A_80], %swap3A_83 {strides = array<i32>} : memref<128x128xf32, #tpu.memory_space<vmem>>, vector<1x16xf32>,
      %broadcast_in_dim3A_84 = arith.constant 0.000000e+00 : f32
      %broadcast_in_dim3A_85 = vector.broadcast %broadcast_in_dim3A_84 : f32 to vector<16xf32>
      %swap3A_86 = arith.index_cast %scan3A_36 : i32 to index
      %swap3A_87 = arith.constant 112 : index
      %swap3A_88 = tpu.vector_load %arg8[%swap3A_86, %swap3A_87] {strides = array<i32>} : memref<128x128xf32, #tpu.memory_space<vmem>>, vector<1x16xf32>,
      %swap3A_89 = vector.shape_cast %swap3A_88 : vector<1x16xf32> to vector<16xf32>
      %swap3A_90 = vector.shape_cast %broadcast_in_dim3A_85 : vector<16xf32> to vector<1x16xf32>
      tpu.vector_store %arg8[%swap3A_86, %swap3A_87], %swap3A_90 {strides = array<i32>} : memref<128x128xf32, #tpu.memory_space<vmem>>, vector<1x16xf32>,
    }
    %scan3A_5 = arith.constant 128 : i32
    %scan3A_6 = arith.constant 0 : i32
    %scan3A_7 = arith.constant 0 : i32
    %scan3A_8 = arith.constant 5 : i32
    %scan3A_9 = arith.addi %scan3A_7, %scan3A_8 : i32
    %scan3A_10 = arith.constant 1 : i32
    scf.for %scan3A_36 = %scan3A_7 to %scan3A_9 step %scan3A_10  : i32 {
      %mul3A_37 = arith.constant 16 : i32
      %mul3A_38 = arith.muli %scan3A_36, %mul3A_37 : i32
      %add3A_39 = arith.addi %arg1, %mul3A_38 : i32
      %lt3A = arith.constant 79 : i32
      %lt3A_40 = arith.cmpi slt, %add3A_39, %lt3A : i32
      %convert_element_type3A = arith.extui %lt3A_40 : i1 to i32
      %cond3A = arith.constant 0 : i32
      %cond3A_41 = arith.cmpi ne, %convert_element_type3A, %cond3A : i32
      scf.if %cond3A_41 {
        %mul3A_42 = arith.constant 128 : i32
        %mul3A_43 = arith.muli %add3A_39, %mul3A_42 : i32
        "tpu.region"() ({
          %run_scoped3A_44 = tpu.sem_alloc : memref<!tpu.dma_semaphore, #tpu.memory_space<semaphore_mem>>
          %dma_start3A_45 = arith.constant 0 : i32
          %dma_start3A_46 = tpu.memref_slice %arg10[%mul3A_43, %dma_start3A_45] : memref<10112x128xf32, #tpu.memory_space<vmem_shared>> -> memref<128x128xf32, #tpu.memory_space<vmem_shared>>
          %dma_start3A_47 = arith.constant 0 : i32
          %dma_start3A_48 = tpu.memref_slice %arg10[%mul3A_43, %dma_start3A_47] : memref<10112x128xf32, #tpu.memory_space<vmem_shared>> -> memref<128x128xf32, #tpu.memory_space<vmem_shared>>
          tpu.enqueue_dma source(%arg8 : memref<128x128xf32, #tpu.memory_space<vmem>>) target(%dma_start3A_48 : memref<128x128xf32, #tpu.memory_space<vmem_shared>>) target_semaphore(%run_scoped3A_44 : memref<!tpu.dma_semaphore, #tpu.memory_space<semaphore_mem>>)
          %dma_wait3A = arith.constant 0 : i32
          %dma_wait3A_49 = tpu.memref_slice %arg10[%mul3A_43, %dma_wait3A] : memref<10112x128xf32, #tpu.memory_space<vmem_shared>> -> memref<128x128xf32, #tpu.memory_space<vmem_shared>>
          %dma_wait3A_50 = arith.constant 0 : i32
          %dma_wait3A_51 = tpu.memref_slice %arg10[%mul3A_43, %dma_wait3A_50] : memref<10112x128xf32, #tpu.memory_space<vmem_shared>> -> memref<128x128xf32, #tpu.memory_space<vmem_shared>>
          tpu.wait_dma2 semaphore(%run_scoped3A_44 : memref<!tpu.dma_semaphore, #tpu.memory_space<semaphore_mem>>) src(%arg8 : memref<128x128xf32, #tpu.memory_space<vmem>>) dst(%dma_wait3A_51 : memref<128x128xf32, #tpu.memory_space<vmem_shared>>)
          tpu.yield
        }) : () -> ()
      } else {
      }
    }
    %scan3A_11 = arith.constant 5 : i32
    %barrier3A = arith.constant 0 : index
    tpu.barrier barrier_id(%barrier3A)
    %run_scoped3A = arith.constant 0 : i32
    %run_scoped3A_12 = arith.constant 0 : i32
    "tpu.region"() ({
      %run_scoped3A_36 = tpu.sem_alloc : memref<!tpu.dma_semaphore, #tpu.memory_space<semaphore_mem>>
      %dma_start3A_37 = arith.constant 0 : i32
      %dma_start3A_38 = tpu.memref_slice %arg6[%run_scoped3A_12, %dma_start3A_37] : memref<2x128xi32, #tpu.memory_space<vmem>> -> memref<1x128xi32, #tpu.memory_space<vmem>>
      %dma_start3A_39 = tpu.memref_squeeze %dma_start3A_38 : memref<1x128xi32, #tpu.memory_space<vmem>> -> memref<128xi32, #tpu.memory_space<vmem>>
      %dma_start3A_40 = arith.constant 0 : i32
      %dma_start3A_41 = tpu.memref_slice %arg3[%add3A, %run_scoped3A, %dma_start3A_40] : memref<32x80x128xi32, #tpu.memory_space<hbm>> -> memref<1x1x128xi32, #tpu.memory_space<hbm>>
      %dma_start3A_42 = tpu.memref_squeeze %dma_start3A_41 : memref<1x1x128xi32, #tpu.memory_space<hbm>> -> memref<128xi32, #tpu.memory_space<hbm>>
      %dma_start3A_43 = arith.constant 0 : i32
      %dma_start3A_44 = tpu.memref_slice %arg6[%run_scoped3A_12, %dma_start3A_43] : memref<2x128xi32, #tpu.memory_space<vmem>> -> memref<1x128xi32, #tpu.memory_space<vmem>>
      %dma_start3A_45 = tpu.memref_squeeze %dma_start3A_44 : memref<1x128xi32, #tpu.memory_space<vmem>> -> memref<128xi32, #tpu.memory_space<vmem>>
      %dma_start3A_46 = arith.constant 0 : i32
      %dma_start3A_47 = tpu.memref_slice %arg3[%add3A, %run_scoped3A, %dma_start3A_46] : memref<32x80x128xi32, #tpu.memory_space<hbm>> -> memref<1x1x128xi32, #tpu.memory_space<hbm>>
      %dma_start3A_48 = tpu.memref_squeeze %dma_start3A_47 : memref<1x1x128xi32, #tpu.memory_space<hbm>> -> memref<128xi32, #tpu.memory_space<hbm>>
      tpu.enqueue_dma source(%dma_start3A_48 : memref<128xi32, #tpu.memory_space<hbm>>) target(%dma_start3A_45 : memref<128xi32, #tpu.memory_space<vmem>>) target_semaphore(%run_scoped3A_36 : memref<!tpu.dma_semaphore, #tpu.memory_space<semaphore_mem>>)
      %dma_wait3A = arith.constant 0 : i32
      %dma_wait3A_49 = tpu.memref_slice %arg6[%run_scoped3A_12, %dma_wait3A] : memref<2x128xi32, #tpu.memory_space<vmem>> -> memref<1x128xi32, #tpu.memory_space<vmem>>
      %dma_wait3A_50 = tpu.memref_squeeze %dma_wait3A_49 : memref<1x128xi32, #tpu.memory_space<vmem>> -> memref<128xi32, #tpu.memory_space<vmem>>
      %dma_wait3A_51 = arith.constant 0 : i32
      %dma_wait3A_52 = tpu.memref_slice %arg3[%add3A, %run_scoped3A, %dma_wait3A_51] : memref<32x80x128xi32, #tpu.memory_space<hbm>> -> memref<1x1x128xi32, #tpu.memory_space<hbm>>
      %dma_wait3A_53 = tpu.memref_squeeze %dma_wait3A_52 : memref<1x1x128xi32, #tpu.memory_space<hbm>> -> memref<128xi32, #tpu.memory_space<hbm>>
      %dma_wait3A_54 = arith.constant 0 : i32
      %dma_wait3A_55 = tpu.memref_slice %arg6[%run_scoped3A_12, %dma_wait3A_54] : memref<2x128xi32, #tpu.memory_space<vmem>> -> memref<1x128xi32, #tpu.memory_space<vmem>>
      %dma_wait3A_56 = tpu.memref_squeeze %dma_wait3A_55 : memref<1x128xi32, #tpu.memory_space<vmem>> -> memref<128xi32, #tpu.memory_space<vmem>>
      %dma_wait3A_57 = arith.constant 0 : i32
      %dma_wait3A_58 = tpu.memref_slice %arg3[%add3A, %run_scoped3A, %dma_wait3A_57] : memref<32x80x128xi32, #tpu.memory_space<hbm>> -> memref<1x1x128xi32, #tpu.memory_space<hbm>>
      %dma_wait3A_59 = tpu.memref_squeeze %dma_wait3A_58 : memref<1x1x128xi32, #tpu.memory_space<hbm>> -> memref<128xi32, #tpu.memory_space<hbm>>
      tpu.wait_dma2 semaphore(%run_scoped3A_36 : memref<!tpu.dma_semaphore, #tpu.memory_space<semaphore_mem>>) src(%dma_wait3A_59 : memref<128xi32, #tpu.memory_space<hbm>>) dst(%dma_wait3A_56 : memref<128xi32, #tpu.memory_space<vmem>>)
      tpu.yield
    }) : () -> ()
    %run_scoped3A_13 = arith.constant 0 : i32
    %run_scoped3A_14 = arith.constant 0 : i32
    "tpu.region"() ({
      %run_scoped3A_36 = tpu.sem_alloc : memref<!tpu.dma_semaphore, #tpu.memory_space<semaphore_mem>>
      %dma_start3A_37 = arith.constant 0 : i32
      %dma_start3A_38 = tpu.memref_slice %arg7[%run_scoped3A_14, %dma_start3A_37] : memref<2x128xi32, #tpu.memory_space<vmem>> -> memref<1x128xi32, #tpu.memory_space<vmem>>
      %dma_start3A_39 = tpu.memref_squeeze %dma_start3A_38 : memref<1x128xi32, #tpu.memory_space<vmem>> -> memref<128xi32, #tpu.memory_space<vmem>>
      %dma_start3A_40 = arith.constant 0 : i32
      %dma_start3A_41 = tpu.memref_slice %arg4[%add3A, %run_scoped3A_13, %dma_start3A_40] : memref<32x80x128xi32, #tpu.memory_space<hbm>> -> memref<1x1x128xi32, #tpu.memory_space<hbm>>
      %dma_start3A_42 = tpu.memref_squeeze %dma_start3A_41 : memref<1x1x128xi32, #tpu.memory_space<hbm>> -> memref<128xi32, #tpu.memory_space<hbm>>
      %dma_start3A_43 = arith.constant 0 : i32
      %dma_start3A_44 = tpu.memref_slice %arg7[%run_scoped3A_14, %dma_start3A_43] : memref<2x128xi32, #tpu.memory_space<vmem>> -> memref<1x128xi32, #tpu.memory_space<vmem>>
      %dma_start3A_45 = tpu.memref_squeeze %dma_start3A_44 : memref<1x128xi32, #tpu.memory_space<vmem>> -> memref<128xi32, #tpu.memory_space<vmem>>
      %dma_start3A_46 = arith.constant 0 : i32
      %dma_start3A_47 = tpu.memref_slice %arg4[%add3A, %run_scoped3A_13, %dma_start3A_46] : memref<32x80x128xi32, #tpu.memory_space<hbm>> -> memref<1x1x128xi32, #tpu.memory_space<hbm>>
      %dma_start3A_48 = tpu.memref_squeeze %dma_start3A_47 : memref<1x1x128xi32, #tpu.memory_space<hbm>> -> memref<128xi32, #tpu.memory_space<hbm>>
      tpu.enqueue_dma source(%dma_start3A_48 : memref<128xi32, #tpu.memory_space<hbm>>) target(%dma_start3A_45 : memref<128xi32, #tpu.memory_space<vmem>>) target_semaphore(%run_scoped3A_36 : memref<!tpu.dma_semaphore, #tpu.memory_space<semaphore_mem>>)
      %dma_wait3A = arith.constant 0 : i32
      %dma_wait3A_49 = tpu.memref_slice %arg7[%run_scoped3A_14, %dma_wait3A] : memref<2x128xi32, #tpu.memory_space<vmem>> -> memref<1x128xi32, #tpu.memory_space<vmem>>
      %dma_wait3A_50 = tpu.memref_squeeze %dma_wait3A_49 : memref<1x128xi32, #tpu.memory_space<vmem>> -> memref<128xi32, #tpu.memory_space<vmem>>
      %dma_wait3A_51 = arith.constant 0 : i32
      %dma_wait3A_52 = tpu.memref_slice %arg4[%add3A, %run_scoped3A_13, %dma_wait3A_51] : memref<32x80x128xi32, #tpu.memory_space<hbm>> -> memref<1x1x128xi32, #tpu.memory_space<hbm>>
      %dma_wait3A_53 = tpu.memref_squeeze %dma_wait3A_52 : memref<1x1x128xi32, #tpu.memory_space<hbm>> -> memref<128xi32, #tpu.memory_space<hbm>>
      %dma_wait3A_54 = arith.constant 0 : i32
      %dma_wait3A_55 = tpu.memref_slice %arg7[%run_scoped3A_14, %dma_wait3A_54] : memref<2x128xi32, #tpu.memory_space<vmem>> -> memref<1x128xi32, #tpu.memory_space<vmem>>
      %dma_wait3A_56 = tpu.memref_squeeze %dma_wait3A_55 : memref<1x128xi32, #tpu.memory_space<vmem>> -> memref<128xi32, #tpu.memory_space<vmem>>
      %dma_wait3A_57 = arith.constant 0 : i32
      %dma_wait3A_58 = tpu.memref_slice %arg4[%add3A, %run_scoped3A_13, %dma_wait3A_57] : memref<32x80x128xi32, #tpu.memory_space<hbm>> -> memref<1x1x128xi32, #tpu.memory_space<hbm>>
      %dma_wait3A_59 = tpu.memref_squeeze %dma_wait3A_58 : memref<1x1x128xi32, #tpu.memory_space<hbm>> -> memref<128xi32, #tpu.memory_space<hbm>>
      tpu.wait_dma2 semaphore(%run_scoped3A_36 : memref<!tpu.dma_semaphore, #tpu.memory_space<semaphore_mem>>) src(%dma_wait3A_59 : memref<128xi32, #tpu.memory_space<hbm>>) dst(%dma_wait3A_56 : memref<128xi32, #tpu.memory_space<vmem>>)
      tpu.yield
    }) : () -> ()
    %run_scoped3A_15 = arith.constant 1 : i32
    %run_scoped3A_16 = arith.constant 1 : i32
    "tpu.region"() ({
      %run_scoped3A_36 = tpu.sem_alloc : memref<!tpu.dma_semaphore, #tpu.memory_space<semaphore_mem>>
      %dma_start3A_37 = arith.constant 0 : i32
      %dma_start3A_38 = tpu.memref_slice %arg6[%run_scoped3A_16, %dma_start3A_37] : memref<2x128xi32, #tpu.memory_space<vmem>> -> memref<1x128xi32, #tpu.memory_space<vmem>>
      %dma_start3A_39 = tpu.memref_squeeze %dma_start3A_38 : memref<1x128xi32, #tpu.memory_space<vmem>> -> memref<128xi32, #tpu.memory_space<vmem>>
      %dma_start3A_40 = arith.constant 0 : i32
      %dma_start3A_41 = tpu.memref_slice %arg3[%add3A, %run_scoped3A_15, %dma_start3A_40] : memref<32x80x128xi32, #tpu.memory_space<hbm>> -> memref<1x1x128xi32, #tpu.memory_space<hbm>>
      %dma_start3A_42 = tpu.memref_squeeze %dma_start3A_41 : memref<1x1x128xi32, #tpu.memory_space<hbm>> -> memref<128xi32, #tpu.memory_space<hbm>>
      %dma_start3A_43 = arith.constant 0 : i32
      %dma_start3A_44 = tpu.memref_slice %arg6[%run_scoped3A_16, %dma_start3A_43] : memref<2x128xi32, #tpu.memory_space<vmem>> -> memref<1x128xi32, #tpu.memory_space<vmem>>
      %dma_start3A_45 = tpu.memref_squeeze %dma_start3A_44 : memref<1x128xi32, #tpu.memory_space<vmem>> -> memref<128xi32, #tpu.memory_space<vmem>>
      %dma_start3A_46 = arith.constant 0 : i32
      %dma_start3A_47 = tpu.memref_slice %arg3[%add3A, %run_scoped3A_15, %dma_start3A_46] : memref<32x80x128xi32, #tpu.memory_space<hbm>> -> memref<1x1x128xi32, #tpu.memory_space<hbm>>
      %dma_start3A_48 = tpu.memref_squeeze %dma_start3A_47 : memref<1x1x128xi32, #tpu.memory_space<hbm>> -> memref<128xi32, #tpu.memory_space<hbm>>
      tpu.enqueue_dma source(%dma_start3A_48 : memref<128xi32, #tpu.memory_space<hbm>>) target(%dma_start3A_45 : memref<128xi32, #tpu.memory_space<vmem>>) target_semaphore(%run_scoped3A_36 : memref<!tpu.dma_semaphore, #tpu.memory_space<semaphore_mem>>)
      %dma_wait3A = arith.constant 0 : i32
      %dma_wait3A_49 = tpu.memref_slice %arg6[%run_scoped3A_16, %dma_wait3A] : memref<2x128xi32, #tpu.memory_space<vmem>> -> memref<1x128xi32, #tpu.memory_space<vmem>>
      %dma_wait3A_50 = tpu.memref_squeeze %dma_wait3A_49 : memref<1x128xi32, #tpu.memory_space<vmem>> -> memref<128xi32, #tpu.memory_space<vmem>>
      %dma_wait3A_51 = arith.constant 0 : i32
      %dma_wait3A_52 = tpu.memref_slice %arg3[%add3A, %run_scoped3A_15, %dma_wait3A_51] : memref<32x80x128xi32, #tpu.memory_space<hbm>> -> memref<1x1x128xi32, #tpu.memory_space<hbm>>
      %dma_wait3A_53 = tpu.memref_squeeze %dma_wait3A_52 : memref<1x1x128xi32, #tpu.memory_space<hbm>> -> memref<128xi32, #tpu.memory_space<hbm>>
      %dma_wait3A_54 = arith.constant 0 : i32
      %dma_wait3A_55 = tpu.memref_slice %arg6[%run_scoped3A_16, %dma_wait3A_54] : memref<2x128xi32, #tpu.memory_space<vmem>> -> memref<1x128xi32, #tpu.memory_space<vmem>>
      %dma_wait3A_56 = tpu.memref_squeeze %dma_wait3A_55 : memref<1x128xi32, #tpu.memory_space<vmem>> -> memref<128xi32, #tpu.memory_space<vmem>>
      %dma_wait3A_57 = arith.constant 0 : i32
      %dma_wait3A_58 = tpu.memref_slice %arg3[%add3A, %run_scoped3A_15, %dma_wait3A_57] : memref<32x80x128xi32, #tpu.memory_space<hbm>> -> memref<1x1x128xi32, #tpu.memory_space<hbm>>
      %dma_wait3A_59 = tpu.memref_squeeze %dma_wait3A_58 : memref<1x1x128xi32, #tpu.memory_space<hbm>> -> memref<128xi32, #tpu.memory_space<hbm>>
      tpu.wait_dma2 semaphore(%run_scoped3A_36 : memref<!tpu.dma_semaphore, #tpu.memory_space<semaphore_mem>>) src(%dma_wait3A_59 : memref<128xi32, #tpu.memory_space<hbm>>) dst(%dma_wait3A_56 : memref<128xi32, #tpu.memory_space<vmem>>)
      tpu.yield
    }) : () -> ()
    %run_scoped3A_17 = arith.constant 1 : i32
    %run_scoped3A_18 = arith.constant 1 : i32
    "tpu.region"() ({
      %run_scoped3A_36 = tpu.sem_alloc : memref<!tpu.dma_semaphore, #tpu.memory_space<semaphore_mem>>
      %dma_start3A_37 = arith.constant 0 : i32
      %dma_start3A_38 = tpu.memref_slice %arg7[%run_scoped3A_18, %dma_start3A_37] : memref<2x128xi32, #tpu.memory_space<vmem>> -> memref<1x128xi32, #tpu.memory_space<vmem>>
      %dma_start3A_39 = tpu.memref_squeeze %dma_start3A_38 : memref<1x128xi32, #tpu.memory_space<vmem>> -> memref<128xi32, #tpu.memory_space<vmem>>
      %dma_start3A_40 = arith.constant 0 : i32
      %dma_start3A_41 = tpu.memref_slice %arg4[%add3A, %run_scoped3A_17, %dma_start3A_40] : memref<32x80x128xi32, #tpu.memory_space<hbm>> -> memref<1x1x128xi32, #tpu.memory_space<hbm>>
      %dma_start3A_42 = tpu.memref_squeeze %dma_start3A_41 : memref<1x1x128xi32, #tpu.memory_space<hbm>> -> memref<128xi32, #tpu.memory_space<hbm>>
      %dma_start3A_43 = arith.constant 0 : i32
      %dma_start3A_44 = tpu.memref_slice %arg7[%run_scoped3A_18, %dma_start3A_43] : memref<2x128xi32, #tpu.memory_space<vmem>> -> memref<1x128xi32, #tpu.memory_space<vmem>>
      %dma_start3A_45 = tpu.memref_squeeze %dma_start3A_44 : memref<1x128xi32, #tpu.memory_space<vmem>> -> memref<128xi32, #tpu.memory_space<vmem>>
      %dma_start3A_46 = arith.constant 0 : i32
      %dma_start3A_47 = tpu.memref_slice %arg4[%add3A, %run_scoped3A_17, %dma_start3A_46] : memref<32x80x128xi32, #tpu.memory_space<hbm>> -> memref<1x1x128xi32, #tpu.memory_space<hbm>>
      %dma_start3A_48 = tpu.memref_squeeze %dma_start3A_47 : memref<1x1x128xi32, #tpu.memory_space<hbm>> -> memref<128xi32, #tpu.memory_space<hbm>>
      tpu.enqueue_dma source(%dma_start3A_48 : memref<128xi32, #tpu.memory_space<hbm>>) target(%dma_start3A_45 : memref<128xi32, #tpu.memory_space<vmem>>) target_semaphore(%run_scoped3A_36 : memref<!tpu.dma_semaphore, #tpu.memory_space<semaphore_mem>>)
      %dma_wait3A = arith.constant 0 : i32
      %dma_wait3A_49 = tpu.memref_slice %arg7[%run_scoped3A_18, %dma_wait3A] : memref<2x128xi32, #tpu.memory_space<vmem>> -> memref<1x128xi32, #tpu.memory_space<vmem>>
      %dma_wait3A_50 = tpu.memref_squeeze %dma_wait3A_49 : memref<1x128xi32, #tpu.memory_space<vmem>> -> memref<128xi32, #tpu.memory_space<vmem>>
      %dma_wait3A_51 = arith.constant 0 : i32
      %dma_wait3A_52 = tpu.memref_slice %arg4[%add3A, %run_scoped3A_17, %dma_wait3A_51] : memref<32x80x128xi32, #tpu.memory_space<hbm>> -> memref<1x1x128xi32, #tpu.memory_space<hbm>>
      %dma_wait3A_53 = tpu.memref_squeeze %dma_wait3A_52 : memref<1x1x128xi32, #tpu.memory_space<hbm>> -> memref<128xi32, #tpu.memory_space<hbm>>
      %dma_wait3A_54 = arith.constant 0 : i32
      %dma_wait3A_55 = tpu.memref_slice %arg7[%run_scoped3A_18, %dma_wait3A_54] : memref<2x128xi32, #tpu.memory_space<vmem>> -> memref<1x128xi32, #tpu.memory_space<vmem>>
      %dma_wait3A_56 = tpu.memref_squeeze %dma_wait3A_55 : memref<1x128xi32, #tpu.memory_space<vmem>> -> memref<128xi32, #tpu.memory_space<vmem>>
      %dma_wait3A_57 = arith.constant 0 : i32
      %dma_wait3A_58 = tpu.memref_slice %arg4[%add3A, %run_scoped3A_17, %dma_wait3A_57] : memref<32x80x128xi32, #tpu.memory_space<hbm>> -> memref<1x1x128xi32, #tpu.memory_space<hbm>>
      %dma_wait3A_59 = tpu.memref_squeeze %dma_wait3A_58 : memref<1x1x128xi32, #tpu.memory_space<hbm>> -> memref<128xi32, #tpu.memory_space<hbm>>
      tpu.wait_dma2 semaphore(%run_scoped3A_36 : memref<!tpu.dma_semaphore, #tpu.memory_space<semaphore_mem>>) src(%dma_wait3A_59 : memref<128xi32, #tpu.memory_space<hbm>>) dst(%dma_wait3A_56 : memref<128xi32, #tpu.memory_space<vmem>>)
      tpu.yield
    }) : () -> ()
    %dma_start3A = arith.constant 0 : i32
    %dma_start3A_19 = arith.constant 0 : i32
    %dma_start3A_20 = tpu.memref_slice %arg6[%dma_start3A, %dma_start3A_19] : memref<2x128xi32, #tpu.memory_space<vmem>> -> memref<1x128xi32, #tpu.memory_space<vmem>>
    %dma_start3A_21 = tpu.memref_squeeze %dma_start3A_20 : memref<1x128xi32, #tpu.memory_space<vmem>> -> memref<128xi32, #tpu.memory_space<vmem>>
    %dma_start3A_22 = arith.constant 0 : i32
    %dma_start3A_23 = arith.constant 0 : i32
    %dma_start3A_24 = tpu.memref_slice %arg2[%dma_start3A_22, %dma_start3A_23] : memref<10000x128xf32, #tpu.memory_space<hbm>> -> memref<10000x128xf32, #tpu.memory_space<hbm>>
    tpu.enqueue_indirect_dma source(%dma_start3A_24 : memref<10000x128xf32, #tpu.memory_space<hbm>>) target(%arg8 : memref<128x128xf32, #tpu.memory_space<vmem>>) offsets(%dma_start3A_21 : memref<128xi32, #tpu.memory_space<vmem>>) semaphore(%arg11 : memref<!tpu.dma_semaphore, #tpu.memory_space<semaphore_mem>>)
    %scan3A_25 = arith.constant 0 : i32
    %scan3A_26 = arith.constant 0 : i32
    %scan3A_27 = arith.constant 40 : i32
    %scan3A_28 = arith.addi %scan3A_26, %scan3A_27 : i32
    %scan3A_29 = arith.constant 1 : i32
    scf.for %scan3A_36 = %scan3A_26 to %scan3A_28 step %scan3A_29  : i32 {
      %mul3A_37 = arith.constant 2 : i32
      %mul3A_38 = arith.muli %mul3A_37, %scan3A_36 : i32
      %add3A_39 = arith.constant 1 : i32
      %add3A_40 = arith.addi %mul3A_38, %add3A_39 : i32
      %dma_start3A_41 = arith.constant 1 : i32
      %dma_start3A_42 = arith.constant 0 : i32
      %dma_start3A_43 = tpu.memref_slice %arg6[%dma_start3A_41, %dma_start3A_42] : memref<2x128xi32, #tpu.memory_space<vmem>> -> memref<1x128xi32, #tpu.memory_space<vmem>>
      %dma_start3A_44 = tpu.memref_squeeze %dma_start3A_43 : memref<1x128xi32, #tpu.memory_space<vmem>> -> memref<128xi32, #tpu.memory_space<vmem>>
      %dma_start3A_45 = arith.constant 0 : i32
      %dma_start3A_46 = arith.constant 0 : i32
      %dma_start3A_47 = tpu.memref_slice %arg2[%dma_start3A_45, %dma_start3A_46] : memref<10000x128xf32, #tpu.memory_space<hbm>> -> memref<10000x128xf32, #tpu.memory_space<hbm>>
      tpu.enqueue_indirect_dma source(%dma_start3A_47 : memref<10000x128xf32, #tpu.memory_space<hbm>>) target(%arg9 : memref<128x128xf32, #tpu.memory_space<vmem>>) offsets(%dma_start3A_44 : memref<128xi32, #tpu.memory_space<vmem>>) semaphore(%arg12 : memref<!tpu.dma_semaphore, #tpu.memory_space<semaphore_mem>>)
      %dma_wait3A = arith.constant 0 : i32
      %dma_wait3A_48 = arith.constant 0 : i32
      %dma_wait3A_49 = tpu.memref_slice %arg6[%dma_wait3A, %dma_wait3A_48] : memref<2x128xi32, #tpu.memory_space<vmem>> -> memref<1x128xi32, #tpu.memory_space<vmem>>
      %dma_wait3A_50 = tpu.memref_squeeze %dma_wait3A_49 : memref<1x128xi32, #tpu.memory_space<vmem>> -> memref<128xi32, #tpu.memory_space<vmem>>
      %dma_wait3A_51 = arith.constant 0 : i32
      %dma_wait3A_52 = arith.constant 0 : i32
      %dma_wait3A_53 = tpu.memref_slice %arg2[%dma_wait3A_51, %dma_wait3A_52] : memref<10000x128xf32, #tpu.memory_space<hbm>> -> memref<10000x128xf32, #tpu.memory_space<hbm>>
      tpu.wait_indirect_dma semaphore(%arg11 : memref<!tpu.dma_semaphore, #tpu.memory_space<semaphore_mem>>) src(%dma_wait3A_53 : memref<10000x128xf32, #tpu.memory_space<hbm>>) dst(%arg8 : memref<128x128xf32, #tpu.memory_space<vmem>>)
      %run_scoped3A_54 = arith.constant 0 : i32
      "tpu.region"() ({
        %run_scoped3A_74 = tpu.sem_alloc : memref<!tpu.dma_semaphore, #tpu.memory_space<semaphore_mem>>
        %dma_start3A_75 = arith.constant 0 : i32
        %dma_start3A_76 = tpu.memref_slice %arg7[%run_scoped3A_54, %dma_start3A_75] : memref<2x128xi32, #tpu.memory_space<vmem>> -> memref<1x128xi32, #tpu.memory_space<vmem>>
        %dma_start3A_77 = tpu.memref_squeeze %dma_start3A_76 : memref<1x128xi32, #tpu.memory_space<vmem>> -> memref<128xi32, #tpu.memory_space<vmem>>
        %dma_start3A_78 = arith.constant 0 : i32
        %dma_start3A_79 = arith.constant 0 : i32
        %dma_start3A_80 = tpu.memref_slice %arg10[%dma_start3A_78, %dma_start3A_79] : memref<10112x128xf32, #tpu.memory_space<vmem_shared>> -> memref<10112x128xf32, #tpu.memory_space<vmem_shared>>
        tpu.enqueue_indirect_dma source(%arg8 : memref<128x128xf32, #tpu.memory_space<vmem>>) target(%dma_start3A_80 : memref<10112x128xf32, #tpu.memory_space<vmem_shared>>) offsets(%dma_start3A_77 : memref<128xi32, #tpu.memory_space<vmem>>) semaphore(%run_scoped3A_74 : memref<!tpu.dma_semaphore, #tpu.memory_space<semaphore_mem>>) {add = true}
        %dma_wait3A_81 = arith.constant 0 : i32
        %dma_wait3A_82 = tpu.memref_slice %arg7[%run_scoped3A_54, %dma_wait3A_81] : memref<2x128xi32, #tpu.memory_space<vmem>> -> memref<1x128xi32, #tpu.memory_space<vmem>>
        %dma_wait3A_83 = tpu.memref_squeeze %dma_wait3A_82 : memref<1x128xi32, #tpu.memory_space<vmem>> -> memref<128xi32, #tpu.memory_space<vmem>>
        %dma_wait3A_84 = arith.constant 0 : i32
        %dma_wait3A_85 = arith.constant 0 : i32
        %dma_wait3A_86 = tpu.memref_slice %arg10[%dma_wait3A_84, %dma_wait3A_85] : memref<10112x128xf32, #tpu.memory_space<vmem_shared>> -> memref<10112x128xf32, #tpu.memory_space<vmem_shared>>
        tpu.wait_indirect_dma semaphore(%run_scoped3A_74 : memref<!tpu.dma_semaphore, #tpu.memory_space<semaphore_mem>>) src(%arg8 : memref<128x128xf32, #tpu.memory_space<vmem>>) dst(%dma_wait3A_86 : memref<10112x128xf32, #tpu.memory_space<vmem_shared>>)
        tpu.yield
      }) : () -> ()
      %add3A_55 = arith.constant 1 : i32
      %add3A_56 = arith.addi %scan3A_36, %add3A_55 : i32
      %lt3A = arith.constant 40 : i32
      %lt3A_57 = arith.cmpi slt, %add3A_56, %lt3A : i32
      %convert_element_type3A = arith.extui %lt3A_57 : i1 to i32
      %cond3A = arith.constant 0 : i32
      %cond3A_58 = arith.cmpi ne, %convert_element_type3A, %cond3A : i32
      scf.if %cond3A_58 {
        %add3A_74 = arith.constant 2 : i32
        %add3A_75 = arith.addi %mul3A_38, %add3A_74 : i32
        %run_scoped3A_76 = arith.constant 0 : i32
        "tpu.region"() ({
          %run_scoped3A_87 = tpu.sem_alloc : memref<!tpu.dma_semaphore, #tpu.memory_space<semaphore_mem>>
          %dma_start3A_88 = arith.constant 0 : i32
          %dma_start3A_89 = tpu.memref_slice %arg6[%run_scoped3A_76, %dma_start3A_88] : memref<2x128xi32, #tpu.memory_space<vmem>> -> memref<1x128xi32, #tpu.memory_space<vmem>>
          %dma_start3A_90 = tpu.memref_squeeze %dma_start3A_89 : memref<1x128xi32, #tpu.memory_space<vmem>> -> memref<128xi32, #tpu.memory_space<vmem>>
          %dma_start3A_91 = arith.constant 0 : i32
          %dma_start3A_92 = tpu.memref_slice %arg3[%add3A, %add3A_75, %dma_start3A_91] : memref<32x80x128xi32, #tpu.memory_space<hbm>> -> memref<1x1x128xi32, #tpu.memory_space<hbm>>
          %dma_start3A_93 = tpu.memref_squeeze %dma_start3A_92 : memref<1x1x128xi32, #tpu.memory_space<hbm>> -> memref<128xi32, #tpu.memory_space<hbm>>
          %dma_start3A_94 = arith.constant 0 : i32
          %dma_start3A_95 = tpu.memref_slice %arg6[%run_scoped3A_76, %dma_start3A_94] : memref<2x128xi32, #tpu.memory_space<vmem>> -> memref<1x128xi32, #tpu.memory_space<vmem>>
          %dma_start3A_96 = tpu.memref_squeeze %dma_start3A_95 : memref<1x128xi32, #tpu.memory_space<vmem>> -> memref<128xi32, #tpu.memory_space<vmem>>
          %dma_start3A_97 = arith.constant 0 : i32
          %dma_start3A_98 = tpu.memref_slice %arg3[%add3A, %add3A_75, %dma_start3A_97] : memref<32x80x128xi32, #tpu.memory_space<hbm>> -> memref<1x1x128xi32, #tpu.memory_space<hbm>>
          %dma_start3A_99 = tpu.memref_squeeze %dma_start3A_98 : memref<1x1x128xi32, #tpu.memory_space<hbm>> -> memref<128xi32, #tpu.memory_space<hbm>>
          tpu.enqueue_dma source(%dma_start3A_99 : memref<128xi32, #tpu.memory_space<hbm>>) target(%dma_start3A_96 : memref<128xi32, #tpu.memory_space<vmem>>) target_semaphore(%run_scoped3A_87 : memref<!tpu.dma_semaphore, #tpu.memory_space<semaphore_mem>>)
          %dma_wait3A_100 = arith.constant 0 : i32
          %dma_wait3A_101 = tpu.memref_slice %arg6[%run_scoped3A_76, %dma_wait3A_100] : memref<2x128xi32, #tpu.memory_space<vmem>> -> memref<1x128xi32, #tpu.memory_space<vmem>>
          %dma_wait3A_102 = tpu.memref_squeeze %dma_wait3A_101 : memref<1x128xi32, #tpu.memory_space<vmem>> -> memref<128xi32, #tpu.memory_space<vmem>>
          %dma_wait3A_103 = arith.constant 0 : i32
          %dma_wait3A_104 = tpu.memref_slice %arg3[%add3A, %add3A_75, %dma_wait3A_103] : memref<32x80x128xi32, #tpu.memory_space<hbm>> -> memref<1x1x128xi32, #tpu.memory_space<hbm>>
          %dma_wait3A_105 = tpu.memref_squeeze %dma_wait3A_104 : memref<1x1x128xi32, #tpu.memory_space<hbm>> -> memref<128xi32, #tpu.memory_space<hbm>>
          %dma_wait3A_106 = arith.constant 0 : i32
          %dma_wait3A_107 = tpu.memref_slice %arg6[%run_scoped3A_76, %dma_wait3A_106] : memref<2x128xi32, #tpu.memory_space<vmem>> -> memref<1x128xi32, #tpu.memory_space<vmem>>
          %dma_wait3A_108 = tpu.memref_squeeze %dma_wait3A_107 : memref<1x128xi32, #tpu.memory_space<vmem>> -> memref<128xi32, #tpu.memory_space<vmem>>
          %dma_wait3A_109 = arith.constant 0 : i32
          %dma_wait3A_110 = tpu.memref_slice %arg3[%add3A, %add3A_75, %dma_wait3A_109] : memref<32x80x128xi32, #tpu.memory_space<hbm>> -> memref<1x1x128xi32, #tpu.memory_space<hbm>>
          %dma_wait3A_111 = tpu.memref_squeeze %dma_wait3A_110 : memref<1x1x128xi32, #tpu.memory_space<hbm>> -> memref<128xi32, #tpu.memory_space<hbm>>
          tpu.wait_dma2 semaphore(%run_scoped3A_87 : memref<!tpu.dma_semaphore, #tpu.memory_space<semaphore_mem>>) src(%dma_wait3A_111 : memref<128xi32, #tpu.memory_space<hbm>>) dst(%dma_wait3A_108 : memref<128xi32, #tpu.memory_space<vmem>>)
          tpu.yield
        }) : () -> ()
        %add3A_77 = arith.constant 2 : i32
        %add3A_78 = arith.addi %mul3A_38, %add3A_77 : i32
        %run_scoped3A_79 = arith.constant 0 : i32
        "tpu.region"() ({
          %run_scoped3A_87 = tpu.sem_alloc : memref<!tpu.dma_semaphore, #tpu.memory_space<semaphore_mem>>
          %dma_start3A_88 = arith.constant 0 : i32
          %dma_start3A_89 = tpu.memref_slice %arg7[%run_scoped3A_79, %dma_start3A_88] : memref<2x128xi32, #tpu.memory_space<vmem>> -> memref<1x128xi32, #tpu.memory_space<vmem>>
          %dma_start3A_90 = tpu.memref_squeeze %dma_start3A_89 : memref<1x128xi32, #tpu.memory_space<vmem>> -> memref<128xi32, #tpu.memory_space<vmem>>
          %dma_start3A_91 = arith.constant 0 : i32
          %dma_start3A_92 = tpu.memref_slice %arg4[%add3A, %add3A_78, %dma_start3A_91] : memref<32x80x128xi32, #tpu.memory_space<hbm>> -> memref<1x1x128xi32, #tpu.memory_space<hbm>>
          %dma_start3A_93 = tpu.memref_squeeze %dma_start3A_92 : memref<1x1x128xi32, #tpu.memory_space<hbm>> -> memref<128xi32, #tpu.memory_space<hbm>>
          %dma_start3A_94 = arith.constant 0 : i32
          %dma_start3A_95 = tpu.memref_slice %arg7[%run_scoped3A_79, %dma_start3A_94] : memref<2x128xi32, #tpu.memory_space<vmem>> -> memref<1x128xi32, #tpu.memory_space<vmem>>
          %dma_start3A_96 = tpu.memref_squeeze %dma_start3A_95 : memref<1x128xi32, #tpu.memory_space<vmem>> -> memref<128xi32, #tpu.memory_space<vmem>>
          %dma_start3A_97 = arith.constant 0 : i32
          %dma_start3A_98 = tpu.memref_slice %arg4[%add3A, %add3A_78, %dma_start3A_97] : memref<32x80x128xi32, #tpu.memory_space<hbm>> -> memref<1x1x128xi32, #tpu.memory_space<hbm>>
          %dma_start3A_99 = tpu.memref_squeeze %dma_start3A_98 : memref<1x1x128xi32, #tpu.memory_space<hbm>> -> memref<128xi32, #tpu.memory_space<hbm>>
          tpu.enqueue_dma source(%dma_start3A_99 : memref<128xi32, #tpu.memory_space<hbm>>) target(%dma_start3A_96 : memref<128xi32, #tpu.memory_space<vmem>>) target_semaphore(%run_scoped3A_87 : memref<!tpu.dma_semaphore, #tpu.memory_space<semaphore_mem>>)
          %dma_wait3A_100 = arith.constant 0 : i32
          %dma_wait3A_101 = tpu.memref_slice %arg7[%run_scoped3A_79, %dma_wait3A_100] : memref<2x128xi32, #tpu.memory_space<vmem>> -> memref<1x128xi32, #tpu.memory_space<vmem>>
          %dma_wait3A_102 = tpu.memref_squeeze %dma_wait3A_101 : memref<1x128xi32, #tpu.memory_space<vmem>> -> memref<128xi32, #tpu.memory_space<vmem>>
          %dma_wait3A_103 = arith.constant 0 : i32
          %dma_wait3A_104 = tpu.memref_slice %arg4[%add3A, %add3A_78, %dma_wait3A_103] : memref<32x80x128xi32, #tpu.memory_space<hbm>> -> memref<1x1x128xi32, #tpu.memory_space<hbm>>
          %dma_wait3A_105 = tpu.memref_squeeze %dma_wait3A_104 : memref<1x1x128xi32, #tpu.memory_space<hbm>> -> memref<128xi32, #tpu.memory_space<hbm>>
          %dma_wait3A_106 = arith.constant 0 : i32
          %dma_wait3A_107 = tpu.memref_slice %arg7[%run_scoped3A_79, %dma_wait3A_106] : memref<2x128xi32, #tpu.memory_space<vmem>> -> memref<1x128xi32, #tpu.memory_space<vmem>>
          %dma_wait3A_108 = tpu.memref_squeeze %dma_wait3A_107 : memref<1x128xi32, #tpu.memory_space<vmem>> -> memref<128xi32, #tpu.memory_space<vmem>>
          %dma_wait3A_109 = arith.constant 0 : i32
          %dma_wait3A_110 = tpu.memref_slice %arg4[%add3A, %add3A_78, %dma_wait3A_109] : memref<32x80x128xi32, #tpu.memory_space<hbm>> -> memref<1x1x128xi32, #tpu.memory_space<hbm>>
          %dma_wait3A_111 = tpu.memref_squeeze %dma_wait3A_110 : memref<1x1x128xi32, #tpu.memory_space<hbm>> -> memref<128xi32, #tpu.memory_space<hbm>>
          tpu.wait_dma2 semaphore(%run_scoped3A_87 : memref<!tpu.dma_semaphore, #tpu.memory_space<semaphore_mem>>) src(%dma_wait3A_111 : memref<128xi32, #tpu.memory_space<hbm>>) dst(%dma_wait3A_108 : memref<128xi32, #tpu.memory_space<vmem>>)
          tpu.yield
        }) : () -> ()
        %dma_start3A_80 = arith.constant 0 : i32
        %dma_start3A_81 = arith.constant 0 : i32
        %dma_start3A_82 = tpu.memref_slice %arg6[%dma_start3A_80, %dma_start3A_81] : memref<2x128xi32, #tpu.memory_space<vmem>> -> memref<1x128xi32, #tpu.memory_space<vmem>>
        %dma_start3A_83 = tpu.memref_squeeze %dma_start3A_82 : memref<1x128xi32, #tpu.memory_space<vmem>> -> memref<128xi32, #tpu.memory_space<vmem>>
        %dma_start3A_84 = arith.constant 0 : i32
        %dma_start3A_85 = arith.constant 0 : i32
        %dma_start3A_86 = tpu.memref_slice %arg2[%dma_start3A_84, %dma_start3A_85] : memref<10000x128xf32, #tpu.memory_space<hbm>> -> memref<10000x128xf32, #tpu.memory_space<hbm>>
        tpu.enqueue_indirect_dma source(%dma_start3A_86 : memref<10000x128xf32, #tpu.memory_space<hbm>>) target(%arg8 : memref<128x128xf32, #tpu.memory_space<vmem>>) offsets(%dma_start3A_83 : memref<128xi32, #tpu.memory_space<vmem>>) semaphore(%arg11 : memref<!tpu.dma_semaphore, #tpu.memory_space<semaphore_mem>>)
      } else {
      }
      %dma_wait3A_59 = arith.constant 1 : i32
      %dma_wait3A_60 = arith.constant 0 : i32
      %dma_wait3A_61 = tpu.memref_slice %arg6[%dma_wait3A_59, %dma_wait3A_60] : memref<2x128xi32, #tpu.memory_space<vmem>> -> memref<1x128xi32, #tpu.memory_space<vmem>>
      %dma_wait3A_62 = tpu.memref_squeeze %dma_wait3A_61 : memref<1x128xi32, #tpu.memory_space<vmem>> -> memref<128xi32, #tpu.memory_space<vmem>>
      %dma_wait3A_63 = arith.constant 0 : i32
      %dma_wait3A_64 = arith.constant 0 : i32
      %dma_wait3A_65 = tpu.memref_slice %arg2[%dma_wait3A_63, %dma_wait3A_64] : memref<10000x128xf32, #tpu.memory_space<hbm>> -> memref<10000x128xf32, #tpu.memory_space<hbm>>
      tpu.wait_indirect_dma semaphore(%arg12 : memref<!tpu.dma_semaphore, #tpu.memory_space<semaphore_mem>>) src(%dma_wait3A_65 : memref<10000x128xf32, #tpu.memory_space<hbm>>) dst(%arg9 : memref<128x128xf32, #tpu.memory_space<vmem>>)
      %run_scoped3A_66 = arith.constant 1 : i32
      "tpu.region"() ({
        %run_scoped3A_74 = tpu.sem_alloc : memref<!tpu.dma_semaphore, #tpu.memory_space<semaphore_mem>>
        %dma_start3A_75 = arith.constant 0 : i32
        %dma_start3A_76 = tpu.memref_slice %arg7[%run_scoped3A_66, %dma_start3A_75] : memref<2x128xi32, #tpu.memory_space<vmem>> -> memref<1x128xi32, #tpu.memory_space<vmem>>
        %dma_start3A_77 = tpu.memref_squeeze %dma_start3A_76 : memref<1x128xi32, #tpu.memory_space<vmem>> -> memref<128xi32, #tpu.memory_space<vmem>>
        %dma_start3A_78 = arith.constant 0 : i32
        %dma_start3A_79 = arith.constant 0 : i32
        %dma_start3A_80 = tpu.memref_slice %arg10[%dma_start3A_78, %dma_start3A_79] : memref<10112x128xf32, #tpu.memory_space<vmem_shared>> -> memref<10112x128xf32, #tpu.memory_space<vmem_shared>>
        tpu.enqueue_indirect_dma source(%arg9 : memref<128x128xf32, #tpu.memory_space<vmem>>) target(%dma_start3A_80 : memref<10112x128xf32, #tpu.memory_space<vmem_shared>>) offsets(%dma_start3A_77 : memref<128xi32, #tpu.memory_space<vmem>>) semaphore(%run_scoped3A_74 : memref<!tpu.dma_semaphore, #tpu.memory_space<semaphore_mem>>) {add = true}
        %dma_wait3A_81 = arith.constant 0 : i32
        %dma_wait3A_82 = tpu.memref_slice %arg7[%run_scoped3A_66, %dma_wait3A_81] : memref<2x128xi32, #tpu.memory_space<vmem>> -> memref<1x128xi32, #tpu.memory_space<vmem>>
        %dma_wait3A_83 = tpu.memref_squeeze %dma_wait3A_82 : memref<1x128xi32, #tpu.memory_space<vmem>> -> memref<128xi32, #tpu.memory_space<vmem>>
        %dma_wait3A_84 = arith.constant 0 : i32
        %dma_wait3A_85 = arith.constant 0 : i32
        %dma_wait3A_86 = tpu.memref_slice %arg10[%dma_wait3A_84, %dma_wait3A_85] : memref<10112x128xf32, #tpu.memory_space<vmem_shared>> -> memref<10112x128xf32, #tpu.memory_space<vmem_shared>>
        tpu.wait_indirect_dma semaphore(%run_scoped3A_74 : memref<!tpu.dma_semaphore, #tpu.memory_space<semaphore_mem>>) src(%arg9 : memref<128x128xf32, #tpu.memory_space<vmem>>) dst(%dma_wait3A_86 : memref<10112x128xf32, #tpu.memory_space<vmem_shared>>)
        tpu.yield
      }) : () -> ()
      %add3A_67 = arith.constant 1 : i32
      %add3A_68 = arith.addi %scan3A_36, %add3A_67 : i32
      %lt3A_69 = arith.constant 40 : i32
      %lt3A_70 = arith.cmpi slt, %add3A_68, %lt3A_69 : i32
      %convert_element_type3A_71 = arith.extui %lt3A_70 : i1 to i32
      %cond3A_72 = arith.constant 0 : i32
      %cond3A_73 = arith.cmpi ne, %convert_element_type3A_71, %cond3A_72 : i32
      scf.if %cond3A_73 {
        %add3A_74 = arith.constant 2 : i32
        %add3A_75 = arith.addi %add3A_40, %add3A_74 : i32
        %run_scoped3A_76 = arith.constant 1 : i32
        "tpu.region"() ({
          %run_scoped3A_80 = tpu.sem_alloc : memref<!tpu.dma_semaphore, #tpu.memory_space<semaphore_mem>>
          %dma_start3A_81 = arith.constant 0 : i32
          %dma_start3A_82 = tpu.memref_slice %arg6[%run_scoped3A_76, %dma_start3A_81] : memref<2x128xi32, #tpu.memory_space<vmem>> -> memref<1x128xi32, #tpu.memory_space<vmem>>
          %dma_start3A_83 = tpu.memref_squeeze %dma_start3A_82 : memref<1x128xi32, #tpu.memory_space<vmem>> -> memref<128xi32, #tpu.memory_space<vmem>>
          %dma_start3A_84 = arith.constant 0 : i32
          %dma_start3A_85 = tpu.memref_slice %arg3[%add3A, %add3A_75, %dma_start3A_84] : memref<32x80x128xi32, #tpu.memory_space<hbm>> -> memref<1x1x128xi32, #tpu.memory_space<hbm>>
          %dma_start3A_86 = tpu.memref_squeeze %dma_start3A_85 : memref<1x1x128xi32, #tpu.memory_space<hbm>> -> memref<128xi32, #tpu.memory_space<hbm>>
          %dma_start3A_87 = arith.constant 0 : i32
          %dma_start3A_88 = tpu.memref_slice %arg6[%run_scoped3A_76, %dma_start3A_87] : memref<2x128xi32, #tpu.memory_space<vmem>> -> memref<1x128xi32, #tpu.memory_space<vmem>>
          %dma_start3A_89 = tpu.memref_squeeze %dma_start3A_88 : memref<1x128xi32, #tpu.memory_space<vmem>> -> memref<128xi32, #tpu.memory_space<vmem>>
          %dma_start3A_90 = arith.constant 0 : i32
          %dma_start3A_91 = tpu.memref_slice %arg3[%add3A, %add3A_75, %dma_start3A_90] : memref<32x80x128xi32, #tpu.memory_space<hbm>> -> memref<1x1x128xi32, #tpu.memory_space<hbm>>
          %dma_start3A_92 = tpu.memref_squeeze %dma_start3A_91 : memref<1x1x128xi32, #tpu.memory_space<hbm>> -> memref<128xi32, #tpu.memory_space<hbm>>
          tpu.enqueue_dma source(%dma_start3A_92 : memref<128xi32, #tpu.memory_space<hbm>>) target(%dma_start3A_89 : memref<128xi32, #tpu.memory_space<vmem>>) target_semaphore(%run_scoped3A_80 : memref<!tpu.dma_semaphore, #tpu.memory_space<semaphore_mem>>)
          %dma_wait3A_93 = arith.constant 0 : i32
          %dma_wait3A_94 = tpu.memref_slice %arg6[%run_scoped3A_76, %dma_wait3A_93] : memref<2x128xi32, #tpu.memory_space<vmem>> -> memref<1x128xi32, #tpu.memory_space<vmem>>
          %dma_wait3A_95 = tpu.memref_squeeze %dma_wait3A_94 : memref<1x128xi32, #tpu.memory_space<vmem>> -> memref<128xi32, #tpu.memory_space<vmem>>
          %dma_wait3A_96 = arith.constant 0 : i32
          %dma_wait3A_97 = tpu.memref_slice %arg3[%add3A, %add3A_75, %dma_wait3A_96] : memref<32x80x128xi32, #tpu.memory_space<hbm>> -> memref<1x1x128xi32, #tpu.memory_space<hbm>>
          %dma_wait3A_98 = tpu.memref_squeeze %dma_wait3A_97 : memref<1x1x128xi32, #tpu.memory_space<hbm>> -> memref<128xi32, #tpu.memory_space<hbm>>
          %dma_wait3A_99 = arith.constant 0 : i32
          %dma_wait3A_100 = tpu.memref_slice %arg6[%run_scoped3A_76, %dma_wait3A_99] : memref<2x128xi32, #tpu.memory_space<vmem>> -> memref<1x128xi32, #tpu.memory_space<vmem>>
          %dma_wait3A_101 = tpu.memref_squeeze %dma_wait3A_100 : memref<1x128xi32, #tpu.memory_space<vmem>> -> memref<128xi32, #tpu.memory_space<vmem>>
          %dma_wait3A_102 = arith.constant 0 : i32
          %dma_wait3A_103 = tpu.memref_slice %arg3[%add3A, %add3A_75, %dma_wait3A_102] : memref<32x80x128xi32, #tpu.memory_space<hbm>> -> memref<1x1x128xi32, #tpu.memory_space<hbm>>
          %dma_wait3A_104 = tpu.memref_squeeze %dma_wait3A_103 : memref<1x1x128xi32, #tpu.memory_space<hbm>> -> memref<128xi32, #tpu.memory_space<hbm>>
          tpu.wait_dma2 semaphore(%run_scoped3A_80 : memref<!tpu.dma_semaphore, #tpu.memory_space<semaphore_mem>>) src(%dma_wait3A_104 : memref<128xi32, #tpu.memory_space<hbm>>) dst(%dma_wait3A_101 : memref<128xi32, #tpu.memory_space<vmem>>)
          tpu.yield
        }) : () -> ()
        %add3A_77 = arith.constant 2 : i32
        %add3A_78 = arith.addi %add3A_40, %add3A_77 : i32
        %run_scoped3A_79 = arith.constant 1 : i32
        "tpu.region"() ({
          %run_scoped3A_80 = tpu.sem_alloc : memref<!tpu.dma_semaphore, #tpu.memory_space<semaphore_mem>>
          %dma_start3A_81 = arith.constant 0 : i32
          %dma_start3A_82 = tpu.memref_slice %arg7[%run_scoped3A_79, %dma_start3A_81] : memref<2x128xi32, #tpu.memory_space<vmem>> -> memref<1x128xi32, #tpu.memory_space<vmem>>
          %dma_start3A_83 = tpu.memref_squeeze %dma_start3A_82 : memref<1x128xi32, #tpu.memory_space<vmem>> -> memref<128xi32, #tpu.memory_space<vmem>>
          %dma_start3A_84 = arith.constant 0 : i32
          %dma_start3A_85 = tpu.memref_slice %arg4[%add3A, %add3A_78, %dma_start3A_84] : memref<32x80x128xi32, #tpu.memory_space<hbm>> -> memref<1x1x128xi32, #tpu.memory_space<hbm>>
          %dma_start3A_86 = tpu.memref_squeeze %dma_start3A_85 : memref<1x1x128xi32, #tpu.memory_space<hbm>> -> memref<128xi32, #tpu.memory_space<hbm>>
          %dma_start3A_87 = arith.constant 0 : i32
          %dma_start3A_88 = tpu.memref_slice %arg7[%run_scoped3A_79, %dma_start3A_87] : memref<2x128xi32, #tpu.memory_space<vmem>> -> memref<1x128xi32, #tpu.memory_space<vmem>>
          %dma_start3A_89 = tpu.memref_squeeze %dma_start3A_88 : memref<1x128xi32, #tpu.memory_space<vmem>> -> memref<128xi32, #tpu.memory_space<vmem>>
          %dma_start3A_90 = arith.constant 0 : i32
          %dma_start3A_91 = tpu.memref_slice %arg4[%add3A, %add3A_78, %dma_start3A_90] : memref<32x80x128xi32, #tpu.memory_space<hbm>> -> memref<1x1x128xi32, #tpu.memory_space<hbm>>
          %dma_start3A_92 = tpu.memref_squeeze %dma_start3A_91 : memref<1x1x128xi32, #tpu.memory_space<hbm>> -> memref<128xi32, #tpu.memory_space<hbm>>
          tpu.enqueue_dma source(%dma_start3A_92 : memref<128xi32, #tpu.memory_space<hbm>>) target(%dma_start3A_89 : memref<128xi32, #tpu.memory_space<vmem>>) target_semaphore(%run_scoped3A_80 : memref<!tpu.dma_semaphore, #tpu.memory_space<semaphore_mem>>)
          %dma_wait3A_93 = arith.constant 0 : i32
          %dma_wait3A_94 = tpu.memref_slice %arg7[%run_scoped3A_79, %dma_wait3A_93] : memref<2x128xi32, #tpu.memory_space<vmem>> -> memref<1x128xi32, #tpu.memory_space<vmem>>
          %dma_wait3A_95 = tpu.memref_squeeze %dma_wait3A_94 : memref<1x128xi32, #tpu.memory_space<vmem>> -> memref<128xi32, #tpu.memory_space<vmem>>
          %dma_wait3A_96 = arith.constant 0 : i32
          %dma_wait3A_97 = tpu.memref_slice %arg4[%add3A, %add3A_78, %dma_wait3A_96] : memref<32x80x128xi32, #tpu.memory_space<hbm>> -> memref<1x1x128xi32, #tpu.memory_space<hbm>>
          %dma_wait3A_98 = tpu.memref_squeeze %dma_wait3A_97 : memref<1x1x128xi32, #tpu.memory_space<hbm>> -> memref<128xi32, #tpu.memory_space<hbm>>
          %dma_wait3A_99 = arith.constant 0 : i32
          %dma_wait3A_100 = tpu.memref_slice %arg7[%run_scoped3A_79, %dma_wait3A_99] : memref<2x128xi32, #tpu.memory_space<vmem>> -> memref<1x128xi32, #tpu.memory_space<vmem>>
          %dma_wait3A_101 = tpu.memref_squeeze %dma_wait3A_100 : memref<1x128xi32, #tpu.memory_space<vmem>> -> memref<128xi32, #tpu.memory_space<vmem>>
          %dma_wait3A_102 = arith.constant 0 : i32
          %dma_wait3A_103 = tpu.memref_slice %arg4[%add3A, %add3A_78, %dma_wait3A_102] : memref<32x80x128xi32, #tpu.memory_space<hbm>> -> memref<1x1x128xi32, #tpu.memory_space<hbm>>
          %dma_wait3A_104 = tpu.memref_squeeze %dma_wait3A_103 : memref<1x1x128xi32, #tpu.memory_space<hbm>> -> memref<128xi32, #tpu.memory_space<hbm>>
          tpu.wait_dma2 semaphore(%run_scoped3A_80 : memref<!tpu.dma_semaphore, #tpu.memory_space<semaphore_mem>>) src(%dma_wait3A_104 : memref<128xi32, #tpu.memory_space<hbm>>) dst(%dma_wait3A_101 : memref<128xi32, #tpu.memory_space<vmem>>)
          tpu.yield
        }) : () -> ()
      } else {
      }
    }
    %scan3A_30 = arith.constant 40 : i32
    %barrier3A_31 = arith.constant 0 : index
    tpu.barrier barrier_id(%barrier3A_31)
    %mul3A_32 = arith.constant 632 : i32
    %mul3A_33 = arith.muli %arg1, %mul3A_32 : i32
    %mul3A_34 = arith.constant 632 : i32
    %mul3A_35 = arith.muli %arg1, %mul3A_34 : i32
    "tpu.region"() ({
      %run_scoped3A_36 = tpu.sem_alloc : memref<!tpu.dma_semaphore, #tpu.memory_space<semaphore_mem>>
      %dma_start3A_37 = arith.constant 0 : i32
      %dma_start3A_38 = tpu.memref_slice %arg5[%arg0, %mul3A_35, %dma_start3A_37] : memref<2x10112x128xf32, #tpu.memory_space<hbm>> -> memref<1x632x128xf32, #tpu.memory_space<hbm>>
      %dma_start3A_39 = tpu.memref_squeeze %dma_start3A_38 : memref<1x632x128xf32, #tpu.memory_space<hbm>> -> memref<632x128xf32, #tpu.memory_space<hbm>>
      %dma_start3A_40 = arith.constant 0 : i32
      %dma_start3A_41 = tpu.memref_slice %arg10[%mul3A_33, %dma_start3A_40] : memref<10112x128xf32, #tpu.memory_space<vmem_shared>> -> memref<632x128xf32, #tpu.memory_space<vmem_shared>>
      tpu.enqueue_dma source(%dma_start3A_41 : memref<632x128xf32, #tpu.memory_space<vmem_shared>>) target(%dma_start3A_39 : memref<632x128xf32, #tpu.memory_space<hbm>>) target_semaphore(%run_scoped3A_36 : memref<!tpu.dma_semaphore, #tpu.memory_space<semaphore_mem>>)
      %dma_wait3A = arith.constant 0 : i32
      %dma_wait3A_42 = tpu.memref_slice %arg5[%arg0, %mul3A_35, %dma_wait3A] : memref<2x10112x128xf32, #tpu.memory_space<hbm>> -> memref<1x632x128xf32, #tpu.memory_space<hbm>>
      %dma_wait3A_43 = tpu.memref_squeeze %dma_wait3A_42 : memref<1x632x128xf32, #tpu.memory_space<hbm>> -> memref<632x128xf32, #tpu.memory_space<hbm>>
      %dma_wait3A_44 = arith.constant 0 : i32
      %dma_wait3A_45 = tpu.memref_slice %arg10[%mul3A_33, %dma_wait3A_44] : memref<10112x128xf32, #tpu.memory_space<vmem_shared>> -> memref<632x128xf32, #tpu.memory_space<vmem_shared>>
      tpu.wait_dma2 semaphore(%run_scoped3A_36 : memref<!tpu.dma_semaphore, #tpu.memory_space<semaphore_mem>>) src(%dma_wait3A_45 : memref<632x128xf32, #tpu.memory_space<vmem_shared>>) dst(%dma_wait3A_43 : memref<632x128xf32, #tpu.memory_space<hbm>>)
      tpu.yield
    }) : () -> ()
    return
  }
}

module attributes {stable_mosaic.version = 14 : i64} {
  func.func @_dense_body(%arg0: i32, %arg1: memref<1000x128xf32, #tpu.memory_space<vmem>>, %arg2: memref<2x1000x128xf32, #tpu.memory_space<vmem>>, %arg3: memref<2x1000x128xf32, #tpu.memory_space<vmem>>, %arg4: memref<128x128xf32, #tpu.memory_space<vmem>>, %arg5: memref<128x128xf32, #tpu.memory_space<vmem>>, %arg6: memref<16x128xf32, #tpu.memory_space<vmem>>, %arg7: memref<1x128xf32, #tpu.memory_space<vmem>>, %arg8: memref<1000x128xf32, #tpu.memory_space<vmem>>, %arg9: memref<2x128xf32, #tpu.memory_space<vmem>>, %arg10: memref<1x128xf32, #tpu.memory_space<vmem>>, %arg11: memref<1x128xf32, #tpu.memory_space<vmem>>) attributes {dimension_semantics = [#tpu.dimension_semantics<arbitrary>], iteration_bounds = array<i64: 10>, scalar_prefetch = 0 : i64, scratch_operands = 2 : i64, tpu.core_type = #tpu.core_type<tc>, window_params = [{transform_indices = @transform_0, window_bounds = array<i64: 1000, 128>}, {transform_indices = @transform_1, window_bounds = array<i64: 2, 1000, 128>}, {transform_indices = @transform_2, window_bounds = array<i64: 2, 1000, 128>}, {pipeline_mode = #tpu.pipeline_mode<synchronous>, transform_indices = @transform_3, window_bounds = array<i64: 128, 128>}, {pipeline_mode = #tpu.pipeline_mode<synchronous>, transform_indices = @transform_4, window_bounds = array<i64: 128, 128>}, {pipeline_mode = #tpu.pipeline_mode<synchronous>, transform_indices = @transform_5, window_bounds = array<i64: 16, 128>}, {pipeline_mode = #tpu.pipeline_mode<synchronous>, transform_indices = @transform_6, window_bounds = array<i64: 1, 128>}, {transform_indices = @transform_7, window_bounds = array<i64: 1000, 128>}, {pipeline_mode = #tpu.pipeline_mode<synchronous>, transform_indices = @transform_8, window_bounds = array<i64: 2, 128>}]} {
    %get3A = arith.constant 0 : index
    %get3A_0 = arith.constant 0 : index
    %get3A_1 = vector.load %arg1[%get3A, %get3A_0] : memref<1000x128xf32, #tpu.memory_space<vmem>>, vector<1000x128xf32>
    %get3A_2 = arith.constant 0 : index
    %get3A_3 = arith.constant 0 : index
    %get3A_4 = arith.constant 0 : index
    %get3A_5 = vector.load %arg2[%get3A_2, %get3A_3, %get3A_4] : memref<2x1000x128xf32, #tpu.memory_space<vmem>>, vector<1x1000x128xf32>
    %get3A_6 = vector.shape_cast %get3A_5 : vector<1x1000x128xf32> to vector<1000x128xf32>
    %get3A_7 = arith.constant 1 : index
    %get3A_8 = arith.constant 0 : index
    %get3A_9 = arith.constant 0 : index
    %get3A_10 = vector.load %arg2[%get3A_7, %get3A_8, %get3A_9] : memref<2x1000x128xf32, #tpu.memory_space<vmem>>, vector<1x1000x128xf32>
    %get3A_11 = vector.shape_cast %get3A_10 : vector<1x1000x128xf32> to vector<1000x128xf32>
    %add3A = arith.addf %get3A_6, %get3A_11 : vector<1000x128xf32>
    %add3A_12 = arith.addf %add3A, %get3A_1 : vector<1000x128xf32>
    %get3A_13 = arith.constant 0 : index
    %get3A_14 = arith.constant 0 : index
    %get3A_15 = arith.constant 0 : index
    %get3A_16 = vector.load %arg3[%get3A_13, %get3A_14, %get3A_15] : memref<2x1000x128xf32, #tpu.memory_space<vmem>>, vector<1x1000x128xf32>
    %get3A_17 = vector.shape_cast %get3A_16 : vector<1x1000x128xf32> to vector<1000x128xf32>
    %get3A_18 = arith.constant 1 : index
    %get3A_19 = arith.constant 0 : index
    %get3A_20 = arith.constant 0 : index
    %get3A_21 = vector.load %arg3[%get3A_18, %get3A_19, %get3A_20] : memref<2x1000x128xf32, #tpu.memory_space<vmem>>, vector<1x1000x128xf32>
    %get3A_22 = vector.shape_cast %get3A_21 : vector<1x1000x128xf32> to vector<1000x128xf32>
    %add3A_23 = arith.addf %get3A_17, %get3A_22 : vector<1000x128xf32>
    %slice3A = vector.extract_strided_slice %add3A_23 {offsets = [0, 16], sizes = [1000, 1], strides = [1, 1]} : vector<1000x128xf32> to vector<1000x1xf32>
    %add3A_24 = arith.constant 1.000000e+00 : f32
    %add3A_25 = vector.broadcast %add3A_24 : f32 to vector<1000x1xf32>
    %add3A_26 = arith.addf %slice3A, %add3A_25 : vector<1000x1xf32>
    %slice3A_27 = vector.extract_strided_slice %add3A_23 {offsets = [0, 0], sizes = [1000, 16], strides = [1, 1]} : vector<1000x128xf32> to vector<1000x16xf32>
    %add3A_28 = arith.constant 1.000000e+00 : f32
    %add3A_29 = vector.broadcast %add3A_28 : f32 to vector<1000x16xf32>
    %add3A_30 = arith.addf %slice3A_27, %add3A_29 : vector<1000x16xf32>
    %get3A_31 = arith.constant 0 : index
    %get3A_32 = arith.constant 0 : index
    %get3A_33 = vector.load %arg4[%get3A_31, %get3A_32] : memref<128x128xf32, #tpu.memory_space<vmem>>, vector<128x128xf32>
    %dot_general3A = arith.constant dense<0.000000e+00> : vector<1000x128xf32>
    %dot_general3A_34 = tpu.matmul %get3A_1, %get3A_33, %dot_general3A {dimension_numbers = #tpu.dot_dimension_numbers<[1], [0], [0], [1], [0, 0, 1, 1], [], []>, transpose_lhs_hint = false} : vector<1000x128xf32>, vector<128x128xf32>, vector<1000x128xf32> -> vector<1000x128xf32>
    %get3A_35 = arith.constant 0 : index
    %get3A_36 = arith.constant 0 : index
    %get3A_37 = vector.load %arg7[%get3A_35, %get3A_36] : memref<1x128xf32, #tpu.memory_space<vmem>>, vector<1x128xf32>
    %add3A_38 = vector.broadcast %get3A_37 : vector<1x128xf32> to vector<1000x128xf32>
    %add3A_39 = arith.addf %dot_general3A_34, %add3A_38 : vector<1000x128xf32>
    %mul3A = vector.broadcast %add3A_26 : vector<1000x1xf32> to vector<1000x128xf32>
    %mul3A_40 = arith.mulf %mul3A, %add3A_39 : vector<1000x128xf32>
    %get3A_41 = arith.constant 0 : index
    %get3A_42 = arith.constant 0 : index
    %get3A_43 = vector.load %arg5[%get3A_41, %get3A_42] : memref<128x128xf32, #tpu.memory_space<vmem>>, vector<128x128xf32>
    %dot_general3A_44 = arith.constant dense<0.000000e+00> : vector<1000x128xf32>
    %dot_general3A_45 = tpu.matmul %add3A_12, %get3A_43, %dot_general3A_44 {dimension_numbers = #tpu.dot_dimension_numbers<[1], [0], [0], [1], [0, 0, 1, 1], [], []>, transpose_lhs_hint = false} : vector<1000x128xf32>, vector<128x128xf32>, vector<1000x128xf32> -> vector<1000x128xf32>
    %add3A_46 = arith.addf %mul3A_40, %dot_general3A_45 : vector<1000x128xf32>
    %get3A_47 = arith.constant 0 : index
    %get3A_48 = arith.constant 0 : index
    %get3A_49 = vector.load %arg6[%get3A_47, %get3A_48] : memref<16x128xf32, #tpu.memory_space<vmem>>, vector<16x128xf32>
    %dot_general3A_50 = arith.constant dense<0.000000e+00> : vector<1000x128xf32>
    %dot_general3A_51 = tpu.matmul %add3A_30, %get3A_49, %dot_general3A_50 {dimension_numbers = #tpu.dot_dimension_numbers<[1], [0], [0], [1], [0, 0, 1, 1], [], []>, transpose_lhs_hint = false} : vector<1000x16xf32>, vector<16x128xf32>, vector<1000x128xf32> -> vector<1000x128xf32>
    %add3A_52 = arith.addf %add3A_46, %dot_general3A_51 : vector<1000x128xf32>
    %max3A = arith.constant 0.000000e+00 : f32
    %max3A_53 = vector.broadcast %max3A : f32 to vector<1000x128xf32>
    %max3A_54 = arith.maximumf %add3A_52, %max3A_53 : vector<1000x128xf32>
    %swap3A = arith.constant 0 : index
    %swap3A_55 = arith.constant 0 : index
    %swap3A_56 = vector.load %arg8[%swap3A, %swap3A_55] : memref<1000x128xf32, #tpu.memory_space<vmem>>, vector<1000x128xf32>
    tpu.vector_store %arg8[%swap3A, %swap3A_55], %max3A_54 {strides = array<i32>} : memref<1000x128xf32, #tpu.memory_space<vmem>>, vector<1000x128xf32>,
    %eq3A = arith.constant 0 : i32
    %eq3A_57 = arith.cmpi eq, %arg0, %eq3A : i32
    %convert_element_type3A = arith.extui %eq3A_57 : i1 to i32
    %cond3A = arith.constant 0 : i32
    %cond3A_58 = arith.cmpi ne, %convert_element_type3A, %cond3A : i32
    scf.if %cond3A_58 {
      %broadcast_in_dim3A_83 = arith.constant 0.000000e+00 : f32
      %broadcast_in_dim3A_84 = vector.broadcast %broadcast_in_dim3A_83 : f32 to vector<1x128xf32>
      %swap3A_85 = arith.constant 0 : index
      %swap3A_86 = arith.constant 0 : index
      %swap3A_87 = vector.load %arg10[%swap3A_85, %swap3A_86] : memref<1x128xf32, #tpu.memory_space<vmem>>, vector<1x128xf32>
      tpu.vector_store %arg10[%swap3A_85, %swap3A_86], %broadcast_in_dim3A_84 {strides = array<i32>} : memref<1x128xf32, #tpu.memory_space<vmem>>, vector<1x128xf32>,
      %broadcast_in_dim3A_88 = arith.constant 0.000000e+00 : f32
      %broadcast_in_dim3A_89 = vector.broadcast %broadcast_in_dim3A_88 : f32 to vector<1x128xf32>
      %swap3A_90 = arith.constant 0 : index
      %swap3A_91 = arith.constant 0 : index
      %swap3A_92 = vector.load %arg11[%swap3A_90, %swap3A_91] : memref<1x128xf32, #tpu.memory_space<vmem>>, vector<1x128xf32>
      tpu.vector_store %arg11[%swap3A_90, %swap3A_91], %broadcast_in_dim3A_89 {strides = array<i32>} : memref<1x128xf32, #tpu.memory_space<vmem>>, vector<1x128xf32>,
    } else {
    }
    %get3A_59 = arith.constant 0 : index
    %get3A_60 = arith.constant 0 : index
    %get3A_61 = vector.load %arg10[%get3A_59, %get3A_60] : memref<1x128xf32, #tpu.memory_space<vmem>>, vector<1x128xf32>
    %reduce_sum3A = arith.constant dense<0.000000e+00> : vector<128xf32>
    %reduce_sum3A_62 = vector.multi_reduction <add>, %max3A_54, %reduce_sum3A [0] : vector<1000x128xf32> to vector<128xf32>
    %broadcast_in_dim3A = vector.shape_cast %reduce_sum3A_62 : vector<128xf32> to vector<1x128xf32>
    %add3A_63 = arith.addf %get3A_61, %broadcast_in_dim3A : vector<1x128xf32>
    %swap3A_64 = arith.constant 0 : index
    %swap3A_65 = arith.constant 0 : index
    %swap3A_66 = vector.load %arg10[%swap3A_64, %swap3A_65] : memref<1x128xf32, #tpu.memory_space<vmem>>, vector<1x128xf32>
    tpu.vector_store %arg10[%swap3A_64, %swap3A_65], %add3A_63 {strides = array<i32>} : memref<1x128xf32, #tpu.memory_space<vmem>>, vector<1x128xf32>,
    %get3A_67 = arith.constant 0 : index
    %get3A_68 = arith.constant 0 : index
    %get3A_69 = vector.load %arg11[%get3A_67, %get3A_68] : memref<1x128xf32, #tpu.memory_space<vmem>>, vector<1x128xf32>
    %mul3A_70 = arith.mulf %max3A_54, %max3A_54 : vector<1000x128xf32>
    %reduce_sum3A_71 = arith.constant dense<0.000000e+00> : vector<128xf32>
    %reduce_sum3A_72 = vector.multi_reduction <add>, %mul3A_70, %reduce_sum3A_71 [0] : vector<1000x128xf32> to vector<128xf32>
    %broadcast_in_dim3A_73 = vector.shape_cast %reduce_sum3A_72 : vector<128xf32> to vector<1x128xf32>
    %add3A_74 = arith.addf %get3A_69, %broadcast_in_dim3A_73 : vector<1x128xf32>
    %swap3A_75 = arith.constant 0 : index
    %swap3A_76 = arith.constant 0 : index
    %swap3A_77 = vector.load %arg11[%swap3A_75, %swap3A_76] : memref<1x128xf32, #tpu.memory_space<vmem>>, vector<1x128xf32>
    tpu.vector_store %arg11[%swap3A_75, %swap3A_76], %add3A_74 {strides = array<i32>} : memref<1x128xf32, #tpu.memory_space<vmem>>, vector<1x128xf32>,
    %eq3A_78 = arith.constant 9 : i32
    %eq3A_79 = arith.cmpi eq, %arg0, %eq3A_78 : i32
    %convert_element_type3A_80 = arith.extui %eq3A_79 : i1 to i32
    %cond3A_81 = arith.constant 0 : i32
    %cond3A_82 = arith.cmpi ne, %convert_element_type3A_80, %cond3A_81 : i32
    scf.if %cond3A_82 {
      %get3A_83 = arith.constant 0 : index
      %get3A_84 = arith.constant 0 : index
      %get3A_85 = vector.load %arg10[%get3A_83, %get3A_84] : memref<1x128xf32, #tpu.memory_space<vmem>>, vector<1x128xf32>
      %get3A_86 = arith.constant 0 : index
      %get3A_87 = arith.constant 0 : index
      %get3A_88 = vector.load %arg11[%get3A_86, %get3A_87] : memref<1x128xf32, #tpu.memory_space<vmem>>, vector<1x128xf32>
      %concatenate3A = tpu.concatenate %get3A_85, %get3A_88 in 0 : vector<1x128xf32>, vector<1x128xf32> -> vector<2x128xf32>
      %swap3A_89 = arith.constant 0 : index
      %swap3A_90 = arith.constant 0 : index
      %swap3A_91 = vector.load %arg9[%swap3A_89, %swap3A_90] : memref<2x128xf32, #tpu.memory_space<vmem>>, vector<2x128xf32>
      tpu.vector_store %arg9[%swap3A_89, %swap3A_90], %concatenate3A {strides = array<i32>} : memref<2x128xf32, #tpu.memory_space<vmem>>, vector<2x128xf32>,
    } else {
    }
    return
  }
  func.func @transform_0(%arg0: i32) -> (i32, i32) {
    %c0_i32 = arith.constant 0 : i32
    %c0_i32_0 = arith.constant 0 : i32
    return %arg0, %c0_i32 : i32, i32
  }
  func.func @transform_1(%arg0: i32) -> (i32, i32, i32) {
    %c0_i32 = arith.constant 0 : i32
    %c0_i32_0 = arith.constant 0 : i32
    %c0_i32_1 = arith.constant 0 : i32
    return %c0_i32, %arg0, %c0_i32_0 : i32, i32, i32
  }
  func.func @transform_2(%arg0: i32) -> (i32, i32, i32) {
    %c0_i32 = arith.constant 0 : i32
    %c0_i32_0 = arith.constant 0 : i32
    %c0_i32_1 = arith.constant 0 : i32
    return %c0_i32, %arg0, %c0_i32_0 : i32, i32, i32
  }
  func.func @transform_3(%arg0: i32) -> (i32, i32) {
    %c0_i32 = arith.constant 0 : i32
    %c0_i32_0 = arith.constant 0 : i32
    %c0_i32_1 = arith.constant 0 : i32
    return %c0_i32, %c0_i32_0 : i32, i32
  }
  func.func @transform_4(%arg0: i32) -> (i32, i32) {
    %c0_i32 = arith.constant 0 : i32
    %c0_i32_0 = arith.constant 0 : i32
    %c0_i32_1 = arith.constant 0 : i32
    return %c0_i32, %c0_i32_0 : i32, i32
  }
  func.func @transform_5(%arg0: i32) -> (i32, i32) {
    %c0_i32 = arith.constant 0 : i32
    %c0_i32_0 = arith.constant 0 : i32
    %c0_i32_1 = arith.constant 0 : i32
    return %c0_i32, %c0_i32_0 : i32, i32
  }
  func.func @transform_6(%arg0: i32) -> (i32, i32) {
    %c0_i32 = arith.constant 0 : i32
    %c0_i32_0 = arith.constant 0 : i32
    %c0_i32_1 = arith.constant 0 : i32
    return %c0_i32, %c0_i32_0 : i32, i32
  }
  func.func @transform_7(%arg0: i32) -> (i32, i32) {
    %c0_i32 = arith.constant 0 : i32
    %c0_i32_0 = arith.constant 0 : i32
    return %arg0, %c0_i32 : i32, i32
  }
  func.func @transform_8(%arg0: i32) -> (i32, i32) {
    %c0_i32 = arith.constant 0 : i32
    %c0_i32_0 = arith.constant 0 : i32
    %c0_i32_1 = arith.constant 0 : i32
    return %c0_i32, %c0_i32_0 : i32, i32
  }
}

module attributes {stable_mosaic.version = 14 : i64} {
  func.func @_bn_body(%arg0: i32, %arg1: memref<1000x128xf32, #tpu.memory_space<vmem>>, %arg2: memref<2x128xf32, #tpu.memory_space<vmem>>, %arg3: memref<1x128xf32, #tpu.memory_space<vmem>>, %arg4: memref<1x128xf32, #tpu.memory_space<vmem>>, %arg5: memref<1000x128xf32, #tpu.memory_space<vmem>>) attributes {dimension_semantics = [#tpu.dimension_semantics<arbitrary>], iteration_bounds = array<i64: 10>, scalar_prefetch = 0 : i64, scratch_operands = 0 : i64, tpu.core_type = #tpu.core_type<tc>, window_params = [{transform_indices = @transform_0, window_bounds = array<i64: 1000, 128>}, {pipeline_mode = #tpu.pipeline_mode<synchronous>, transform_indices = @transform_1, window_bounds = array<i64: 2, 128>}, {pipeline_mode = #tpu.pipeline_mode<synchronous>, transform_indices = @transform_2, window_bounds = array<i64: 1, 128>}, {pipeline_mode = #tpu.pipeline_mode<synchronous>, transform_indices = @transform_3, window_bounds = array<i64: 1, 128>}, {transform_indices = @transform_4, window_bounds = array<i64: 1000, 128>}]} {
    %get3A = arith.constant 0 : index
    %get3A_0 = arith.constant 0 : index
    %get3A_1 = vector.load %arg2[%get3A, %get3A_0] : memref<2x128xf32, #tpu.memory_space<vmem>>, vector<2x128xf32>
    %get3A_2 = arith.constant 0 : index
    %get3A_3 = arith.constant 0 : index
    %get3A_4 = vector.load %arg3[%get3A_2, %get3A_3] : memref<1x128xf32, #tpu.memory_space<vmem>>, vector<1x128xf32>
    %get3A_5 = arith.constant 0 : index
    %get3A_6 = arith.constant 0 : index
    %get3A_7 = vector.load %arg4[%get3A_5, %get3A_6] : memref<1x128xf32, #tpu.memory_space<vmem>>, vector<1x128xf32>
    %slice3A = vector.extract_strided_slice %get3A_1 {offsets = [0, 0], sizes = [1, 128], strides = [1, 1]} : vector<2x128xf32> to vector<1x128xf32>
    %div3A = arith.constant 1.000000e+04 : f32
    %div3A_8 = vector.broadcast %div3A : f32 to vector<1x128xf32>
    %div3A_9 = arith.divf %slice3A, %div3A_8 : vector<1x128xf32>
    %slice3A_10 = vector.extract_strided_slice %get3A_1 {offsets = [1, 0], sizes = [1, 128], strides = [1, 1]} : vector<2x128xf32> to vector<1x128xf32>
    %div3A_11 = arith.constant 1.000000e+04 : f32
    %div3A_12 = vector.broadcast %div3A_11 : f32 to vector<1x128xf32>
    %div3A_13 = arith.divf %slice3A_10, %div3A_12 : vector<1x128xf32>
    %mul3A = arith.mulf %div3A_9, %div3A_9 : vector<1x128xf32>
    %sub3A = arith.subf %div3A_13, %mul3A : vector<1x128xf32>
    %add3A = arith.constant 9.99999974E-6 : f32
    %add3A_14 = vector.broadcast %add3A : f32 to vector<1x128xf32>
    %add3A_15 = arith.addf %sub3A, %add3A_14 : vector<1x128xf32>
    %rsqrt3A = math.rsqrt %add3A_15 : vector<1x128xf32>
    %mul3A_16 = arith.mulf %get3A_4, %rsqrt3A : vector<1x128xf32>
    %mul3A_17 = arith.mulf %div3A_9, %mul3A_16 : vector<1x128xf32>
    %sub3A_18 = arith.subf %get3A_7, %mul3A_17 : vector<1x128xf32>
    %get3A_19 = arith.constant 0 : index
    %get3A_20 = arith.constant 0 : index
    %get3A_21 = vector.load %arg1[%get3A_19, %get3A_20] : memref<1000x128xf32, #tpu.memory_space<vmem>>, vector<1000x128xf32>
    %mul3A_22 = vector.broadcast %mul3A_16 : vector<1x128xf32> to vector<1000x128xf32>
    %mul3A_23 = arith.mulf %get3A_21, %mul3A_22 : vector<1000x128xf32>
    %add3A_24 = vector.broadcast %sub3A_18 : vector<1x128xf32> to vector<1000x128xf32>
    %add3A_25 = arith.addf %mul3A_23, %add3A_24 : vector<1000x128xf32>
    %max3A = arith.constant 0.000000e+00 : f32
    %max3A_26 = vector.broadcast %max3A : f32 to vector<1000x128xf32>
    %max3A_27 = arith.maximumf %add3A_25, %max3A_26 : vector<1000x128xf32>
    %swap3A = arith.constant 0 : index
    %swap3A_28 = arith.constant 0 : index
    %swap3A_29 = vector.load %arg5[%swap3A, %swap3A_28] : memref<1000x128xf32, #tpu.memory_space<vmem>>, vector<1000x128xf32>
    tpu.vector_store %arg5[%swap3A, %swap3A_28], %max3A_27 {strides = array<i32>} : memref<1000x128xf32, #tpu.memory_space<vmem>>, vector<1000x128xf32>,
    return
  }
  func.func @transform_0(%arg0: i32) -> (i32, i32) {
    %c0_i32 = arith.constant 0 : i32
    %c0_i32_0 = arith.constant 0 : i32
    return %arg0, %c0_i32 : i32, i32
  }
  func.func @transform_1(%arg0: i32) -> (i32, i32) {
    %c0_i32 = arith.constant 0 : i32
    %c0_i32_0 = arith.constant 0 : i32
    %c0_i32_1 = arith.constant 0 : i32
    return %c0_i32, %c0_i32_0 : i32, i32
  }
  func.func @transform_2(%arg0: i32) -> (i32, i32) {
    %c0_i32 = arith.constant 0 : i32
    %c0_i32_0 = arith.constant 0 : i32
    %c0_i32_1 = arith.constant 0 : i32
    return %c0_i32, %c0_i32_0 : i32, i32
  }
  func.func @transform_3(%arg0: i32) -> (i32, i32) {
    %c0_i32 = arith.constant 0 : i32
    %c0_i32_0 = arith.constant 0 : i32
    %c0_i32_1 = arith.constant 0 : i32
    return %c0_i32, %c0_i32_0 : i32, i32
  }
  func.func @transform_4(%arg0: i32) -> (i32, i32) {
    %c0_i32 = arith.constant 0 : i32
    %c0_i32_0 = arith.constant 0 : i32
    return %arg0, %c0_i32 : i32, i32
  }
}

module attributes {stable_mosaic.version = 14 : i64} {
  func.func @_bn_pool_body(%arg0: i32, %arg1: memref<1000x128xf32, #tpu.memory_space<vmem>>, %arg2: memref<2x128xf32, #tpu.memory_space<vmem>>, %arg3: memref<1x128xf32, #tpu.memory_space<vmem>>, %arg4: memref<1x128xf32, #tpu.memory_space<vmem>>, %arg5: memref<1000x1xi32, #tpu.memory_space<vmem>>, %arg6: memref<1000x128xf32, #tpu.memory_space<vmem>>, %arg7: memref<64x128xf32, #tpu.memory_space<vmem>>, %arg8: memref<64x128xf32, #tpu.memory_space<vmem>>) attributes {dimension_semantics = [#tpu.dimension_semantics<arbitrary>], iteration_bounds = array<i64: 10>, scalar_prefetch = 0 : i64, scratch_operands = 1 : i64, tpu.core_type = #tpu.core_type<tc>, window_params = [{transform_indices = @transform_0, window_bounds = array<i64: 1000, 128>}, {pipeline_mode = #tpu.pipeline_mode<synchronous>, transform_indices = @transform_1, window_bounds = array<i64: 2, 128>}, {pipeline_mode = #tpu.pipeline_mode<synchronous>, transform_indices = @transform_2, window_bounds = array<i64: 1, 128>}, {pipeline_mode = #tpu.pipeline_mode<synchronous>, transform_indices = @transform_3, window_bounds = array<i64: 1, 128>}, {transform_indices = @transform_4, window_bounds = array<i64: 1000, 1>}, {transform_indices = @transform_5, window_bounds = array<i64: 1000, 128>}, {pipeline_mode = #tpu.pipeline_mode<synchronous>, transform_indices = @transform_6, window_bounds = array<i64: 64, 128>}]} {
    %get3A = arith.constant 0 : index
    %get3A_0 = arith.constant 0 : index
    %get3A_1 = vector.load %arg2[%get3A, %get3A_0] : memref<2x128xf32, #tpu.memory_space<vmem>>, vector<2x128xf32>
    %get3A_2 = arith.constant 0 : index
    %get3A_3 = arith.constant 0 : index
    %get3A_4 = vector.load %arg3[%get3A_2, %get3A_3] : memref<1x128xf32, #tpu.memory_space<vmem>>, vector<1x128xf32>
    %get3A_5 = arith.constant 0 : index
    %get3A_6 = arith.constant 0 : index
    %get3A_7 = vector.load %arg4[%get3A_5, %get3A_6] : memref<1x128xf32, #tpu.memory_space<vmem>>, vector<1x128xf32>
    %slice3A = vector.extract_strided_slice %get3A_1 {offsets = [0, 0], sizes = [1, 128], strides = [1, 1]} : vector<2x128xf32> to vector<1x128xf32>
    %div3A = arith.constant 1.000000e+04 : f32
    %div3A_8 = vector.broadcast %div3A : f32 to vector<1x128xf32>
    %div3A_9 = arith.divf %slice3A, %div3A_8 : vector<1x128xf32>
    %slice3A_10 = vector.extract_strided_slice %get3A_1 {offsets = [1, 0], sizes = [1, 128], strides = [1, 1]} : vector<2x128xf32> to vector<1x128xf32>
    %div3A_11 = arith.constant 1.000000e+04 : f32
    %div3A_12 = vector.broadcast %div3A_11 : f32 to vector<1x128xf32>
    %div3A_13 = arith.divf %slice3A_10, %div3A_12 : vector<1x128xf32>
    %mul3A = arith.mulf %div3A_9, %div3A_9 : vector<1x128xf32>
    %sub3A = arith.subf %div3A_13, %mul3A : vector<1x128xf32>
    %add3A = arith.constant 9.99999974E-6 : f32
    %add3A_14 = vector.broadcast %add3A : f32 to vector<1x128xf32>
    %add3A_15 = arith.addf %sub3A, %add3A_14 : vector<1x128xf32>
    %rsqrt3A = math.rsqrt %add3A_15 : vector<1x128xf32>
    %mul3A_16 = arith.mulf %get3A_4, %rsqrt3A : vector<1x128xf32>
    %mul3A_17 = arith.mulf %div3A_9, %mul3A_16 : vector<1x128xf32>
    %sub3A_18 = arith.subf %get3A_7, %mul3A_17 : vector<1x128xf32>
    %get3A_19 = arith.constant 0 : index
    %get3A_20 = arith.constant 0 : index
    %get3A_21 = vector.load %arg1[%get3A_19, %get3A_20] : memref<1000x128xf32, #tpu.memory_space<vmem>>, vector<1000x128xf32>
    %mul3A_22 = vector.broadcast %mul3A_16 : vector<1x128xf32> to vector<1000x128xf32>
    %mul3A_23 = arith.mulf %get3A_21, %mul3A_22 : vector<1000x128xf32>
    %add3A_24 = vector.broadcast %sub3A_18 : vector<1x128xf32> to vector<1000x128xf32>
    %add3A_25 = arith.addf %mul3A_23, %add3A_24 : vector<1000x128xf32>
    %max3A = arith.constant 0.000000e+00 : f32
    %max3A_26 = vector.broadcast %max3A : f32 to vector<1000x128xf32>
    %max3A_27 = arith.maximumf %add3A_25, %max3A_26 : vector<1000x128xf32>
    %swap3A = arith.constant 0 : index
    %swap3A_28 = arith.constant 0 : index
    %swap3A_29 = vector.load %arg6[%swap3A, %swap3A_28] : memref<1000x128xf32, #tpu.memory_space<vmem>>, vector<1000x128xf32>
    tpu.vector_store %arg6[%swap3A, %swap3A_28], %max3A_27 {strides = array<i32>} : memref<1000x128xf32, #tpu.memory_space<vmem>>, vector<1000x128xf32>,
    %get3A_30 = arith.constant 0 : index
    %get3A_31 = arith.constant 0 : index
    %get3A_32 = vector.load %arg5[%get3A_30, %get3A_31] : memref<1000x1xi32, #tpu.memory_space<vmem>>, vector<1000x1xi32>
    %iota3A = tpu.iota {dimensions = array<i32: 1>} : vector<1000x64xi32>
    %eq3A = vector.broadcast %get3A_32 : vector<1000x1xi32> to vector<1000x64xi32>
    %eq3A_33 = arith.cmpi eq, %eq3A, %iota3A : vector<1000x64xi32>
    %convert_element_type3A = arith.extui %eq3A_33 : vector<1000x64xi1> to vector<1000x64xi32>
    %convert_element_type3A_34 = arith.sitofp %convert_element_type3A : vector<1000x64xi32> to vector<1000x64xf32>
    %dot_general3A = arith.constant dense<0.000000e+00> : vector<64x128xf32>
    %dot_general3A_35 = tpu.matmul %convert_element_type3A_34, %max3A_27, %dot_general3A {dimension_numbers = #tpu.dot_dimension_numbers<[0], [0], [1], [1], [0, 1, 1, 1], [], []>, transpose_lhs_hint = false} : vector<1000x64xf32>, vector<1000x128xf32>, vector<64x128xf32> -> vector<64x128xf32>
    %eq3A_36 = arith.constant 0 : i32
    %eq3A_37 = arith.cmpi eq, %arg0, %eq3A_36 : i32
    %convert_element_type3A_38 = arith.extui %eq3A_37 : i1 to i32
    %cond3A = arith.constant 0 : i32
    %cond3A_39 = arith.cmpi ne, %convert_element_type3A_38, %cond3A : i32
    scf.if %cond3A_39 {
      %broadcast_in_dim3A = arith.constant 0.000000e+00 : f32
      %broadcast_in_dim3A_52 = vector.broadcast %broadcast_in_dim3A : f32 to vector<64x128xf32>
      %swap3A_53 = arith.constant 0 : index
      %swap3A_54 = arith.constant 0 : index
      %swap3A_55 = vector.load %arg8[%swap3A_53, %swap3A_54] : memref<64x128xf32, #tpu.memory_space<vmem>>, vector<64x128xf32>
      tpu.vector_store %arg8[%swap3A_53, %swap3A_54], %broadcast_in_dim3A_52 {strides = array<i32>} : memref<64x128xf32, #tpu.memory_space<vmem>>, vector<64x128xf32>,
    } else {
    }
    %get3A_40 = arith.constant 0 : index
    %get3A_41 = arith.constant 0 : index
    %get3A_42 = vector.load %arg8[%get3A_40, %get3A_41] : memref<64x128xf32, #tpu.memory_space<vmem>>, vector<64x128xf32>
    %add3A_43 = arith.addf %get3A_42, %dot_general3A_35 : vector<64x128xf32>
    %swap3A_44 = arith.constant 0 : index
    %swap3A_45 = arith.constant 0 : index
    %swap3A_46 = vector.load %arg8[%swap3A_44, %swap3A_45] : memref<64x128xf32, #tpu.memory_space<vmem>>, vector<64x128xf32>
    tpu.vector_store %arg8[%swap3A_44, %swap3A_45], %add3A_43 {strides = array<i32>} : memref<64x128xf32, #tpu.memory_space<vmem>>, vector<64x128xf32>,
    %eq3A_47 = arith.constant 9 : i32
    %eq3A_48 = arith.cmpi eq, %arg0, %eq3A_47 : i32
    %convert_element_type3A_49 = arith.extui %eq3A_48 : i1 to i32
    %cond3A_50 = arith.constant 0 : i32
    %cond3A_51 = arith.cmpi ne, %convert_element_type3A_49, %cond3A_50 : i32
    scf.if %cond3A_51 {
      %get3A_52 = arith.constant 0 : index
      %get3A_53 = arith.constant 0 : index
      %get3A_54 = vector.load %arg8[%get3A_52, %get3A_53] : memref<64x128xf32, #tpu.memory_space<vmem>>, vector<64x128xf32>
      %swap3A_55 = arith.constant 0 : index
      %swap3A_56 = arith.constant 0 : index
      %swap3A_57 = vector.load %arg7[%swap3A_55, %swap3A_56] : memref<64x128xf32, #tpu.memory_space<vmem>>, vector<64x128xf32>
      tpu.vector_store %arg7[%swap3A_55, %swap3A_56], %get3A_54 {strides = array<i32>} : memref<64x128xf32, #tpu.memory_space<vmem>>, vector<64x128xf32>,
    } else {
    }
    return
  }
  func.func @transform_0(%arg0: i32) -> (i32, i32) {
    %c0_i32 = arith.constant 0 : i32
    %c0_i32_0 = arith.constant 0 : i32
    return %arg0, %c0_i32 : i32, i32
  }
  func.func @transform_1(%arg0: i32) -> (i32, i32) {
    %c0_i32 = arith.constant 0 : i32
    %c0_i32_0 = arith.constant 0 : i32
    %c0_i32_1 = arith.constant 0 : i32
    return %c0_i32, %c0_i32_0 : i32, i32
  }
  func.func @transform_2(%arg0: i32) -> (i32, i32) {
    %c0_i32 = arith.constant 0 : i32
    %c0_i32_0 = arith.constant 0 : i32
    %c0_i32_1 = arith.constant 0 : i32
    return %c0_i32, %c0_i32_0 : i32, i32
  }
  func.func @transform_3(%arg0: i32) -> (i32, i32) {
    %c0_i32 = arith.constant 0 : i32
    %c0_i32_0 = arith.constant 0 : i32
    %c0_i32_1 = arith.constant 0 : i32
    return %c0_i32, %c0_i32_0 : i32, i32
  }
  func.func @transform_4(%arg0: i32) -> (i32, i32) {
    %c0_i32 = arith.constant 0 : i32
    %c0_i32_0 = arith.constant 0 : i32
    return %arg0, %c0_i32 : i32, i32
  }
  func.func @transform_5(%arg0: i32) -> (i32, i32) {
    %c0_i32 = arith.constant 0 : i32
    %c0_i32_0 = arith.constant 0 : i32
    return %arg0, %c0_i32 : i32, i32
  }
  func.func @transform_6(%arg0: i32) -> (i32, i32) {
    %c0_i32 = arith.constant 0 : i32
    %c0_i32_0 = arith.constant 0 : i32
    %c0_i32_1 = arith.constant 0 : i32
    return %c0_i32, %c0_i32_0 : i32, i32
  }
}

module attributes {stable_mosaic.version = 14 : i64} {
  func.func @_final_body(%arg0: i32, %arg1: memref<1000x128xf32, #tpu.memory_space<vmem>>, %arg2: memref<1000x1xi32, #tpu.memory_space<vmem>>, %arg3: memref<64x128xf32, #tpu.memory_space<vmem>>, %arg4: memref<128x256xf32, #tpu.memory_space<vmem>>, %arg5: memref<128x256xf32, #tpu.memory_space<vmem>>, %arg6: memref<1x256xf32, #tpu.memory_space<vmem>>, %arg7: memref<256x16xf32, #tpu.memory_space<vmem>>, %arg8: memref<1x16xf32, #tpu.memory_space<vmem>>, %arg9: memref<1000x16xf32, #tpu.memory_space<vmem>>) attributes {dimension_semantics = [#tpu.dimension_semantics<arbitrary>], iteration_bounds = array<i64: 10>, scalar_prefetch = 0 : i64, scratch_operands = 0 : i64, tpu.core_type = #tpu.core_type<tc>, window_params = [{transform_indices = @transform_0, window_bounds = array<i64: 1000, 128>}, {transform_indices = @transform_1, window_bounds = array<i64: 1000, 1>}, {pipeline_mode = #tpu.pipeline_mode<synchronous>, transform_indices = @transform_2, window_bounds = array<i64: 64, 128>}, {pipeline_mode = #tpu.pipeline_mode<synchronous>, transform_indices = @transform_3, window_bounds = array<i64: 128, 256>}, {pipeline_mode = #tpu.pipeline_mode<synchronous>, transform_indices = @transform_4, window_bounds = array<i64: 128, 256>}, {pipeline_mode = #tpu.pipeline_mode<synchronous>, transform_indices = @transform_5, window_bounds = array<i64: 1, 256>}, {pipeline_mode = #tpu.pipeline_mode<synchronous>, transform_indices = @transform_6, window_bounds = array<i64: 256, 16>}, {pipeline_mode = #tpu.pipeline_mode<synchronous>, transform_indices = @transform_7, window_bounds = array<i64: 1, 16>}, {transform_indices = @transform_8, window_bounds = array<i64: 1000, 16>}]} {
    %get3A = arith.constant 0 : index
    %get3A_0 = arith.constant 0 : index
    %get3A_1 = vector.load %arg2[%get3A, %get3A_0] : memref<1000x1xi32, #tpu.memory_space<vmem>>, vector<1000x1xi32>
    %iota3A = tpu.iota {dimensions = array<i32: 1>} : vector<1000x64xi32>
    %eq3A = vector.broadcast %get3A_1 : vector<1000x1xi32> to vector<1000x64xi32>
    %eq3A_2 = arith.cmpi eq, %eq3A, %iota3A : vector<1000x64xi32>
    %convert_element_type3A = arith.extui %eq3A_2 : vector<1000x64xi1> to vector<1000x64xi32>
    %convert_element_type3A_3 = arith.sitofp %convert_element_type3A : vector<1000x64xi32> to vector<1000x64xf32>
    %get3A_4 = arith.constant 0 : index
    %get3A_5 = arith.constant 0 : index
    %get3A_6 = vector.load %arg3[%get3A_4, %get3A_5] : memref<64x128xf32, #tpu.memory_space<vmem>>, vector<64x128xf32>
    %dot_general3A = arith.constant dense<0.000000e+00> : vector<1000x128xf32>
    %dot_general3A_7 = tpu.matmul %convert_element_type3A_3, %get3A_6, %dot_general3A {dimension_numbers = #tpu.dot_dimension_numbers<[1], [0], [0], [1], [0, 0, 1, 1], [], []>, transpose_lhs_hint = false} : vector<1000x64xf32>, vector<64x128xf32>, vector<1000x128xf32> -> vector<1000x128xf32>
    %get3A_8 = arith.constant 0 : index
    %get3A_9 = arith.constant 0 : index
    %get3A_10 = vector.load %arg1[%get3A_8, %get3A_9] : memref<1000x128xf32, #tpu.memory_space<vmem>>, vector<1000x128xf32>
    %get3A_11 = arith.constant 0 : index
    %get3A_12 = arith.constant 0 : index
    %get3A_13 = vector.load %arg4[%get3A_11, %get3A_12] : memref<128x256xf32, #tpu.memory_space<vmem>>, vector<128x256xf32>
    %dot_general3A_14 = arith.constant dense<0.000000e+00> : vector<1000x256xf32>
    %dot_general3A_15 = tpu.matmul %get3A_10, %get3A_13, %dot_general3A_14 {dimension_numbers = #tpu.dot_dimension_numbers<[1], [0], [0], [1], [0, 0, 1, 1], [], []>, transpose_lhs_hint = false} : vector<1000x128xf32>, vector<128x256xf32>, vector<1000x256xf32> -> vector<1000x256xf32>
    %get3A_16 = arith.constant 0 : index
    %get3A_17 = arith.constant 0 : index
    %get3A_18 = vector.load %arg5[%get3A_16, %get3A_17] : memref<128x256xf32, #tpu.memory_space<vmem>>, vector<128x256xf32>
    %dot_general3A_19 = arith.constant dense<0.000000e+00> : vector<1000x256xf32>
    %dot_general3A_20 = tpu.matmul %dot_general3A_7, %get3A_18, %dot_general3A_19 {dimension_numbers = #tpu.dot_dimension_numbers<[1], [0], [0], [1], [0, 0, 1, 1], [], []>, transpose_lhs_hint = false} : vector<1000x128xf32>, vector<128x256xf32>, vector<1000x256xf32> -> vector<1000x256xf32>
    %add3A = arith.addf %dot_general3A_15, %dot_general3A_20 : vector<1000x256xf32>
    %get3A_21 = arith.constant 0 : index
    %get3A_22 = arith.constant 0 : index
    %get3A_23 = vector.load %arg6[%get3A_21, %get3A_22] : memref<1x256xf32, #tpu.memory_space<vmem>>, vector<1x256xf32>
    %add3A_24 = vector.broadcast %get3A_23 : vector<1x256xf32> to vector<1000x256xf32>
    %add3A_25 = arith.addf %add3A, %add3A_24 : vector<1000x256xf32>
    %max3A = arith.constant 0.000000e+00 : f32
    %max3A_26 = vector.broadcast %max3A : f32 to vector<1000x256xf32>
    %max3A_27 = arith.maximumf %add3A_25, %max3A_26 : vector<1000x256xf32>
    %get3A_28 = arith.constant 0 : index
    %get3A_29 = arith.constant 0 : index
    %get3A_30 = vector.load %arg7[%get3A_28, %get3A_29] : memref<256x16xf32, #tpu.memory_space<vmem>>, vector<256x16xf32>
    %dot_general3A_31 = arith.constant dense<0.000000e+00> : vector<1000x16xf32>
    %dot_general3A_32 = tpu.matmul %max3A_27, %get3A_30, %dot_general3A_31 {dimension_numbers = #tpu.dot_dimension_numbers<[1], [0], [0], [1], [0, 0, 1, 1], [], []>, transpose_lhs_hint = false} : vector<1000x256xf32>, vector<256x16xf32>, vector<1000x16xf32> -> vector<1000x16xf32>
    %get3A_33 = arith.constant 0 : index
    %get3A_34 = arith.constant 0 : index
    %get3A_35 = vector.load %arg8[%get3A_33, %get3A_34] : memref<1x16xf32, #tpu.memory_space<vmem>>, vector<1x16xf32>
    %add3A_36 = vector.broadcast %get3A_35 : vector<1x16xf32> to vector<1000x16xf32>
    %add3A_37 = arith.addf %dot_general3A_32, %add3A_36 : vector<1000x16xf32>
    %swap3A = arith.constant 0 : index
    %swap3A_38 = arith.constant 0 : index
    %swap3A_39 = vector.load %arg9[%swap3A, %swap3A_38] : memref<1000x16xf32, #tpu.memory_space<vmem>>, vector<1000x16xf32>
    tpu.vector_store %arg9[%swap3A, %swap3A_38], %add3A_37 {strides = array<i32>} : memref<1000x16xf32, #tpu.memory_space<vmem>>, vector<1000x16xf32>,
    return
  }
  func.func @transform_0(%arg0: i32) -> (i32, i32) {
    %c0_i32 = arith.constant 0 : i32
    %c0_i32_0 = arith.constant 0 : i32
    return %arg0, %c0_i32 : i32, i32
  }
  func.func @transform_1(%arg0: i32) -> (i32, i32) {
    %c0_i32 = arith.constant 0 : i32
    %c0_i32_0 = arith.constant 0 : i32
    return %arg0, %c0_i32 : i32, i32
  }
  func.func @transform_2(%arg0: i32) -> (i32, i32) {
    %c0_i32 = arith.constant 0 : i32
    %c0_i32_0 = arith.constant 0 : i32
    %c0_i32_1 = arith.constant 0 : i32
    return %c0_i32, %c0_i32_0 : i32, i32
  }
  func.func @transform_3(%arg0: i32) -> (i32, i32) {
    %c0_i32 = arith.constant 0 : i32
    %c0_i32_0 = arith.constant 0 : i32
    %c0_i32_1 = arith.constant 0 : i32
    return %c0_i32, %c0_i32_0 : i32, i32
  }
  func.func @transform_4(%arg0: i32) -> (i32, i32) {
    %c0_i32 = arith.constant 0 : i32
    %c0_i32_0 = arith.constant 0 : i32
    %c0_i32_1 = arith.constant 0 : i32
    return %c0_i32, %c0_i32_0 : i32, i32
  }
  func.func @transform_5(%arg0: i32) -> (i32, i32) {
    %c0_i32 = arith.constant 0 : i32
    %c0_i32_0 = arith.constant 0 : i32
    %c0_i32_1 = arith.constant 0 : i32
    return %c0_i32, %c0_i32_0 : i32, i32
  }
  func.func @transform_6(%arg0: i32) -> (i32, i32) {
    %c0_i32 = arith.constant 0 : i32
    %c0_i32_0 = arith.constant 0 : i32
    %c0_i32_1 = arith.constant 0 : i32
    return %c0_i32, %c0_i32_0 : i32, i32
  }
  func.func @transform_7(%arg0: i32) -> (i32, i32) {
    %c0_i32 = arith.constant 0 : i32
    %c0_i32_0 = arith.constant 0 : i32
    %c0_i32_1 = arith.constant 0 : i32
    return %c0_i32, %c0_i32_0 : i32, i32
  }
  func.func @transform_8(%arg0: i32) -> (i32, i32) {
    %c0_i32 = arith.constant 0 : i32
    %c0_i32_0 = arith.constant 0 : i32
    return %arg0, %c0_i32 : i32, i32
  }
}

</mosaic_0001>

<sc_bundles>
// kernel: kernel.10.cloned.1.call-start
scs
__scs_entry_jumppad:
0x0: {  	(pc) =	sbr.rel $0x88, $3  }
0x1: {  	(tag) =	ssettag $0x0;
	lr =	simm.s32 $0x1  }
0x2: {  	[smem:$0x3F91] =	sst lr;
	_ =	strace $0xD0000000  }
0x3: {  	_ = 	snop  }
0x4: {  	_ = 	snop  }
0x5: {  	_ = 	snop  }
0x6: {  	_ = 	snop  }
0x7: {  	_ = 	snop  }
__scs_overlays_trampoline_lowered:
0x8: {  	[smem:$0x3FA0] =	sst s0  }
0x9: {  	[smem:$0x3FA1] =	sst s1  }
0xa: {  	[smem:$0x3FA2] =	sst s2  }
0xb: {  	[smem:$0x3FA3] =	sst s3  }
0xc: {  	[smem:$0x3FA4] =	sst s4  }
0xd: {  	[smem:$0x3FA5] =	sst s5  }
0xe: {  	[smem:$0x3FA6] =	sst s6  }
0xf: {  	[smem:$0x3FA7] =	sst s7  }
0x10: {  	[smem:$0x3FA8] =	sst s8  }
0x11: {  	[smem:$0x3FA9] =	sst s9;
	s0 =	simm.s32 @!p0 $0x0  }
0x12: {  	s1 =	sld [smem:$0x3F8F];
	s0 =	simm.s32 @p0 $0x1  }
0x13: {  	[smem:$0x3FAA] =	sst s0;
	s0 =	simm.s32 @!p1 $0x0  }
0x14: {  	s2 =	sld [smem:$0x3F8E];
	s0 =	simm.s32 @p1 $0x1  }
0x15: {  	[smem:$0x3FAB] =	sst s0;
	s0 =	simm.s32 @!p2 $0x0  }
0x16: {  	s3 =	sld [smem:$0x3FDB];
	s0 =	simm.s32 @p2 $0x1  }
0x17: {  	s4 =	simm.s32 $0x1BF5;
	[smem:$0x3FAD] =	sst s0  }
0x18: {  	s0 =	sld [smem:$0x3F90];
	_ =	swait.ge [sflag:s4], $0x0  }
0x19: {  	s7 =	sld [smem:$0x3F91]  }
0x1a: {  	s8 =	sadd.s32 $0xFFFFE003, lr  }
0x1b: {  	s9 =	sadd.s32 $0xFFFFFEF7, lr;
	s5 =	simm.s32 $0xFFFFFFFF;
	p2 =	slt.u32 s8, $0xFFFFF086  }
0x1c: {  	p1 =	slt.u32 s9, $0xF7A;
	s5 =	simm.s32 @!p2 $0x0  }
0x1d: {  	s5 =	simm.s32 @p1 $0x1;
	p0 =	seq.s32 s7, s2  }
0x1e: {  	s7 =	smul.u32 @!p0 $0xF7A, s2;
	p2 =	seq.s32 @!p0 s5, $0x0  }
0x1f: {  	s9 =	smul.u32 $0xF7A, s1;
	s8 =	simm.s32 @!p0 $0x1BF5;
	p2 =	por !p2, p0  }
0x20: {  	[sflag:s8] =	ssyncset.s32 @!p0 $0xFFFFF086;
	s6 =	sadd.s32 @!p0 s3, s7;
	s7 =	simm.s32 @!p0 $0x108  }
0x21: {  	s3 =	sadd.s32 s3, s9;
	s6 =	sadd.s32 @!p0 $0x88, s6;
	s7 =	simm.s32 @p2 $0x1082  }
0x22: {  	[simem:s7], [sflag:s8] =	dma.local @!p0 [hbm:s6], $0xF7A  }
0x23: {  	s9 =	sor.u32 $0xD0000000, s2;
	s6 =	simm.s32 $0x108;
	_ =	swait.ge @!p0 [sflag:s8], $0x0  }
0x24: {  	s3 =	sadd.s32 $0x88, s3;
	s6 =	simm.s32 @!p1 $0x1082;
	[sflag:s4] =	ssyncset.s32 $0xFFFFF086  }
0x25: {  	[simem:s6], [sflag:s4] =	dma.local [hbm:s3], $0xF7A  }
0x26: {  	[smem:$0x3F91] =	sst s1;
	(tag) =	ssettag s2;
	_ =	strace s9  }
0x27: {  	s1 =	sld [smem:$0x3FA1]  }
0x28: {  	s2 =	sld [smem:$0x3FA2]  }
0x29: {  	s4 =	sld [smem:$0x3FA4]  }
0x2a: {  	p0 =	seq.s32 s5, $0x0;
	s5 =	sld [smem:$0x3FA5]  }
0x2b: {  	s6 =	sld [smem:$0x3FA6]  }
0x2c: {  	s7 =	sld [smem:$0x3FA7]  }
0x2d: {  	s3 =	simm.s32 $0x108;
	s8 =	sld [smem:$0x3FA8]  }
0x2e: {  	s3 =	simm.s32 @!p0 $0x1082;
	s9 =	sld [smem:$0x3FA9]  }
0x2f: {  	lr =	sadd.s32 s0, s3;
	s0 =	sld [smem:$0x3FA0]  }
0x30: {  	s3 =	sld [smem:$0x3FA3]  }
0x31: {  	[smem:$0x3FAC] =	sst s10  }
0x32: {  	s10 =	sld [smem:$0x3FAA];
	_ =	sdelay $0x3  }
0x33: {  	p0 =	seq.s32 s10, $0x1;
	s10 =	sld [smem:$0x3FAC];
	_ =	sdelay $0x3  }
0x34: {  	[smem:$0x3FAC] =	sst s10  }
0x35: {  	s10 =	sld [smem:$0x3FAB];
	_ =	sdelay $0x3  }
0x36: {  	p1 =	seq.s32 s10, $0x1;
	s10 =	sld [smem:$0x3FAC];
	_ =	sdelay $0x3  }
0x37: {  	[smem:$0x3FAC] =	sst s10  }
0x38: {  	s10 =	sld [smem:$0x3FAD]  }
0x39: {  	_ = 	snop;
	(pc) =	sbr.ind lr, $3  }
0x3a: {  	_ = 	snop  }
0x3b: {  	_ = 	snop  }
0x3c: {  	p2 =	seq.s32 s10, $0x1;
	s10 =	sld [smem:$0x3FAC]  }
0x3d: {  	_ =	shalt  }
0x3e: {  	_ =	shalt  }
0x3f: {  	_ =	shalt  }
0x40: {  	_ =	shalt  }
0x41: {  	_ =	shalt  }
0x42: {  	_ =	shalt  }
0x43: {  	_ =	shalt  }
0x44: {  	_ =	shalt  }
0x45: {  	_ =	shalt  }
0x46: {  	_ =	shalt  }
0x47: {  	_ =	shalt  }
0x48: {  	_ =	shalt  }
0x49: {  	_ =	shalt  }
0x4a: {  	_ =	shalt  }
0x4b: {  	_ =	shalt  }
0x4c: {  	_ =	shalt  }
0x4d: {  	_ =	shalt  }
0x4e: {  	_ =	shalt  }
0x4f: {  	_ =	shalt  }
0x50: {  	_ =	shalt  }
0x51: {  	_ =	shalt  }
0x52: {  	_ =	shalt  }
0x53: {  	_ =	shalt  }
0x54: {  	_ =	shalt  }
0x55: {  	_ =	shalt  }
0x56: {  	_ =	shalt  }
0x57: {  	_ =	shalt  }
0x58: {  	_ =	shalt  }
0x59: {  	_ =	shalt  }
0x5a: {  	_ =	shalt  }
0x5b: {  	_ =	shalt  }
0x5c: {  	_ =	shalt  }
0x5d: {  	_ =	shalt  }
0x5e: {  	_ =	shalt  }
0x5f: {  	_ =	shalt  }
0x60: {  	_ =	shalt  }
0x61: {  	_ =	shalt  }
0x62: {  	_ =	shalt  }
0x63: {  	_ =	shalt  }
0x64: {  	_ =	shalt  }
0x65: {  	_ =	shalt  }
0x66: {  	_ =	shalt  }
0x67: {  	_ =	shalt  }
0x68: {  	_ =	shalt  }
0x69: {  	_ =	shalt  }
0x6a: {  	_ =	shalt  }
0x6b: {  	_ =	shalt  }
0x6c: {  	_ =	shalt  }
0x6d: {  	_ =	shalt  }
0x6e: {  	_ =	shalt  }
0x6f: {  	_ =	shalt  }
0x70: {  	_ =	shalt  }
0x71: {  	_ =	shalt  }
0x72: {  	_ =	shalt  }
0x73: {  	_ =	shalt  }
0x74: {  	_ =	shalt  }
0x75: {  	_ =	shalt  }
0x76: {  	_ =	shalt  }
0x77: {  	_ =	shalt  }
0x78: {  	_ =	shalt  }
0x79: {  	_ =	shalt  }
0x7a: {  	_ =	shalt  }
0x7b: {  	_ =	shalt  }
0x7c: {  	_ =	shalt  }
0x7d: {  	_ =	shalt  }
0x7e: {  	_ =	shalt  }
0x7f: {  	_ =	shalt  }
0x80: {  	_ =	shalt  }
0x81: {  	_ =	shalt  }
0x82: {  	_ =	shalt  }
0x83: {  	_ =	shalt  }
0x84: {  	_ =	shalt  }
0x85: {  	_ =	shalt  }
0x86: {  	_ =	shalt  }
0x87: {  	_ =	shalt  }
.Lfunc_end0:
.L_simem_size_0:
called_computation.1_lowered:
.L_overlay_start_0:
0x88: {  	s2 =	sld [smem:$0x3FD9]  }
0x89: {  	s3 =	sld [smem:$0x3FFE];
	_ =	sdelay $0x1  }
0x8a: {  	s1 =	srdreg.scid  }
0x8b: {  	s0 =	sand.u32 $0x1, s1  }
0x8c: {  	s17 =	sshll.u32 s0, $0xA;
	s2 =	sadd.s32 s3, s2  }
0x8d: {  	s2 =	sadd.s32 s2, s17  }
0x8e: {  	[smem:$0x3FB8] =	sst s2  }
0x8f: {  	_ = 	snop  }
0x90: {  	s18 =	sld [smem:$0x3FC9];
	(tm) =	ssettm $0x1  }
0x91: {  	s19 =	sld [smem:$0x3FFB];
	_ =	sdelay $0x3  }
0x92: {  	_ =	strace s19  }
0x93: {  	s2 =	sld [smem:$0x3FFC];
	_ =	sdelay $0x3  }
0x94: {  	_ =	strace s2  }
0x95: {  	s2 =	sld [smem:$0x3FFD];
	_ =	sdelay $0x3  }
0x96: {  	_ =	strace s2  }
0x97: {  	_ =	strace $0x8FFFFFFF  }
0x98: {  	s20 =	sld [smem:$0x3FDB];
	_ =	sdelay $0x1  }
0x99: {  	s4 =	simm.s32 $_scs_section_size  }
0x9a: {  	s5 =	simm.s32 $_size__tile_overlayer_lowered;
	s6 =	simm.s32 $_tile_overlayer_lowered  }
0x9b: {  	s7 =	simm.s32 $0x1BFF;
	s21 =	sshll.u32 s6, $0x1;
	s4 =	sadd.s32 s4, s20  }
0x9c: {  	s22 =	simm.s32 $0x0;
	s5 =	sshll.u32 s5, $0x1;
	s6 =	sadd.s32 s21, s4  }
0x9d: {  	[timem:s22], [sflag:s7] =	dma.local [hbm:s6], s5  }
0x9e: {  	_ =	swait.ge [sflag:s7], s5  }
0x9f: {  	s5 =	ssub.s32 $0x0, s5;
	[sflag:s7] =	ssyncset.done $0x0  }
0xa0: {  	[sflag:s7] =	ssyncadd.s32 s5;
	_ =	sdelay $0x1  }
0xa1: {  	s23 =	simm.s32 $0x1B8B  }
0xa2: {  	_ =	swait.ge [sflag:s23], $0x1  }
0xa3: {  	[sflag:s23] =	ssyncset.done $0x0  }
0xa4: {  	[sflag:s23] =	ssyncadd.s32 $0xFFFFFFFF  }
0xa5: {  	s5 =	sld [smem:$0x0]  }
0xa6: {  	s6 =	sand.u32 $0xFFFFFFFE, s1  }
0xa7: {  	p0 =	sne.s32 s1, s6  }
0xa8: {  	s6 =	sshll.u32 @p0 s6, $0xE  }
0xa9: {  	s6 =	sadd.s32 @p0 $0x11B8D, s6;
	s7 =	sshll.u32 @p0 s5, $0x11  }
0xaa: {  	s6 =	sor.u32 @p0 s7, s6  }
0xab: {  	[sflag:s6] =	ssyncadd.remote.s32 @p0 $0x1;
	_ =	sdelay $0x1  }
0xac: {  	s6 =	simm.s32 @p0 $0x1B8D  }
0xad: {  	_ =	swait.eq @p0 [sflag:s6], $0x1  }
0xae: {  	[sflag:s6] =	ssyncadd.s32 @p0 $0xFFFFFFFF  }
0xaf: {  	s7 =	sshll.u32 @!p0 s1, $0xE  }
0xb0: {  	s7 =	sor.u32 @!p0 $0x4000, s7;
	s6 =	simm.s32 @!p0 $0x1B8D  }
0xb1: {  	s5 =	sshll.u32 @!p0 s5, $0x11;
	s7 =	sadd.s32 @!p0 $0x11B8D, s7;
	_ =	swait.eq @!p0 [sflag:s6], $0x1  }
0xb2: {  	s5 =	sor.u32 @!p0 s5, s7;
	[sflag:s6] =	ssyncadd.s32 @!p0 $0xFFFFFFFF  }
0xb3: {  	s25 =	simm.s32 $0x1B8E;
	s24 =	sld [smem:$0x3FFE];
	[sflag:s5] =	ssyncadd.remote.s32 @!p0 $0x1  }
0xb4: {  	s26 =	simm.s32 $execute0_lowered;
	[smem:$0x3FD2] =	sst s25  }
0xb5: {  	s6 =	sshll.u32 s26, $0x1;
	_ =	strace $0x80000049;
	[dreg:$0x1] =	wrdreg $0xFFFFFFFF  }
0xb6: {  	s28 =	simm.s32 $_size_execute0_lowered;
	s4 =	sadd.s32 s4, s6;
	[dreg:$0x0] =	wrdreg $0x0  }
0xb7: {  	s6 =	sshll.u32 s28, $0x1;
	[dreg:$0x2] =	wrdreg s4  }
0xb8: {  	[dreg:$0x3] =	wrdreg s6  }
0xb9: {  	[dreg:$0x4] =	wrdreg $0xC0  }
0xba: {  	_ =	task [dreg:s22], $0x5FFFF  }
0xbb: {  	[dreg:$0x1] =	wrdreg $0xFFFFFFFF  }
0xbc: {  	[dreg:$0x0] =	wrdreg $0x60  }
0xbd: {  	[dreg:$0x2] =	wrdreg s18  }
0xbe: {  	[dreg:$0x3] =	wrdreg s24  }
0xbf: {  	[dreg:$0x4] =	wrdreg $0x82000  }
0xc0: {  	[dreg:$0x5] =	wrdreg $0xA  }
0xc1: {  	_ =	task.clear_ibuf [dreg:s22], $0x6FFFF;
	_ =	strace $0x90000049  }
0xc2: {  	s29 =	simm.s32 $0xA;
	_ =	strace $0x8000004B  }
0xc3: {  	_ =	swait.ge [sflag:s29], $0x1  }
0xc4: {  	[sflag:s29] =	ssyncadd.s32 $0xFFFFFFFF  }
0xc5: {  	_ =	strace $0x9000004B  }
0xc6: {  	_ =	sfence  }
0xc7: {  	s30 =	sld [smem:$0x0];
	_ =	sdelay $0x2  }
0xc8: {  	s31 =	sshll.u32 s1, $0xD;
	s1 =	sshrl.u32 s1, $0x2  }
0xc9: {  	s4 =	sand.u32 $0x4000, s31;
	s1 =	sadd.s32 s1, s30  }
0xca: {  	s0 =	sor.u32 s4, s0;
	s1 =	sshll.u32 s1, $0x11  }
0xcb: {  	s0 =	sor.u32 s1, s0  }
0xcc: {  	s0 =	sadd.s32 $0x8F2B, s0  }
0xcd: {  	[sflag:s0] =	ssyncadd.remote.s32 $0x1  }
0xce: {  	_ =	sfence.sel $0xFFFF  }
0xcf: {  	[dreg:$0x0] =	wrdreg $0xFFFFFFFF;
	(pc) =	sbr.abs _section_cstart, $3  }
0xd0: {  	[dreg:$0x1] =	wrdreg $0xFFFFFFFF  }
0xd1: {  	_ =	task.clear_ibuf [dreg:s22], $0x2FFFF;
	_ =	strace $0x9FFFFFFF  }
0xd2: {  	(tm) =	ssettm $0x7FFFFFFF  }
0xd3: {  	_ =	shalt  }
tec
execute0_lowered:
.L_overlay_start_1:
0x0: {  	(tag) =	ssettag $0x1  }
0x1: {  	s1 =	rddreg [dreg:$0x0]  }
0x2: {  	s0 =	rddreg [dreg:$0x1]  }
0x3: {  	s3 =	rddreg [dreg:$0x2];
	s5 =	srdreg.scid  }
0x4: {  	s4 =	simm.s32 $0x0;
	s2 =	stileid.u32;
	s19 =	simm.s32 $0x200  }
0x5: {  	s20 =	simm.s32 $0x3;
	s21 =	simm.s32 $0x100;
	s22 =	simm.s32 $0x80  }
0x6: {  	s23 =	simm.s32 $0x4200;
	s24 =	simm.s32 $0x1;
	s28 =	simm.s32 $0x2  }
0x7: {  	s29 =	simm.s32 $0x180;
	s30 =	simm.s32 $0x0;
	s8 =	sand.u32 $0x1, s5  }
0x8: {  	[smem:$0x7FF] =	sst s4;
	s10 =	smul.u32 $0x13C00, s2;
	s5 =	sadd.s32 $0xA0EE00, s0  }
0x9: {  	s25 =	sshll.u32 s2, $0x1;
	s7 =	sadd.s32 $0xA04E00, s0;
	s13 =	smul.u32 $0x4F000, s2  }
0xa: {  	s15 =	sshll.u32 s2, $0xE;
	p0 =	seq.s32 s2, $0xF;
	s9 =	smul.u32 $0x13C000, s8  }
0xb: {  	_ =	strace $0x8000004A;
	s6 =	sor.u32 s8, s25;
	s8 =	ssub.s32 $0x2, s8  }
0xc: {  	s6 =	smul.u32 $0x2800, s6;
	s26 =	sshrl.u32 s8, $0x1;
	s31 =	sshrl.u32 s13, $0x2  }
0xd: {  	s13 =	sadd.s32 s15, s3;
	s9 =	sadd.s32 s10, s9;
	s14 =	ssub.s32 s8, s26  }
0xe: {  	s15 =	sadd.s32 $0x40000, s13;
	s16 =	sadd.s32 $0x80000, s13;
	s17 =	sadd.s32 $0xC0000, s13  }
.Ltmp0:
0xf: {  	s18 =	sadd.s32 $0x100000, s13;
	s26 =	simm.s32 $0x4;
	(pc) =	sbr.rel .LBB2_1-.Ltmp0, $4  }
0x10: {  	s9 =	sshrl.u32 s9, $0x3;
	s11 =	sshrl.u32 s6, $0x3;
	s14 =	smax.u32 s14, $0x1  }
0x11: {  	s0 =	sadd.s32 s9, s0;
	s8 =	sadd.s32 s5, s11;
	s9 =	sadd.s32 s7, s11  }
0x12: {  	s11 =	sor.u32 $0x10, s11;
	s12 =	sadd.s32 $0xA18E00, s0;
	s0 =	sadd.s32 s31, s3  }
0x13: {  	v0 =	vimm.f32 $0.0e+00;
	s10 =	sadd.s32 s5, s11;
	s11 =	sadd.s32 s7, s11;
	s25 =	sshrl.u32 s0, $0x3  }
.LBB2_5:
0x14: {  	_ =	swait.ge [sflag:s28], $0x4000  }
0x15: {  	[sflag:s28] =	ssyncset.done $0x0  }
0x16: {  	[sflag:s28] =	ssyncadd.s32 $0xFFFFC000  }
0x17: {  	[spmem:s3] =	stream.indirect.scatter.add.f32 [tilespmem:s23], [sflag:$0x4], $0x80, s29, s22, $0xb8;
	[tilespmem:$0x1BE00] =	vst v63  }
0x18: {  	_ =	swait.ge [sflag:s26], $0x4000  }
0x19: {  	[sflag:s26] =	ssyncset.done $0x0  }
0x1a: {  	[sflag:s26] =	ssyncadd.s32 $0xFFFFC000  }
.LBB2_7:
0x1b: {  	s0 =	stileid.u32;
	s30 =	sadd.s32 $0x1, s30  }
0x1c: {  	s0 =	sshll.u32 s0, $0x6;
	p1 =	sne.s32 s30, s14  }
.Ltmp1:
0x1d: {  	[bflag:$0x0] =	sbarrier.arrive $0xFFFF;
	s0 =	sor.u32 $0x1C03, s0;
	(pc) =	sbr.rel @!p1 .LBB2_8-.Ltmp1, $4  }
0x1e: {  	[hbm:s12], [sflag:s0] =	dma.local [spmem:s25], $0x2780  }
0x1f: {  	_ =	swait.ge [sflag:s20], $0x2780  }
0x20: {  	[sflag:s20] =	ssyncset.done $0x0  }
0x21: {  	[sflag:s20] =	ssyncadd.s32 $0xFFFFD880  }
.LBB2_1:
0x22: {  	s31 =	simm.s32 $0x0;
	s0 =	simm.s32 $0x200  }
.LBB2_2:
0x23: {  	p1 =	sne.s32 s0, $0xFE00;
	[tilespmem:s31+$0x270] =	vst v0  }
0x24: {  	[tilespmem:s31+$0x200] =	vst v0  }
0x25: {  	[tilespmem:s31+$0x210] =	vst v0  }
.Ltmp2:
0x26: {  	[tilespmem:s31+$0x220] =	vst v0;
	(pc) =	sbr.rel @p1 .LBB2_2-.Ltmp2, $4  }
0x27: {  	[tilespmem:s31+$0x230] =	vst v0  }
0x28: {  	[tilespmem:s31+$0x240] =	vst v0  }
0x29: {  	[tilespmem:s31+$0x250] =	vst v0  }
0x2a: {  	[tilespmem:s31+$0x260] =	vst v0;
	s31 =	sshra.s32 s0, $0x2;
	s0 =	sadd.s32 $0x200, s0  }
0x2b: {  	[tilespmem:s31+$0x270] =	vst v0  }
0x2c: {  	[tilespmem:s31+$0x200] =	vst v0  }
0x2d: {  	[tilespmem:s31+$0x210] =	vst v0  }
0x2e: {  	[tilespmem:s31+$0x220] =	vst v0  }
0x2f: {  	[tilespmem:s31+$0x230] =	vst v0  }
0x30: {  	[tilespmem:s31+$0x240] =	vst v0  }
0x31: {  	[tilespmem:s31+$0x250] =	vst v0  }
0x32: {  	[tilespmem:s31+$0x260] =	vst v0  }
0x33: {  	[spmem:s13] =	stream.linear.scatter [tilespmem:s19], [sflag:$0x3], $0x4000, $0x38;
	[tilespmem:$0x1BE00] =	vst v63  }
0x34: {  	_ =	swait.ge [sflag:s20], $0x4000  }
0x35: {  	[sflag:s20] =	ssyncset.done $0x0  }
0x36: {  	[sflag:s20] =	ssyncadd.s32 $0xFFFFC000  }
0x37: {  	[spmem:s15] =	stream.linear.scatter [tilespmem:s19], [sflag:$0x3], $0x4000, $0x38;
	[tilespmem:$0x1BE00] =	vst v63  }
0x38: {  	_ =	swait.ge [sflag:s20], $0x4000  }
0x39: {  	[sflag:s20] =	ssyncset.done $0x0  }
0x3a: {  	[sflag:s20] =	ssyncadd.s32 $0xFFFFC000  }
0x3b: {  	[spmem:s16] =	stream.linear.scatter [tilespmem:s19], [sflag:$0x3], $0x4000, $0x38;
	[tilespmem:$0x1BE00] =	vst v63  }
0x3c: {  	_ =	swait.ge [sflag:s20], $0x4000  }
0x3d: {  	[sflag:s20] =	ssyncset.done $0x0  }
0x3e: {  	[sflag:s20] =	ssyncadd.s32 $0xFFFFC000  }
0x3f: {  	[spmem:s17] =	stream.linear.scatter [tilespmem:s19], [sflag:$0x3], $0x4000, $0x38;
	[tilespmem:$0x1BE00] =	vst v63  }
0x40: {  	_ =	swait.ge [sflag:s20], $0x4000  }
0x41: {  	[sflag:s20] =	ssyncset.done $0x0  }
0x42: {  	s0 =	simm.s32 @!p0 $0x200;
	[sflag:s20] =	ssyncadd.s32 $0xFFFFC000  }
0x43: {  	[spmem:s18] =	stream.linear.scatter @!p0 [tilespmem:s0], [sflag:$0x3], $0x4000, $0x38;
	[tilespmem:$0x1BE00] =	vst v63  }
0x44: {  	s0 =	simm.s32 @!p0 $0x3  }
0x45: {  	_ =	swait.ge @!p0 [sflag:s0], $0x4000  }
0x46: {  	[sflag:s0] =	ssyncset.done @!p0 $0x0  }
0x47: {  	[sflag:s0] =	ssyncadd.s32 @!p0 $0xFFFFC000  }
0x48: {  	[bflag:$0x0] =	sbarrier.arrive $0xFFFF  }
0x49: {  	[tilespmem:s4], [sflag:$0x3] =	stream.linear.gather [hbm4b:s8+s4], $0x80, $0x38;
	[tilespmem:$0x1BE00] =	vst v63  }
0x4a: {  	_ =	swait.ge [sflag:s20], $0x80  }
0x4b: {  	[sflag:s20] =	ssyncset.done $0x0  }
0x4c: {  	[sflag:s20] =	ssyncadd.s32 $0xFFFFFF80  }
0x4d: {  	[tilespmem:s21], [sflag:$0x3] =	stream.linear.gather [hbm4b:s9+s4], $0x80, $0x38;
	[tilespmem:$0x1BE00] =	vst v63  }
0x4e: {  	_ =	swait.ge [sflag:s20], $0x80  }
0x4f: {  	[sflag:s20] =	ssyncset.done $0x0  }
0x50: {  	[sflag:s20] =	ssyncadd.s32 $0xFFFFFF80  }
0x51: {  	[tilespmem:s22], [sflag:$0x3] =	stream.linear.gather [hbm4b:s10+s4], $0x80, $0x38;
	[tilespmem:$0x1BE00] =	vst v63  }
0x52: {  	_ =	swait.ge [sflag:s20], $0x80  }
0x53: {  	[sflag:s20] =	ssyncset.done $0x0  }
0x54: {  	s31 =	simm.s32 $0x180;
	[sflag:s20] =	ssyncadd.s32 $0xFFFFFF80  }
0x55: {  	[tilespmem:s31], [sflag:$0x3] =	stream.linear.gather [hbm4b:s11+s4], $0x80, $0x38;
	[tilespmem:$0x1BE00] =	vst v63  }
0x56: {  	_ =	swait.ge [sflag:s20], $0x80  }
0x57: {  	[sflag:s20] =	ssyncset.done $0x0  }
0x58: {  	[sflag:s20] =	ssyncadd.s32 $0xFFFFFF80  }
0x59: {  	[tilespmem:s19], [sflag:$0x1] =	stream.indirect.gather [hbm4b:s1+s22], $0x80, s4, s22, $0xb8;
	[tilespmem:$0x1BE00] =	vst v63  }
.LBB2_4:
0x5a: {  	[tilespmem:s23], [sflag:$0x2] =	stream.indirect.gather [hbm4b:s1+s22], $0x80, s22, s22, $0xb8;
	[tilespmem:$0x1BE00] =	vst v63  }
0x5b: {  	_ =	swait.ge [sflag:s24], $0x4000  }
0x5c: {  	p1 =	sne.s32 s31, $0x2880;
	[sflag:s24] =	ssyncset.done $0x0  }
.Ltmp3:
0x5d: {  	[sflag:s24] =	ssyncadd.s32 $0xFFFFC000;
	(pc) =	sbr.rel @!p1 .LBB2_5-.Ltmp3, $4  }
0x5e: {  	[spmem:s3] =	stream.indirect.scatter.add.f32 [tilespmem:s19], [sflag:$0x4], $0x80, s21, s22, $0xb8;
	[tilespmem:$0x1BE00] =	vst v63  }
0x5f: {  	_ =	swait.ge [sflag:s26], $0x4000  }
0x60: {  	[sflag:s26] =	ssyncset.done $0x0  }
0x61: {  	[sflag:s26] =	ssyncadd.s32 $0xFFFFC000  }
0x62: {  	s0 =	sadd.s32 $0xFFFFFF80, s31  }
0x63: {  	s2 =	sand.u32 $0x7C00, s0  }
0x64: {  	s0 =	sand.u32 $0x300, s0;
	s2 =	sadd.s32 s6, s2  }
0x65: {  	s0 =	sor.u32 s0, s2  }
0x66: {  	s0 =	sshrl.u32 s0, $0x3  }
0x67: {  	s2 =	sadd.s32 s5, s0  }
0x68: {  	[tilespmem:s4], [sflag:$0x4] =	stream.linear.gather [hbm4b:s2+s4], $0x80, $0x38;
	[tilespmem:$0x1BE00] =	vst v63  }
0x69: {  	_ =	swait.ge [sflag:s26], $0x80  }
0x6a: {  	[sflag:s26] =	ssyncset.done $0x0  }
0x6b: {  	s0 =	sadd.s32 s7, s0;
	[sflag:s26] =	ssyncadd.s32 $0xFFFFFF80  }
0x6c: {  	[tilespmem:s21], [sflag:$0x4] =	stream.linear.gather [hbm4b:s0+s4], $0x80, $0x38;
	[tilespmem:$0x1BE00] =	vst v63  }
0x6d: {  	_ =	swait.ge [sflag:s26], $0x80  }
0x6e: {  	[sflag:s26] =	ssyncset.done $0x0  }
0x6f: {  	[sflag:s26] =	ssyncadd.s32 $0xFFFFFF80  }
0x70: {  	[tilespmem:s19], [sflag:$0x1] =	stream.indirect.gather [hbm4b:s1+s22], $0x80, s4, s22, $0xb8;
	[tilespmem:$0x1BE00] =	vst v63  }
0x71: {  	_ =	swait.ge [sflag:s28], $0x4000  }
0x72: {  	s2 =	sand.u32 $0x7C00, s31;
	[sflag:s28] =	ssyncset.done $0x0  }
0x73: {  	s0 =	sadd.s32 s6, s2;
	s2 =	sand.u32 $0x380, s31;
	[sflag:s28] =	ssyncadd.s32 $0xFFFFC000  }
0x74: {  	[spmem:s3] =	stream.indirect.scatter.add.f32 [tilespmem:s23], [sflag:$0x4], $0x80, s29, s22, $0xb8;
	[tilespmem:$0x1BE00] =	vst v63  }
0x75: {  	s0 =	sor.u32 s2, s0;
	_ =	swait.ge [sflag:s26], $0x4000  }
0x76: {  	s0 =	sshrl.u32 s0, $0x3;
	[sflag:s26] =	ssyncset.done $0x0  }
0x77: {  	s2 =	sadd.s32 s5, s0;
	[sflag:s26] =	ssyncadd.s32 $0xFFFFC000  }
0x78: {  	[tilespmem:s22], [sflag:$0x4] =	stream.linear.gather [hbm4b:s2+s4], $0x80, $0x38;
	[tilespmem:$0x1BE00] =	vst v63  }
0x79: {  	_ =	swait.ge [sflag:s26], $0x80  }
0x7a: {  	s31 =	sadd.s32 $0x100, s31;
	[sflag:s26] =	ssyncset.done $0x0  }
0x7b: {  	p1 =	sne.s32 s31, $0x2980;
	s0 =	sadd.s32 s7, s0;
	[sflag:s26] =	ssyncadd.s32 $0xFFFFFF80  }
0x7c: {  	[tilespmem:s29], [sflag:$0x3] =	stream.linear.gather [hbm4b:s0+s4], $0x80, $0x38;
	[tilespmem:$0x1BE00] =	vst v63  }
.Ltmp4:
0x7d: {  	_ = 	snop;
	(pc) =	sbr.rel @p1 .LBB2_4-.Ltmp4, $4  }
.Ltmp5:
0x7e: {  	_ = 	snop;
	(pc) =	sbr.rel @!p1 .LBB2_7-.Ltmp5, $4  }
0x7f: {  	_ =	swait.ge [sflag:s20], $0x80  }
0x80: {  	[sflag:s20] =	ssyncset.done $0x0  }
0x81: {  	[sflag:s20] =	ssyncadd.s32 $0xFFFFFF80  }
0x82: {  	_ = 	snop  }
.LBB2_8:
0x83: {  	_ =	sfence.sel $0x180000  }
0x84: {  	[bflag:$0x0] =	sbarrier.arrive $0xFFFF  }
0x85: {  	_ =	strace $0x9000004A  }
0x86: {  	s0 =	stileid.u32;
	[bflag:$0x2] =	sbarrier.arrive $0xFFFF  }
0x87: {  	p0 =	sne.s32 s0, $0x0;
	s0 =	rddreg [dreg:$0x3]  }
0x88: {  	s0 =	sadd.s32 @!p0 $0x100000, s0  }
0x89: {  	[sflag:s0] =	ssyncadd.tile.s32 @!p0 $0x1;
	_ =	shalt  }
.Lfunc_end2:
_tile_overlayer_lowered:
.L_overlay_start_2:
0x8a: {  	(tag) =	ssettag $0x2  }
0x8b: {  	s0 =	rddreg [dreg:$0x0];
	s2 =	stileid.u32  }
0x8c: {  	s1 =	rddreg [dreg:$0x1];
	p0 =	sne.s32 s2, $0x0  }
0x8d: {  	s3 =	rddreg [dreg:$0x2];
	[bflag:$0x3] =	sbarrier.arrive $0xFFFF;
	s2 =	simm.s32 @!p0 $0x1C03  }
0x8e: {  	[timem:s3], [sflag:s2] =	dma.local @!p0 [hbm:s0], s1  }
0x8f: {  	s0 =	simm.s32 @!p0 $0x3  }
0x90: {  	_ =	swait.ge @!p0 [sflag:s0], s1  }
0x91: {  	s1 =	ssub.s32 @!p0 $0x0, s1;
	[sflag:s0] =	ssyncset.done @!p0 $0x0  }
0x92: {  	[sflag:s0] =	ssyncadd.s32 @!p0 s1  }
0x93: {  	[bflag:$0x3] =	sbarrier.arrive $0xFFFF  }
0x94: {  	_ =	shalt  }

// kernel: kernel.13.cloned.1.call-start
scs
__scs_entry_jumppad:
0x0: {  	(pc) =	sbr.rel $0x88, $3  }
0x1: {  	(tag) =	ssettag $0x0;
	lr =	simm.s32 $0x1  }
0x2: {  	[smem:$0x3F91] =	sst lr;
	_ =	strace $0xD0000000  }
0x3: {  	_ = 	snop  }
0x4: {  	_ = 	snop  }
0x5: {  	_ = 	snop  }
0x6: {  	_ = 	snop  }
0x7: {  	_ = 	snop  }
__scs_overlays_trampoline_lowered:
0x8: {  	[smem:$0x3FA0] =	sst s0  }
0x9: {  	[smem:$0x3FA1] =	sst s1  }
0xa: {  	[smem:$0x3FA2] =	sst s2  }
0xb: {  	[smem:$0x3FA3] =	sst s3  }
0xc: {  	[smem:$0x3FA4] =	sst s4  }
0xd: {  	[smem:$0x3FA5] =	sst s5  }
0xe: {  	[smem:$0x3FA6] =	sst s6  }
0xf: {  	[smem:$0x3FA7] =	sst s7  }
0x10: {  	[smem:$0x3FA8] =	sst s8  }
0x11: {  	[smem:$0x3FA9] =	sst s9;
	s0 =	simm.s32 @!p0 $0x0  }
0x12: {  	s1 =	sld [smem:$0x3F8F];
	s0 =	simm.s32 @p0 $0x1  }
0x13: {  	[smem:$0x3FAA] =	sst s0;
	s0 =	simm.s32 @!p1 $0x0  }
0x14: {  	s2 =	sld [smem:$0x3F8E];
	s0 =	simm.s32 @p1 $0x1  }
0x15: {  	[smem:$0x3FAB] =	sst s0;
	s0 =	simm.s32 @!p2 $0x0  }
0x16: {  	s3 =	sld [smem:$0x3FDB];
	s0 =	simm.s32 @p2 $0x1  }
0x17: {  	s4 =	simm.s32 $0x1BF5;
	[smem:$0x3FAD] =	sst s0  }
0x18: {  	s0 =	sld [smem:$0x3F90];
	_ =	swait.ge [sflag:s4], $0x0  }
0x19: {  	s7 =	sld [smem:$0x3F91]  }
0x1a: {  	s8 =	sadd.s32 $0xFFFFE003, lr  }
0x1b: {  	s9 =	sadd.s32 $0xFFFFFEF7, lr;
	s5 =	simm.s32 $0xFFFFFFFF;
	p2 =	slt.u32 s8, $0xFFFFF086  }
0x1c: {  	p1 =	slt.u32 s9, $0xF7A;
	s5 =	simm.s32 @!p2 $0x0  }
0x1d: {  	s5 =	simm.s32 @p1 $0x1;
	p0 =	seq.s32 s7, s2  }
0x1e: {  	s7 =	smul.u32 @!p0 $0xF7A, s2;
	p2 =	seq.s32 @!p0 s5, $0x0  }
0x1f: {  	s9 =	smul.u32 $0xF7A, s1;
	s8 =	simm.s32 @!p0 $0x1BF5;
	p2 =	por !p2, p0  }
0x20: {  	[sflag:s8] =	ssyncset.s32 @!p0 $0xFFFFF086;
	s6 =	sadd.s32 @!p0 s3, s7;
	s7 =	simm.s32 @!p0 $0x108  }
0x21: {  	s3 =	sadd.s32 s3, s9;
	s6 =	sadd.s32 @!p0 $0x88, s6;
	s7 =	simm.s32 @p2 $0x1082  }
0x22: {  	[simem:s7], [sflag:s8] =	dma.local @!p0 [hbm:s6], $0xF7A  }
0x23: {  	s9 =	sor.u32 $0xD0000000, s2;
	s6 =	simm.s32 $0x108;
	_ =	swait.ge @!p0 [sflag:s8], $0x0  }
0x24: {  	s3 =	sadd.s32 $0x88, s3;
	s6 =	simm.s32 @!p1 $0x1082;
	[sflag:s4] =	ssyncset.s32 $0xFFFFF086  }
0x25: {  	[simem:s6], [sflag:s4] =	dma.local [hbm:s3], $0xF7A  }
0x26: {  	[smem:$0x3F91] =	sst s1;
	(tag) =	ssettag s2;
	_ =	strace s9  }
0x27: {  	s1 =	sld [smem:$0x3FA1]  }
0x28: {  	s2 =	sld [smem:$0x3FA2]  }
0x29: {  	s4 =	sld [smem:$0x3FA4]  }
0x2a: {  	p0 =	seq.s32 s5, $0x0;
	s5 =	sld [smem:$0x3FA5]  }
0x2b: {  	s6 =	sld [smem:$0x3FA6]  }
0x2c: {  	s7 =	sld [smem:$0x3FA7]  }
0x2d: {  	s3 =	simm.s32 $0x108;
	s8 =	sld [smem:$0x3FA8]  }
0x2e: {  	s3 =	simm.s32 @!p0 $0x1082;
	s9 =	sld [smem:$0x3FA9]  }
0x2f: {  	lr =	sadd.s32 s0, s3;
	s0 =	sld [smem:$0x3FA0]  }
0x30: {  	s3 =	sld [smem:$0x3FA3]  }
0x31: {  	[smem:$0x3FAC] =	sst s10  }
0x32: {  	s10 =	sld [smem:$0x3FAA];
	_ =	sdelay $0x3  }
0x33: {  	p0 =	seq.s32 s10, $0x1;
	s10 =	sld [smem:$0x3FAC];
	_ =	sdelay $0x3  }
0x34: {  	[smem:$0x3FAC] =	sst s10  }
0x35: {  	s10 =	sld [smem:$0x3FAB];
	_ =	sdelay $0x3  }
0x36: {  	p1 =	seq.s32 s10, $0x1;
	s10 =	sld [smem:$0x3FAC];
	_ =	sdelay $0x3  }
0x37: {  	[smem:$0x3FAC] =	sst s10  }
0x38: {  	s10 =	sld [smem:$0x3FAD]  }
0x39: {  	_ = 	snop;
	(pc) =	sbr.ind lr, $3  }
0x3a: {  	_ = 	snop  }
0x3b: {  	_ = 	snop  }
0x3c: {  	p2 =	seq.s32 s10, $0x1;
	s10 =	sld [smem:$0x3FAC]  }
0x3d: {  	_ =	shalt  }
0x3e: {  	_ =	shalt  }
0x3f: {  	_ =	shalt  }
0x40: {  	_ =	shalt  }
0x41: {  	_ =	shalt  }
0x42: {  	_ =	shalt  }
0x43: {  	_ =	shalt  }
0x44: {  	_ =	shalt  }
0x45: {  	_ =	shalt  }
0x46: {  	_ =	shalt  }
0x47: {  	_ =	shalt  }
0x48: {  	_ =	shalt  }
0x49: {  	_ =	shalt  }
0x4a: {  	_ =	shalt  }
0x4b: {  	_ =	shalt  }
0x4c: {  	_ =	shalt  }
0x4d: {  	_ =	shalt  }
0x4e: {  	_ =	shalt  }
0x4f: {  	_ =	shalt  }
0x50: {  	_ =	shalt  }
0x51: {  	_ =	shalt  }
0x52: {  	_ =	shalt  }
0x53: {  	_ =	shalt  }
0x54: {  	_ =	shalt  }
0x55: {  	_ =	shalt  }
0x56: {  	_ =	shalt  }
0x57: {  	_ =	shalt  }
0x58: {  	_ =	shalt  }
0x59: {  	_ =	shalt  }
0x5a: {  	_ =	shalt  }
0x5b: {  	_ =	shalt  }
0x5c: {  	_ =	shalt  }
0x5d: {  	_ =	shalt  }
0x5e: {  	_ =	shalt  }
0x5f: {  	_ =	shalt  }
0x60: {  	_ =	shalt  }
0x61: {  	_ =	shalt  }
0x62: {  	_ =	shalt  }
0x63: {  	_ =	shalt  }
0x64: {  	_ =	shalt  }
0x65: {  	_ =	shalt  }
0x66: {  	_ =	shalt  }
0x67: {  	_ =	shalt  }
0x68: {  	_ =	shalt  }
0x69: {  	_ =	shalt  }
0x6a: {  	_ =	shalt  }
0x6b: {  	_ =	shalt  }
0x6c: {  	_ =	shalt  }
0x6d: {  	_ =	shalt  }
0x6e: {  	_ =	shalt  }
0x6f: {  	_ =	shalt  }
0x70: {  	_ =	shalt  }
0x71: {  	_ =	shalt  }
0x72: {  	_ =	shalt  }
0x73: {  	_ =	shalt  }
0x74: {  	_ =	shalt  }
0x75: {  	_ =	shalt  }
0x76: {  	_ =	shalt  }
0x77: {  	_ =	shalt  }
0x78: {  	_ =	shalt  }
0x79: {  	_ =	shalt  }
0x7a: {  	_ =	shalt  }
0x7b: {  	_ =	shalt  }
0x7c: {  	_ =	shalt  }
0x7d: {  	_ =	shalt  }
0x7e: {  	_ =	shalt  }
0x7f: {  	_ =	shalt  }
0x80: {  	_ =	shalt  }
0x81: {  	_ =	shalt  }
0x82: {  	_ =	shalt  }
0x83: {  	_ =	shalt  }
0x84: {  	_ =	shalt  }
0x85: {  	_ =	shalt  }
0x86: {  	_ =	shalt  }
0x87: {  	_ =	shalt  }
.Lfunc_end0:
.L_simem_size_0:
called_computation.2_lowered:
.L_overlay_start_0:
0x88: {  	s2 =	sld [smem:$0x3FD9]  }
0x89: {  	s3 =	sld [smem:$0x3FFE];
	_ =	sdelay $0x1  }
0x8a: {  	s1 =	srdreg.scid  }
0x8b: {  	s0 =	sand.u32 $0x1, s1  }
0x8c: {  	s16 =	sshll.u32 s0, $0xA;
	s2 =	sadd.s32 s3, s2  }
0x8d: {  	s2 =	sadd.s32 s2, s16  }
0x8e: {  	[smem:$0x3FB8] =	sst s2  }
0x8f: {  	_ = 	snop  }
0x90: {  	(tm) =	ssettm $0x1  }
0x91: {  	s17 =	sld [smem:$0x3FFB];
	_ =	sdelay $0x3  }
0x92: {  	_ =	strace s17  }
0x93: {  	s2 =	sld [smem:$0x3FFC];
	_ =	sdelay $0x3  }
0x94: {  	_ =	strace s2  }
0x95: {  	s2 =	sld [smem:$0x3FFD];
	_ =	sdelay $0x3  }
0x96: {  	_ =	strace s2  }
0x97: {  	_ =	strace $0x8FFFFFFF  }
0x98: {  	s18 =	sld [smem:$0x3FDB];
	_ =	sdelay $0x1  }
0x99: {  	s19 =	simm.s32 $_scs_section_size  }
0x9a: {  	s4 =	simm.s32 $_size__tile_overlayer_lowered;
	s5 =	simm.s32 $_tile_overlayer_lowered  }
0x9b: {  	s22 =	simm.s32 $0x1BFF;
	s21 =	sshll.u32 s5, $0x1;
	s2 =	sadd.s32 s19, s18  }
0x9c: {  	s6 =	simm.s32 $0x0;
	s20 =	sshll.u32 s4, $0x1;
	s4 =	sadd.s32 s21, s2  }
0x9d: {  	[timem:s6], [sflag:s22] =	dma.local [hbm:s4], s20  }
0x9e: {  	_ =	swait.ge [sflag:s22], s20  }
0x9f: {  	s3 =	ssub.s32 $0x0, s20;
	[sflag:s22] =	ssyncset.done $0x0  }
0xa0: {  	[sflag:s22] =	ssyncadd.s32 s3;
	_ =	sdelay $0x1  }
0xa1: {  	s23 =	simm.s32 $0x1B8B  }
0xa2: {  	_ =	swait.ge [sflag:s23], $0x1  }
0xa3: {  	[sflag:s23] =	ssyncset.done $0x0  }
0xa4: {  	s25 =	simm.s32 $0x1B8E;
	s24 =	sld [smem:$0x3FFE];
	[sflag:s23] =	ssyncadd.s32 $0xFFFFFFFF  }
0xa5: {  	s26 =	simm.s32 $execute0_lowered;
	[smem:$0x3FD2] =	sst s25  }
0xa6: {  	s4 =	sshll.u32 s26, $0x1;
	_ =	strace $0x8000004C;
	[dreg:$0x1] =	wrdreg $0xFFFFFFFF  }
0xa7: {  	s28 =	simm.s32 $_size_execute0_lowered;
	s2 =	sadd.s32 s2, s4;
	[dreg:$0x0] =	wrdreg $0x0  }
0xa8: {  	s4 =	sshll.u32 s28, $0x1;
	[dreg:$0x2] =	wrdreg s2  }
0xa9: {  	[dreg:$0x3] =	wrdreg s4  }
0xaa: {  	[dreg:$0x4] =	wrdreg $0xC0  }
0xab: {  	_ =	task [dreg:s6], $0x5FFFF  }
0xac: {  	[dreg:$0x1] =	wrdreg $0xFFFFFFFF  }
0xad: {  	[dreg:$0x0] =	wrdreg $0x60  }
0xae: {  	[dreg:$0x2] =	wrdreg s24  }
0xaf: {  	[dreg:$0x3] =	wrdreg $0xA8000  }
0xb0: {  	[dreg:$0x4] =	wrdreg $0x9  }
0xb1: {  	_ =	task.clear_ibuf [dreg:s6], $0x5FFFF;
	_ =	strace $0x9000004C  }
0xb2: {  	s29 =	simm.s32 $0x9;
	_ =	strace $0x8000004E  }
0xb3: {  	_ =	swait.ge [sflag:s29], $0x1  }
0xb4: {  	[sflag:s29] =	ssyncadd.s32 $0xFFFFFFFF  }
0xb5: {  	_ =	strace $0x9000004E  }
0xb6: {  	_ =	sfence  }
0xb7: {  	s30 =	sld [smem:$0x0];
	_ =	sdelay $0x2  }
0xb8: {  	s31 =	sshll.u32 s1, $0xD;
	s1 =	sshrl.u32 s1, $0x2  }
0xb9: {  	s3 =	sand.u32 $0x4000, s31;
	s1 =	sadd.s32 s1, s30  }
0xba: {  	s0 =	sor.u32 s3, s0;
	s1 =	sshll.u32 s1, $0x11  }
0xbb: {  	s0 =	sor.u32 s1, s0  }
0xbc: {  	s0 =	sadd.s32 $0x8F2B, s0  }
0xbd: {  	[sflag:s0] =	ssyncadd.remote.s32 $0x1  }
0xbe: {  	_ =	sfence.sel $0xFFFF  }
0xbf: {  	[dreg:$0x0] =	wrdreg $0xFFFFFFFF;
	(pc) =	sbr.abs _section_cstart, $3  }
0xc0: {  	[dreg:$0x1] =	wrdreg $0xFFFFFFFF  }
0xc1: {  	_ =	task.clear_ibuf [dreg:s6], $0x2FFFF;
	_ =	strace $0x9FFFFFFF  }
0xc2: {  	(tm) =	ssettm $0x7FFFFFFF  }
0xc3: {  	_ =	shalt  }
tec
execute0_lowered:
.L_overlay_start_1:
0x0: {  	(tag) =	ssettag $0x1  }
0x1: {  	s4 =	rddreg [dreg:$0x0]  }
0x2: {  	s1 =	rddreg [dreg:$0x1];
	s2 =	srdreg.scid  }
0x3: {  	s3 =	simm.s32 $0x0;
	s17 =	simm.s32 $0x2800;
	s18 =	simm.s32 $0x6800  }
0x4: {  	s19 =	simm.s32 $0x1;
	s20 =	simm.s32 $0x80;
	s7 =	sand.u32 $0x1, s2  }
0x5: {  	s21 =	simm.s32 $0x2;
	s2 =	stileid.u32;
	s5 =	smul.u32 $0x13C000, s7  }
0x6: {  	s22 =	simm.s32 $0x2700;
	s23 =	simm.s32 $0x2780;
	s8 =	smul.u32 $0x13C00, s2  }
0x7: {  	[smem:$0x7FF] =	sst s3;
	s15 =	sadd.s32 $0x504E00, s4;
	s11 =	smul.u32 $0x4F000, s2  }
0x8: {  	s6 =	sshll.u32 s2, $0x1;
	_ =	strace $0x8000004D;
	s12 =	smul.u32 $0x280000, s2  }
0x9: {  	s25 =	ssub.s32 $0x2, s7;
	s30 =	smul.u32 $0x140000, s7;
	s6 =	sor.u32 s7, s6  }
0xa: {  	s31 =	sshll.u32 s2, $0xE;
	p0 =	seq.s32 s2, $0xF;
	s9 =	smul.u32 $0x500, s6  }
0xb: {  	s26 =	sshrl.u32 s25, $0x1;
	s5 =	sadd.s32 s8, s5;
	s6 =	smul.u32 $0x140000, s6  }
0xc: {  	s8 =	ssub.s32 s25, s26;
	s29 =	sshrl.u32 s11, $0x2;
	s13 =	sadd.s32 s30, s12  }
0xd: {  	s25 =	simm.s32 $0x0;
	s5 =	sshrl.u32 s5, $0x3;
	s24 =	sadd.s32 s29, s1  }
0xe: {  	s7 =	smax.u32 s8, $0x1;
	s14 =	sor.u32 $0x8000, s13;
	s16 =	sor.u32 $0x4000, s13  }
0xf: {  	s9 =	sadd.s32 s9, s4;
	s10 =	sadd.s32 s5, s4;
	s28 =	sshrl.u32 s6, $0x3  }
0x10: {  	s14 =	sshrl.u32 s14, $0x3;
	s16 =	sshrl.u32 s16, $0x3;
	s24 =	sshrl.u32 s24, $0x3  }
0x11: {  	s4 =	sadd.s32 $0xA04E00, s9;
	s5 =	sadd.s32 s15, s28;
	s6 =	sadd.s32 $0x4A00, s10  }
0x12: {  	s9 =	sadd.s32 s31, s1;
	s14 =	sadd.s32 s14, s15;
	s15 =	sadd.s32 s16, s15  }
0x13: {  	s16 =	simm.s32 $0x3;
	s8 =	sadd.s32 $0x27800, s5;
	s10 =	sadd.s32 $0x40000, s9  }
0x14: {  	v0 =	vimm.f32 $0.0e+00;
	s11 =	sadd.s32 $0x80000, s9;
	s12 =	sadd.s32 $0xC0000, s9;
	s13 =	sadd.s32 $0x100000, s9  }
.LBB2_1:
0x15: {  	s26 =	simm.s32 $0x0;
	s28 =	simm.s32 $0x200  }
.LBB2_2:
0x16: {  	p1 =	sne.s32 s28, $0xFE00;
	[tilespmem:s26+$0x2870] =	vst v0  }
0x17: {  	[tilespmem:s26+$0x2800] =	vst v0  }
0x18: {  	[tilespmem:s26+$0x2810] =	vst v0  }
.Ltmp0:
0x19: {  	[tilespmem:s26+$0x2820] =	vst v0;
	(pc) =	sbr.rel @p1 .LBB2_2-.Ltmp0, $4  }
0x1a: {  	[tilespmem:s26+$0x2830] =	vst v0  }
0x1b: {  	[tilespmem:s26+$0x2840] =	vst v0  }
0x1c: {  	[tilespmem:s26+$0x2850] =	vst v0  }
0x1d: {  	[tilespmem:s26+$0x2860] =	vst v0;
	s26 =	sshra.s32 s28, $0x2;
	s28 =	sadd.s32 $0x200, s28  }
0x1e: {  	[tilespmem:s26+$0x2870] =	vst v0  }
0x1f: {  	[tilespmem:s26+$0x2800] =	vst v0  }
0x20: {  	[tilespmem:s26+$0x2810] =	vst v0  }
0x21: {  	[tilespmem:s26+$0x2820] =	vst v0  }
0x22: {  	[tilespmem:s26+$0x2830] =	vst v0  }
0x23: {  	[tilespmem:s26+$0x2840] =	vst v0  }
0x24: {  	[tilespmem:s26+$0x2850] =	vst v0  }
0x25: {  	[tilespmem:s26+$0x2860] =	vst v0  }
0x26: {  	[tilespmem:s3], [sflag:$0x3] =	stream.linear.gather [hbm4b:s4+s3], $0x2800, $0x38;
	[tilespmem:$0x1E400] =	vst v63  }
0x27: {  	_ =	swait.ge [sflag:s16], $0x2800  }
0x28: {  	[sflag:s16] =	ssyncset.done $0x0  }
0x29: {  	[sflag:s16] =	ssyncadd.s32 $0xFFFFD800  }
0x2a: {  	[spmem:s9] =	stream.linear.scatter [tilespmem:s17], [sflag:$0x3], $0x4000, $0x38;
	[tilespmem:$0x1E400] =	vst v63  }
0x2b: {  	_ =	swait.ge [sflag:s16], $0x4000  }
0x2c: {  	[sflag:s16] =	ssyncset.done $0x0  }
0x2d: {  	[sflag:s16] =	ssyncadd.s32 $0xFFFFC000  }
0x2e: {  	[spmem:s10] =	stream.linear.scatter [tilespmem:s17], [sflag:$0x3], $0x4000, $0x38;
	[tilespmem:$0x1E400] =	vst v63  }
0x2f: {  	_ =	swait.ge [sflag:s16], $0x4000  }
0x30: {  	[sflag:s16] =	ssyncset.done $0x0  }
0x31: {  	[sflag:s16] =	ssyncadd.s32 $0xFFFFC000  }
0x32: {  	[spmem:s11] =	stream.linear.scatter [tilespmem:s17], [sflag:$0x3], $0x4000, $0x38;
	[tilespmem:$0x1E400] =	vst v63  }
0x33: {  	_ =	swait.ge [sflag:s16], $0x4000  }
0x34: {  	[sflag:s16] =	ssyncset.done $0x0  }
0x35: {  	[sflag:s16] =	ssyncadd.s32 $0xFFFFC000  }
0x36: {  	[spmem:s12] =	stream.linear.scatter [tilespmem:s17], [sflag:$0x3], $0x4000, $0x38;
	[tilespmem:$0x1E400] =	vst v63  }
0x37: {  	_ =	swait.ge [sflag:s16], $0x4000  }
0x38: {  	[sflag:s16] =	ssyncset.done $0x0  }
0x39: {  	s26 =	simm.s32 @!p0 $0x2800;
	[sflag:s16] =	ssyncadd.s32 $0xFFFFC000  }
0x3a: {  	[spmem:s13] =	stream.linear.scatter @!p0 [tilespmem:s26], [sflag:$0x3], $0x4000, $0x38;
	[tilespmem:$0x1E400] =	vst v63  }
0x3b: {  	s26 =	simm.s32 @!p0 $0x3  }
0x3c: {  	_ =	swait.ge @!p0 [sflag:s26], $0x4000  }
0x3d: {  	[sflag:s26] =	ssyncset.done @!p0 $0x0  }
0x3e: {  	[sflag:s26] =	ssyncadd.s32 @!p0 $0xFFFFC000  }
0x3f: {  	s0 =	simm.s32 $0x0;
	[bflag:$0x0] =	sbarrier.arrive $0xFFFF  }
0x40: {  	[tilespmem:s17], [sflag:$0x1] =	stream.linear.gather [hbm4b:s5+s0], $0x4000, $0x38;
	[tilespmem:$0x1E400] =	vst v63  }
0x41: {  	s28 =	sadd.s32 $0x0, s15  }
0x42: {  	[tilespmem:s18], [sflag:$0x2] =	stream.linear.gather [hbm4b:s28+s3], $0x4000, $0x38;
	[tilespmem:$0x1E400] =	vst v63  }
0x43: {  	_ =	swait.ge [sflag:s19], $0x4000  }
0x44: {  	[sflag:s19] =	ssyncset.done $0x0  }
0x45: {  	[sflag:s19] =	ssyncadd.s32 $0xFFFFC000  }
0x46: {  	[spmem:s1] =	stream.indirect.scatter.add.f32 [tilespmem:s17], [sflag:$0x3], $0x80, s0, s20, $0xb8;
	[tilespmem:$0x1E400] =	vst v63  }
0x47: {  	_ =	swait.ge [sflag:s16], $0x4000  }
0x48: {  	[sflag:s16] =	ssyncset.done $0x0  }
0x49: {  	s30 =	sadd.s32 $0x0, s14;
	[sflag:s16] =	ssyncadd.s32 $0xFFFFC000  }
0x4a: {  	[tilespmem:s17], [sflag:$0x1] =	stream.linear.gather [hbm4b:s30+s3], $0x4000, $0x38;
	[tilespmem:$0x1E400] =	vst v63  }
0x4b: {  	_ =	swait.ge [sflag:s21], $0x4000  }
0x4c: {  	[sflag:s21] =	ssyncset.done $0x0  }
0x4d: {  	s31 =	simm.s32 $0x80;
	[sflag:s21] =	ssyncadd.s32 $0xFFFFC000  }
0x4e: {  	[spmem:s1] =	stream.indirect.scatter.add.f32 [tilespmem:s18], [sflag:$0x3], $0x80, s31, s20, $0xb8;
	[tilespmem:$0x1E400] =	vst v63  }
0x4f: {  	s29 =	simm.s32 $0x2000;
	_ =	swait.ge [sflag:s16], $0x4000  }
0x50: {  	s26 =	simm.s32 $0x100;
	s28 =	simm.s32 $0x1000;
	[sflag:s16] =	ssyncset.done $0x0  }
.LBB2_4:
0x51: {  	s30 =	sadd.s32 s28, s15  }
0x52: {  	[sflag:s16] =	ssyncadd.s32 $0xFFFFC000;
	s31 =	smov.u32 s29;
	s0 =	sadd.s32 $0x1000, s29  }
0x53: {  	[tilespmem:s18], [sflag:$0x2] =	stream.linear.gather [hbm4b:s30+s3], $0x4000, $0x38;
	[tilespmem:$0x1E400] =	vst v63  }
0x54: {  	p1 =	sne.s32 s29, $0x26000;
	_ =	swait.ge [sflag:s19], $0x4000  }
0x55: {  	[sflag:s19] =	ssyncset.done $0x0  }
0x56: {  	[sflag:s19] =	ssyncadd.s32 $0xFFFFC000  }
0x57: {  	[spmem:s1] =	stream.indirect.scatter.add.f32 [tilespmem:s17], [sflag:$0x3], $0x80, s26, s20, $0xb8;
	[tilespmem:$0x1E400] =	vst v63  }
0x58: {  	_ =	swait.ge [sflag:s16], $0x4000  }
0x59: {  	[sflag:s16] =	ssyncset.done $0x0  }
0x5a: {  	s29 =	sadd.s32 s28, s14;
	s28 =	smov.u32 s31;
	[sflag:s16] =	ssyncadd.s32 $0xFFFFC000  }
0x5b: {  	[tilespmem:s17], [sflag:$0x1] =	stream.linear.gather [hbm4b:s29+s3], $0x4000, $0x38;
	[tilespmem:$0x1E400] =	vst v63  }
0x5c: {  	_ =	swait.ge [sflag:s21], $0x4000  }
.Ltmp1:
0x5d: {  	[sflag:s21] =	ssyncset.done $0x0;
	(pc) =	sbr.rel @p1 .LBB2_4-.Ltmp1, $4  }
0x5e: {  	s29 =	sadd.s32 $0x80, s26;
	[sflag:s21] =	ssyncadd.s32 $0xFFFFC000  }
0x5f: {  	[spmem:s1] =	stream.indirect.scatter.add.f32 [tilespmem:s18], [sflag:$0x3], $0x80, s29, s20, $0xb8;
	[tilespmem:$0x1E400] =	vst v63  }
0x60: {  	_ =	swait.ge [sflag:s16], $0x4000  }
0x61: {  	s26 =	sadd.s32 $0x100, s26;
	s29 =	smov.u32 s0;
	[sflag:s16] =	ssyncset.done $0x0  }
0x62: {  	s0 =	sadd.s32 s28, s15;
	[sflag:s16] =	ssyncadd.s32 $0xFFFFC000  }
0x63: {  	[tilespmem:s18], [sflag:$0x2] =	stream.linear.gather [hbm4b:s0+s3], $0x4000, $0x38;
	[tilespmem:$0x1E400] =	vst v63  }
0x64: {  	_ =	swait.ge [sflag:s19], $0x4000  }
0x65: {  	[sflag:s19] =	ssyncset.done $0x0  }
0x66: {  	[sflag:s19] =	ssyncadd.s32 $0xFFFFC000  }
0x67: {  	[spmem:s1] =	stream.indirect.scatter.add.f32 [tilespmem:s17], [sflag:$0x3], $0x80, s26, s20, $0xb8;
	[tilespmem:$0x1E400] =	vst v63  }
0x68: {  	_ =	swait.ge [sflag:s16], $0x4000  }
0x69: {  	[sflag:s16] =	ssyncset.done $0x0  }
0x6a: {  	s29 =	sadd.s32 s28, s14;
	[sflag:s16] =	ssyncadd.s32 $0xFFFFC000  }
0x6b: {  	[tilespmem:s17], [sflag:$0x1] =	stream.linear.gather [hbm4b:s29+s3], $0x4000, $0x38;
	[tilespmem:$0x1E400] =	vst v63  }
0x6c: {  	_ =	swait.ge [sflag:s21], $0x4000  }
0x6d: {  	[sflag:s21] =	ssyncset.done $0x0  }
0x6e: {  	s30 =	sadd.s32 $0x80, s26;
	[sflag:s21] =	ssyncadd.s32 $0xFFFFC000  }
0x6f: {  	[spmem:s1] =	stream.indirect.scatter.add.f32 [tilespmem:s18], [sflag:$0x3], $0x80, s30, s20, $0xb8;
	[tilespmem:$0x1E400] =	vst v63  }
0x70: {  	_ =	swait.ge [sflag:s16], $0x4000  }
0x71: {  	[sflag:s16] =	ssyncset.done $0x0  }
0x72: {  	[sflag:s16] =	ssyncadd.s32 $0xFFFFC000  }
0x73: {  	[tilespmem:s18], [sflag:$0x2] =	stream.linear.gather [hbm4b:s8+s3], $0x4000, $0x38;
	[tilespmem:$0x1E400] =	vst v63  }
0x74: {  	_ =	swait.ge [sflag:s19], $0x4000  }
0x75: {  	[sflag:s19] =	ssyncset.done $0x0  }
0x76: {  	[sflag:s19] =	ssyncadd.s32 $0xFFFFC000  }
0x77: {  	[spmem:s1] =	stream.indirect.scatter.add.f32 [tilespmem:s17], [sflag:$0x3], $0x80, s22, s20, $0xb8;
	[tilespmem:$0x1E400] =	vst v63  }
0x78: {  	_ =	swait.ge [sflag:s16], $0x4000  }
0x79: {  	[sflag:s16] =	ssyncset.done $0x0  }
0x7a: {  	[sflag:s16] =	ssyncadd.s32 $0xFFFFC000  }
0x7b: {  	_ =	swait.ge [sflag:s21], $0x4000  }
0x7c: {  	[sflag:s21] =	ssyncset.done $0x0  }
0x7d: {  	[sflag:s21] =	ssyncadd.s32 $0xFFFFC000  }
0x7e: {  	[spmem:s1] =	stream.indirect.scatter.add.f32 [tilespmem:s18], [sflag:$0x3], $0x80, s23, s20, $0xb8;
	[tilespmem:$0x1E400] =	vst v63  }
0x7f: {  	_ =	swait.ge [sflag:s16], $0x4000  }
0x80: {  	s25 =	sadd.s32 $0x1, s25;
	[sflag:s16] =	ssyncset.done $0x0  }
0x81: {  	s31 =	sshll.u32 s2, $0x6;
	p1 =	sne.s32 s25, s7;
	[sflag:s16] =	ssyncadd.s32 $0xFFFFC000  }
.Ltmp2:
0x82: {  	s0 =	sor.u32 $0x1C03, s31;
	[bflag:$0x0] =	sbarrier.arrive $0xFFFF;
	(pc) =	sbr.rel @p1 .LBB2_1-.Ltmp2, $4  }
0x83: {  	[hbm:s6], [sflag:s0] =	dma.local [spmem:s24], $0x2780  }
0x84: {  	_ =	swait.ge [sflag:s16], $0x2780  }
0x85: {  	[sflag:s16] =	ssyncset.done $0x0  }
0x86: {  	[sflag:s16] =	ssyncadd.s32 $0xFFFFD880  }
0x87: {  	_ =	sfence.sel $0x180000  }
0x88: {  	[bflag:$0x0] =	sbarrier.arrive $0xFFFF  }
0x89: {  	_ =	strace $0x9000004D  }
0x8a: {  	[bflag:$0x2] =	sbarrier.arrive $0xFFFF  }
0x8b: {  	p0 =	sne.s32 s2, $0x0;
	s0 =	rddreg [dreg:$0x2]  }
0x8c: {  	s0 =	sadd.s32 @!p0 $0x100000, s0  }
0x8d: {  	[sflag:s0] =	ssyncadd.tile.s32 @!p0 $0x1;
	_ =	shalt  }
.Lfunc_end2:
_tile_overlayer_lowered:
.L_overlay_start_2:
0x8e: {  	(tag) =	ssettag $0x2  }
0x8f: {  	s0 =	rddreg [dreg:$0x0];
	s2 =	stileid.u32  }
0x90: {  	s1 =	rddreg [dreg:$0x1];
	p0 =	sne.s32 s2, $0x0  }
0x91: {  	s3 =	rddreg [dreg:$0x2];
	[bflag:$0x3] =	sbarrier.arrive $0xFFFF;
	s2 =	simm.s32 @!p0 $0x1C03  }
0x92: {  	[timem:s3], [sflag:s2] =	dma.local @!p0 [hbm:s0], s1  }
0x93: {  	s0 =	simm.s32 @!p0 $0x3  }
0x94: {  	_ =	swait.ge @!p0 [sflag:s0], s1  }
0x95: {  	s1 =	ssub.s32 @!p0 $0x0, s1;
	[sflag:s0] =	ssyncset.done @!p0 $0x0  }
0x96: {  	[sflag:s0] =	ssyncadd.s32 @!p0 s1  }
0x97: {  	[bflag:$0x3] =	sbarrier.arrive $0xFFFF  }
0x98: {  	_ =	shalt  }

// kernel: kernel.16.cloned.1.call-start
scs
__scs_entry_jumppad:
0x0: {  	(pc) =	sbr.rel $0x88, $3  }
0x1: {  	(tag) =	ssettag $0x0;
	lr =	simm.s32 $0x1  }
0x2: {  	[smem:$0x3F91] =	sst lr;
	_ =	strace $0xD0000000  }
0x3: {  	_ = 	snop  }
0x4: {  	_ = 	snop  }
0x5: {  	_ = 	snop  }
0x6: {  	_ = 	snop  }
0x7: {  	_ = 	snop  }
__scs_overlays_trampoline_lowered:
0x8: {  	[smem:$0x3FA0] =	sst s0  }
0x9: {  	[smem:$0x3FA1] =	sst s1  }
0xa: {  	[smem:$0x3FA2] =	sst s2  }
0xb: {  	[smem:$0x3FA3] =	sst s3  }
0xc: {  	[smem:$0x3FA4] =	sst s4  }
0xd: {  	[smem:$0x3FA5] =	sst s5  }
0xe: {  	[smem:$0x3FA6] =	sst s6  }
0xf: {  	[smem:$0x3FA7] =	sst s7  }
0x10: {  	[smem:$0x3FA8] =	sst s8  }
0x11: {  	[smem:$0x3FA9] =	sst s9;
	s0 =	simm.s32 @!p0 $0x0  }
0x12: {  	s1 =	sld [smem:$0x3F8F];
	s0 =	simm.s32 @p0 $0x1  }
0x13: {  	[smem:$0x3FAA] =	sst s0;
	s0 =	simm.s32 @!p1 $0x0  }
0x14: {  	s2 =	sld [smem:$0x3F8E];
	s0 =	simm.s32 @p1 $0x1  }
0x15: {  	[smem:$0x3FAB] =	sst s0;
	s0 =	simm.s32 @!p2 $0x0  }
0x16: {  	s3 =	sld [smem:$0x3FDB];
	s0 =	simm.s32 @p2 $0x1  }
0x17: {  	s4 =	simm.s32 $0x1BF5;
	[smem:$0x3FAD] =	sst s0  }
0x18: {  	s0 =	sld [smem:$0x3F90];
	_ =	swait.ge [sflag:s4], $0x0  }
0x19: {  	s7 =	sld [smem:$0x3F91]  }
0x1a: {  	s8 =	sadd.s32 $0xFFFFE003, lr  }
0x1b: {  	s9 =	sadd.s32 $0xFFFFFEF7, lr;
	s5 =	simm.s32 $0xFFFFFFFF;
	p2 =	slt.u32 s8, $0xFFFFF086  }
0x1c: {  	p1 =	slt.u32 s9, $0xF7A;
	s5 =	simm.s32 @!p2 $0x0  }
0x1d: {  	s5 =	simm.s32 @p1 $0x1;
	p0 =	seq.s32 s7, s2  }
0x1e: {  	s7 =	smul.u32 @!p0 $0xF7A, s2;
	p2 =	seq.s32 @!p0 s5, $0x0  }
0x1f: {  	s9 =	smul.u32 $0xF7A, s1;
	s8 =	simm.s32 @!p0 $0x1BF5;
	p2 =	por !p2, p0  }
0x20: {  	[sflag:s8] =	ssyncset.s32 @!p0 $0xFFFFF086;
	s6 =	sadd.s32 @!p0 s3, s7;
	s7 =	simm.s32 @!p0 $0x108  }
0x21: {  	s3 =	sadd.s32 s3, s9;
	s6 =	sadd.s32 @!p0 $0x88, s6;
	s7 =	simm.s32 @p2 $0x1082  }
0x22: {  	[simem:s7], [sflag:s8] =	dma.local @!p0 [hbm:s6], $0xF7A  }
0x23: {  	s9 =	sor.u32 $0xD0000000, s2;
	s6 =	simm.s32 $0x108;
	_ =	swait.ge @!p0 [sflag:s8], $0x0  }
0x24: {  	s3 =	sadd.s32 $0x88, s3;
	s6 =	simm.s32 @!p1 $0x1082;
	[sflag:s4] =	ssyncset.s32 $0xFFFFF086  }
0x25: {  	[simem:s6], [sflag:s4] =	dma.local [hbm:s3], $0xF7A  }
0x26: {  	[smem:$0x3F91] =	sst s1;
	(tag) =	ssettag s2;
	_ =	strace s9  }
0x27: {  	s1 =	sld [smem:$0x3FA1]  }
0x28: {  	s2 =	sld [smem:$0x3FA2]  }
0x29: {  	s4 =	sld [smem:$0x3FA4]  }
0x2a: {  	p0 =	seq.s32 s5, $0x0;
	s5 =	sld [smem:$0x3FA5]  }
0x2b: {  	s6 =	sld [smem:$0x3FA6]  }
0x2c: {  	s7 =	sld [smem:$0x3FA7]  }
0x2d: {  	s3 =	simm.s32 $0x108;
	s8 =	sld [smem:$0x3FA8]  }
0x2e: {  	s3 =	simm.s32 @!p0 $0x1082;
	s9 =	sld [smem:$0x3FA9]  }
0x2f: {  	lr =	sadd.s32 s0, s3;
	s0 =	sld [smem:$0x3FA0]  }
0x30: {  	s3 =	sld [smem:$0x3FA3]  }
0x31: {  	[smem:$0x3FAC] =	sst s10  }
0x32: {  	s10 =	sld [smem:$0x3FAA];
	_ =	sdelay $0x3  }
0x33: {  	p0 =	seq.s32 s10, $0x1;
	s10 =	sld [smem:$0x3FAC];
	_ =	sdelay $0x3  }
0x34: {  	[smem:$0x3FAC] =	sst s10  }
0x35: {  	s10 =	sld [smem:$0x3FAB];
	_ =	sdelay $0x3  }
0x36: {  	p1 =	seq.s32 s10, $0x1;
	s10 =	sld [smem:$0x3FAC];
	_ =	sdelay $0x3  }
0x37: {  	[smem:$0x3FAC] =	sst s10  }
0x38: {  	s10 =	sld [smem:$0x3FAD]  }
0x39: {  	_ = 	snop;
	(pc) =	sbr.ind lr, $3  }
0x3a: {  	_ = 	snop  }
0x3b: {  	_ = 	snop  }
0x3c: {  	p2 =	seq.s32 s10, $0x1;
	s10 =	sld [smem:$0x3FAC]  }
0x3d: {  	_ =	shalt  }
0x3e: {  	_ =	shalt  }
0x3f: {  	_ =	shalt  }
0x40: {  	_ =	shalt  }
0x41: {  	_ =	shalt  }
0x42: {  	_ =	shalt  }
0x43: {  	_ =	shalt  }
0x44: {  	_ =	shalt  }
0x45: {  	_ =	shalt  }
0x46: {  	_ =	shalt  }
0x47: {  	_ =	shalt  }
0x48: {  	_ =	shalt  }
0x49: {  	_ =	shalt  }
0x4a: {  	_ =	shalt  }
0x4b: {  	_ =	shalt  }
0x4c: {  	_ =	shalt  }
0x4d: {  	_ =	shalt  }
0x4e: {  	_ =	shalt  }
0x4f: {  	_ =	shalt  }
0x50: {  	_ =	shalt  }
0x51: {  	_ =	shalt  }
0x52: {  	_ =	shalt  }
0x53: {  	_ =	shalt  }
0x54: {  	_ =	shalt  }
0x55: {  	_ =	shalt  }
0x56: {  	_ =	shalt  }
0x57: {  	_ =	shalt  }
0x58: {  	_ =	shalt  }
0x59: {  	_ =	shalt  }
0x5a: {  	_ =	shalt  }
0x5b: {  	_ =	shalt  }
0x5c: {  	_ =	shalt  }
0x5d: {  	_ =	shalt  }
0x5e: {  	_ =	shalt  }
0x5f: {  	_ =	shalt  }
0x60: {  	_ =	shalt  }
0x61: {  	_ =	shalt  }
0x62: {  	_ =	shalt  }
0x63: {  	_ =	shalt  }
0x64: {  	_ =	shalt  }
0x65: {  	_ =	shalt  }
0x66: {  	_ =	shalt  }
0x67: {  	_ =	shalt  }
0x68: {  	_ =	shalt  }
0x69: {  	_ =	shalt  }
0x6a: {  	_ =	shalt  }
0x6b: {  	_ =	shalt  }
0x6c: {  	_ =	shalt  }
0x6d: {  	_ =	shalt  }
0x6e: {  	_ =	shalt  }
0x6f: {  	_ =	shalt  }
0x70: {  	_ =	shalt  }
0x71: {  	_ =	shalt  }
0x72: {  	_ =	shalt  }
0x73: {  	_ =	shalt  }
0x74: {  	_ =	shalt  }
0x75: {  	_ =	shalt  }
0x76: {  	_ =	shalt  }
0x77: {  	_ =	shalt  }
0x78: {  	_ =	shalt  }
0x79: {  	_ =	shalt  }
0x7a: {  	_ =	shalt  }
0x7b: {  	_ =	shalt  }
0x7c: {  	_ =	shalt  }
0x7d: {  	_ =	shalt  }
0x7e: {  	_ =	shalt  }
0x7f: {  	_ =	shalt  }
0x80: {  	_ =	shalt  }
0x81: {  	_ =	shalt  }
0x82: {  	_ =	shalt  }
0x83: {  	_ =	shalt  }
0x84: {  	_ =	shalt  }
0x85: {  	_ =	shalt  }
0x86: {  	_ =	shalt  }
0x87: {  	_ =	shalt  }
.Lfunc_end0:
.L_simem_size_0:
called_computation.3_lowered:
.L_overlay_start_0:
0x88: {  	s2 =	sld [smem:$0x3FD9]  }
0x89: {  	s3 =	sld [smem:$0x3FFE];
	_ =	sdelay $0x1  }
0x8a: {  	s1 =	srdreg.scid  }
0x8b: {  	s0 =	sand.u32 $0x1, s1  }
0x8c: {  	s16 =	sshll.u32 s0, $0xA;
	s2 =	sadd.s32 s3, s2  }
0x8d: {  	s2 =	sadd.s32 s2, s16  }
0x8e: {  	[smem:$0x3FB8] =	sst s2  }
0x8f: {  	_ = 	snop  }
0x90: {  	(tm) =	ssettm $0x1  }
0x91: {  	s17 =	sld [smem:$0x3FFB];
	_ =	sdelay $0x3  }
0x92: {  	_ =	strace s17  }
0x93: {  	s2 =	sld [smem:$0x3FFC];
	_ =	sdelay $0x3  }
0x94: {  	_ =	strace s2  }
0x95: {  	s2 =	sld [smem:$0x3FFD];
	_ =	sdelay $0x3  }
0x96: {  	_ =	strace s2  }
0x97: {  	_ =	strace $0x8FFFFFFF  }
0x98: {  	s18 =	sld [smem:$0x3FDB];
	_ =	sdelay $0x1  }
0x99: {  	s19 =	simm.s32 $_scs_section_size  }
0x9a: {  	s4 =	simm.s32 $_size__tile_overlayer_lowered;
	s5 =	simm.s32 $_tile_overlayer_lowered  }
0x9b: {  	s22 =	simm.s32 $0x1BFF;
	s21 =	sshll.u32 s5, $0x1;
	s2 =	sadd.s32 s19, s18  }
0x9c: {  	s6 =	simm.s32 $0x0;
	s20 =	sshll.u32 s4, $0x1;
	s4 =	sadd.s32 s21, s2  }
0x9d: {  	[timem:s6], [sflag:s22] =	dma.local [hbm:s4], s20  }
0x9e: {  	_ =	swait.ge [sflag:s22], s20  }
0x9f: {  	s3 =	ssub.s32 $0x0, s20;
	[sflag:s22] =	ssyncset.done $0x0  }
0xa0: {  	[sflag:s22] =	ssyncadd.s32 s3;
	_ =	sdelay $0x1  }
0xa1: {  	s23 =	simm.s32 $0x1B8B  }
0xa2: {  	_ =	swait.ge [sflag:s23], $0x1  }
0xa3: {  	[sflag:s23] =	ssyncset.done $0x0  }
0xa4: {  	s25 =	simm.s32 $0x1B8E;
	s24 =	sld [smem:$0x3FFE];
	[sflag:s23] =	ssyncadd.s32 $0xFFFFFFFF  }
0xa5: {  	s26 =	simm.s32 $execute0_lowered;
	[smem:$0x3FD2] =	sst s25  }
0xa6: {  	s4 =	sshll.u32 s26, $0x1;
	_ =	strace $0x8000004F;
	[dreg:$0x1] =	wrdreg $0xFFFFFFFF  }
0xa7: {  	s28 =	simm.s32 $_size_execute0_lowered;
	s2 =	sadd.s32 s2, s4;
	[dreg:$0x0] =	wrdreg $0x0  }
0xa8: {  	s4 =	sshll.u32 s28, $0x1;
	[dreg:$0x2] =	wrdreg s2  }
0xa9: {  	[dreg:$0x3] =	wrdreg s4  }
0xaa: {  	[dreg:$0x4] =	wrdreg $0xC0  }
0xab: {  	_ =	task [dreg:s6], $0x5FFFF  }
0xac: {  	[dreg:$0x1] =	wrdreg $0xFFFFFFFF  }
0xad: {  	[dreg:$0x0] =	wrdreg $0x60  }
0xae: {  	[dreg:$0x2] =	wrdreg s24  }
0xaf: {  	[dreg:$0x3] =	wrdreg $0x82000  }
0xb0: {  	[dreg:$0x4] =	wrdreg $0x9  }
0xb1: {  	_ =	task.clear_ibuf [dreg:s6], $0x5FFFF;
	_ =	strace $0x9000004F  }
0xb2: {  	s29 =	simm.s32 $0x9;
	_ =	strace $0x80000051  }
0xb3: {  	_ =	swait.ge [sflag:s29], $0x1  }
0xb4: {  	[sflag:s29] =	ssyncadd.s32 $0xFFFFFFFF  }
0xb5: {  	_ =	strace $0x90000051  }
0xb6: {  	_ =	sfence  }
0xb7: {  	s30 =	sld [smem:$0x0];
	_ =	sdelay $0x2  }
0xb8: {  	s31 =	sshll.u32 s1, $0xD;
	s1 =	sshrl.u32 s1, $0x2  }
0xb9: {  	s3 =	sand.u32 $0x4000, s31;
	s1 =	sadd.s32 s1, s30  }
0xba: {  	s0 =	sor.u32 s3, s0;
	s1 =	sshll.u32 s1, $0x11  }
0xbb: {  	s0 =	sor.u32 s1, s0  }
0xbc: {  	s0 =	sadd.s32 $0x8F2B, s0  }
0xbd: {  	[sflag:s0] =	ssyncadd.remote.s32 $0x1  }
0xbe: {  	_ =	sfence.sel $0xFFFF  }
0xbf: {  	[dreg:$0x0] =	wrdreg $0xFFFFFFFF;
	(pc) =	sbr.abs _section_cstart, $3  }
0xc0: {  	[dreg:$0x1] =	wrdreg $0xFFFFFFFF  }
0xc1: {  	_ =	task.clear_ibuf [dreg:s6], $0x2FFFF;
	_ =	strace $0x9FFFFFFF  }
0xc2: {  	(tm) =	ssettm $0x7FFFFFFF  }
0xc3: {  	_ =	shalt  }
tec
execute0_lowered:
.L_overlay_start_1:
0x0: {  	(tag) =	ssettag $0x1  }
0x1: {  	s0 =	rddreg [dreg:$0x0]  }
0x2: {  	s2 =	rddreg [dreg:$0x1];
	s4 =	srdreg.scid;
	s3 =	simm.s32 $0x0  }
0x3: {  	s1 =	stileid.u32;
	s19 =	simm.s32 $0x200;
	s20 =	simm.s32 $0x3  }
0x4: {  	s21 =	simm.s32 $0x100;
	s22 =	simm.s32 $0x80;
	s23 =	simm.s32 $0x4200  }
0x5: {  	s24 =	simm.s32 $0x1;
	s28 =	simm.s32 $0x2;
	s29 =	simm.s32 $0x180  }
0x6: {  	s30 =	simm.s32 $0x0;
	s8 =	sand.u32 $0x1, s4;
	[smem:$0x7FF] =	sst s3  }
0x7: {  	s25 =	sshll.u32 s1, $0x1;
	s10 =	smul.u32 $0x13C00, s1;
	s5 =	sadd.s32 $0xA0EE00, s0  }
0x8: {  	s4 =	sadd.s32 $0x53A00, s0;
	s7 =	sadd.s32 $0xA04E00, s0;
	s13 =	smul.u32 $0x4F000, s1  }
0x9: {  	s15 =	sshll.u32 s1, $0xE;
	p0 =	seq.s32 s1, $0xF;
	s9 =	smul.u32 $0x13C000, s8  }
0xa: {  	_ =	strace $0x80000050;
	s6 =	sor.u32 s8, s25;
	s8 =	ssub.s32 $0x2, s8  }
0xb: {  	s6 =	smul.u32 $0x2800, s6;
	s26 =	sshrl.u32 s8, $0x1;
	s31 =	sshrl.u32 s13, $0x2  }
0xc: {  	s13 =	sadd.s32 s15, s2;
	s9 =	sadd.s32 s10, s9;
	s14 =	ssub.s32 s8, s26  }
0xd: {  	s15 =	sadd.s32 $0x40000, s13;
	s16 =	sadd.s32 $0x80000, s13;
	s17 =	sadd.s32 $0xC0000, s13  }
.Ltmp0:
0xe: {  	s18 =	sadd.s32 $0x100000, s13;
	s26 =	simm.s32 $0x4;
	(pc) =	sbr.rel .LBB2_1-.Ltmp0, $4  }
0xf: {  	s9 =	sshrl.u32 s9, $0x3;
	s11 =	sshrl.u32 s6, $0x3;
	s14 =	smax.u32 s14, $0x1  }
0x10: {  	s0 =	sadd.s32 s9, s0;
	s8 =	sadd.s32 s5, s11;
	s9 =	sadd.s32 s7, s11  }
0x11: {  	s11 =	sor.u32 $0x10, s11;
	s12 =	sadd.s32 $0x7AC00, s0;
	s0 =	sadd.s32 s31, s2  }
0x12: {  	v0 =	vimm.f32 $0.0e+00;
	s10 =	sadd.s32 s5, s11;
	s11 =	sadd.s32 s7, s11;
	s25 =	sshrl.u32 s0, $0x3  }
.LBB2_5:
0x13: {  	_ =	swait.ge [sflag:s28], $0x4000  }
0x14: {  	[sflag:s28] =	ssyncset.done $0x0  }
0x15: {  	[sflag:s28] =	ssyncadd.s32 $0xFFFFC000  }
0x16: {  	[spmem:s2] =	stream.indirect.scatter.add.f32 [tilespmem:s23], [sflag:$0x4], $0x80, s29, s22, $0xb8;
	[tilespmem:$0x1BE00] =	vst v63  }
0x17: {  	_ =	swait.ge [sflag:s26], $0x4000  }
0x18: {  	[sflag:s26] =	ssyncset.done $0x0  }
0x19: {  	[sflag:s26] =	ssyncadd.s32 $0xFFFFC000  }
.LBB2_7:
0x1a: {  	s0 =	stileid.u32;
	s30 =	sadd.s32 $0x1, s30  }
0x1b: {  	s0 =	sshll.u32 s0, $0x6;
	p1 =	sne.s32 s30, s14  }
.Ltmp1:
0x1c: {  	[bflag:$0x0] =	sbarrier.arrive $0xFFFF;
	s0 =	sor.u32 $0x1C03, s0;
	(pc) =	sbr.rel @!p1 .LBB2_8-.Ltmp1, $4  }
0x1d: {  	[hbm:s12], [sflag:s0] =	dma.local [spmem:s25], $0x2780  }
0x1e: {  	_ =	swait.ge [sflag:s20], $0x2780  }
0x1f: {  	[sflag:s20] =	ssyncset.done $0x0  }
0x20: {  	[sflag:s20] =	ssyncadd.s32 $0xFFFFD880  }
.LBB2_1:
0x21: {  	s31 =	simm.s32 $0x0;
	s0 =	simm.s32 $0x200  }
.LBB2_2:
0x22: {  	p1 =	sne.s32 s0, $0xFE00;
	[tilespmem:s31+$0x270] =	vst v0  }
0x23: {  	[tilespmem:s31+$0x200] =	vst v0  }
0x24: {  	[tilespmem:s31+$0x210] =	vst v0  }
.Ltmp2:
0x25: {  	[tilespmem:s31+$0x220] =	vst v0;
	(pc) =	sbr.rel @p1 .LBB2_2-.Ltmp2, $4  }
0x26: {  	[tilespmem:s31+$0x230] =	vst v0  }
0x27: {  	[tilespmem:s31+$0x240] =	vst v0  }
0x28: {  	[tilespmem:s31+$0x250] =	vst v0  }
0x29: {  	[tilespmem:s31+$0x260] =	vst v0;
	s31 =	sshra.s32 s0, $0x2;
	s0 =	sadd.s32 $0x200, s0  }
0x2a: {  	[tilespmem:s31+$0x270] =	vst v0  }
0x2b: {  	[tilespmem:s31+$0x200] =	vst v0  }
0x2c: {  	[tilespmem:s31+$0x210] =	vst v0  }
0x2d: {  	[tilespmem:s31+$0x220] =	vst v0  }
0x2e: {  	[tilespmem:s31+$0x230] =	vst v0  }
0x2f: {  	[tilespmem:s31+$0x240] =	vst v0  }
0x30: {  	[tilespmem:s31+$0x250] =	vst v0  }
0x31: {  	[tilespmem:s31+$0x260] =	vst v0  }
0x32: {  	[spmem:s13] =	stream.linear.scatter [tilespmem:s19], [sflag:$0x3], $0x4000, $0x38;
	[tilespmem:$0x1BE00] =	vst v63  }
0x33: {  	_ =	swait.ge [sflag:s20], $0x4000  }
0x34: {  	[sflag:s20] =	ssyncset.done $0x0  }
0x35: {  	[sflag:s20] =	ssyncadd.s32 $0xFFFFC000  }
0x36: {  	[spmem:s15] =	stream.linear.scatter [tilespmem:s19], [sflag:$0x3], $0x4000, $0x38;
	[tilespmem:$0x1BE00] =	vst v63  }
0x37: {  	_ =	swait.ge [sflag:s20], $0x4000  }
0x38: {  	[sflag:s20] =	ssyncset.done $0x0  }
0x39: {  	[sflag:s20] =	ssyncadd.s32 $0xFFFFC000  }
0x3a: {  	[spmem:s16] =	stream.linear.scatter [tilespmem:s19], [sflag:$0x3], $0x4000, $0x38;
	[tilespmem:$0x1BE00] =	vst v63  }
0x3b: {  	_ =	swait.ge [sflag:s20], $0x4000  }
0x3c: {  	[sflag:s20] =	ssyncset.done $0x0  }
0x3d: {  	[sflag:s20] =	ssyncadd.s32 $0xFFFFC000  }
0x3e: {  	[spmem:s17] =	stream.linear.scatter [tilespmem:s19], [sflag:$0x3], $0x4000, $0x38;
	[tilespmem:$0x1BE00] =	vst v63  }
0x3f: {  	_ =	swait.ge [sflag:s20], $0x4000  }
0x40: {  	[sflag:s20] =	ssyncset.done $0x0  }
0x41: {  	s0 =	simm.s32 @!p0 $0x200;
	[sflag:s20] =	ssyncadd.s32 $0xFFFFC000  }
0x42: {  	[spmem:s18] =	stream.linear.scatter @!p0 [tilespmem:s0], [sflag:$0x3], $0x4000, $0x38;
	[tilespmem:$0x1BE00] =	vst v63  }
0x43: {  	s0 =	simm.s32 @!p0 $0x3  }
0x44: {  	_ =	swait.ge @!p0 [sflag:s0], $0x4000  }
0x45: {  	[sflag:s0] =	ssyncset.done @!p0 $0x0  }
0x46: {  	[sflag:s0] =	ssyncadd.s32 @!p0 $0xFFFFC000  }
0x47: {  	[bflag:$0x0] =	sbarrier.arrive $0xFFFF  }
0x48: {  	[tilespmem:s3], [sflag:$0x3] =	stream.linear.gather [hbm4b:s8+s3], $0x80, $0x38;
	[tilespmem:$0x1BE00] =	vst v63  }
0x49: {  	_ =	swait.ge [sflag:s20], $0x80  }
0x4a: {  	[sflag:s20] =	ssyncset.done $0x0  }
0x4b: {  	[sflag:s20] =	ssyncadd.s32 $0xFFFFFF80  }
0x4c: {  	[tilespmem:s21], [sflag:$0x3] =	stream.linear.gather [hbm4b:s9+s3], $0x80, $0x38;
	[tilespmem:$0x1BE00] =	vst v63  }
0x4d: {  	_ =	swait.ge [sflag:s20], $0x80  }
0x4e: {  	[sflag:s20] =	ssyncset.done $0x0  }
0x4f: {  	[sflag:s20] =	ssyncadd.s32 $0xFFFFFF80  }
0x50: {  	[tilespmem:s22], [sflag:$0x3] =	stream.linear.gather [hbm4b:s10+s3], $0x80, $0x38;
	[tilespmem:$0x1BE00] =	vst v63  }
0x51: {  	_ =	swait.ge [sflag:s20], $0x80  }
0x52: {  	[sflag:s20] =	ssyncset.done $0x0  }
0x53: {  	s31 =	simm.s32 $0x180;
	[sflag:s20] =	ssyncadd.s32 $0xFFFFFF80  }
0x54: {  	[tilespmem:s31], [sflag:$0x3] =	stream.linear.gather [hbm4b:s11+s3], $0x80, $0x38;
	[tilespmem:$0x1BE00] =	vst v63  }
0x55: {  	_ =	swait.ge [sflag:s20], $0x80  }
0x56: {  	[sflag:s20] =	ssyncset.done $0x0  }
0x57: {  	[sflag:s20] =	ssyncadd.s32 $0xFFFFFF80  }
0x58: {  	[tilespmem:s19], [sflag:$0x1] =	stream.indirect.gather [hbm4b:s4+s22], $0x80, s3, s22, $0xb8;
	[tilespmem:$0x1BE00] =	vst v63  }
.LBB2_4:
0x59: {  	[tilespmem:s23], [sflag:$0x2] =	stream.indirect.gather [hbm4b:s4+s22], $0x80, s22, s22, $0xb8;
	[tilespmem:$0x1BE00] =	vst v63  }
0x5a: {  	_ =	swait.ge [sflag:s24], $0x4000  }
0x5b: {  	p1 =	sne.s32 s31, $0x2880;
	[sflag:s24] =	ssyncset.done $0x0  }
.Ltmp3:
0x5c: {  	[sflag:s24] =	ssyncadd.s32 $0xFFFFC000;
	(pc) =	sbr.rel @!p1 .LBB2_5-.Ltmp3, $4  }
0x5d: {  	[spmem:s2] =	stream.indirect.scatter.add.f32 [tilespmem:s19], [sflag:$0x4], $0x80, s21, s22, $0xb8;
	[tilespmem:$0x1BE00] =	vst v63  }
0x5e: {  	_ =	swait.ge [sflag:s26], $0x4000  }
0x5f: {  	[sflag:s26] =	ssyncset.done $0x0  }
0x60: {  	[sflag:s26] =	ssyncadd.s32 $0xFFFFC000  }
0x61: {  	s0 =	sadd.s32 $0xFFFFFF80, s31  }
0x62: {  	s1 =	sand.u32 $0x7C00, s0  }
0x63: {  	s0 =	sand.u32 $0x300, s0;
	s1 =	sadd.s32 s6, s1  }
0x64: {  	s0 =	sor.u32 s0, s1  }
0x65: {  	s0 =	sshrl.u32 s0, $0x3  }
0x66: {  	s1 =	sadd.s32 s5, s0  }
0x67: {  	[tilespmem:s3], [sflag:$0x4] =	stream.linear.gather [hbm4b:s1+s3], $0x80, $0x38;
	[tilespmem:$0x1BE00] =	vst v63  }
0x68: {  	_ =	swait.ge [sflag:s26], $0x80  }
0x69: {  	[sflag:s26] =	ssyncset.done $0x0  }
0x6a: {  	s0 =	sadd.s32 s7, s0;
	[sflag:s26] =	ssyncadd.s32 $0xFFFFFF80  }
0x6b: {  	[tilespmem:s21], [sflag:$0x4] =	stream.linear.gather [hbm4b:s0+s3], $0x80, $0x38;
	[tilespmem:$0x1BE00] =	vst v63  }
0x6c: {  	_ =	swait.ge [sflag:s26], $0x80  }
0x6d: {  	[sflag:s26] =	ssyncset.done $0x0  }
0x6e: {  	[sflag:s26] =	ssyncadd.s32 $0xFFFFFF80  }
0x6f: {  	[tilespmem:s19], [sflag:$0x1] =	stream.indirect.gather [hbm4b:s4+s22], $0x80, s3, s22, $0xb8;
	[tilespmem:$0x1BE00] =	vst v63  }
0x70: {  	_ =	swait.ge [sflag:s28], $0x4000  }
0x71: {  	s1 =	sand.u32 $0x7C00, s31;
	[sflag:s28] =	ssyncset.done $0x0  }
0x72: {  	s0 =	sadd.s32 s6, s1;
	s1 =	sand.u32 $0x380, s31;
	[sflag:s28] =	ssyncadd.s32 $0xFFFFC000  }
0x73: {  	[spmem:s2] =	stream.indirect.scatter.add.f32 [tilespmem:s23], [sflag:$0x4], $0x80, s29, s22, $0xb8;
	[tilespmem:$0x1BE00] =	vst v63  }
0x74: {  	s0 =	sor.u32 s1, s0;
	_ =	swait.ge [sflag:s26], $0x4000  }
0x75: {  	s0 =	sshrl.u32 s0, $0x3;
	[sflag:s26] =	ssyncset.done $0x0  }
0x76: {  	s1 =	sadd.s32 s5, s0;
	[sflag:s26] =	ssyncadd.s32 $0xFFFFC000  }
0x77: {  	[tilespmem:s22], [sflag:$0x4] =	stream.linear.gather [hbm4b:s1+s3], $0x80, $0x38;
	[tilespmem:$0x1BE00] =	vst v63  }
0x78: {  	_ =	swait.ge [sflag:s26], $0x80  }
0x79: {  	s31 =	sadd.s32 $0x100, s31;
	[sflag:s26] =	ssyncset.done $0x0  }
0x7a: {  	p1 =	sne.s32 s31, $0x2980;
	s0 =	sadd.s32 s7, s0;
	[sflag:s26] =	ssyncadd.s32 $0xFFFFFF80  }
0x7b: {  	[tilespmem:s29], [sflag:$0x3] =	stream.linear.gather [hbm4b:s0+s3], $0x80, $0x38;
	[tilespmem:$0x1BE00] =	vst v63  }
.Ltmp4:
0x7c: {  	_ = 	snop;
	(pc) =	sbr.rel @p1 .LBB2_4-.Ltmp4, $4  }
.Ltmp5:
0x7d: {  	_ = 	snop;
	(pc) =	sbr.rel @!p1 .LBB2_7-.Ltmp5, $4  }
0x7e: {  	_ =	swait.ge [sflag:s20], $0x80  }
0x7f: {  	[sflag:s20] =	ssyncset.done $0x0  }
0x80: {  	[sflag:s20] =	ssyncadd.s32 $0xFFFFFF80  }
0x81: {  	_ = 	snop  }
.LBB2_8:
0x82: {  	_ =	sfence.sel $0x180000  }
0x83: {  	[bflag:$0x0] =	sbarrier.arrive $0xFFFF  }
0x84: {  	_ =	strace $0x90000050  }
0x85: {  	s0 =	stileid.u32;
	[bflag:$0x2] =	sbarrier.arrive $0xFFFF  }
0x86: {  	p0 =	sne.s32 s0, $0x0;
	s0 =	rddreg [dreg:$0x2]  }
0x87: {  	s0 =	sadd.s32 @!p0 $0x100000, s0  }
0x88: {  	[sflag:s0] =	ssyncadd.tile.s32 @!p0 $0x1;
	_ =	shalt  }
.Lfunc_end2:
_tile_overlayer_lowered:
.L_overlay_start_2:
0x89: {  	(tag) =	ssettag $0x2  }
0x8a: {  	s0 =	rddreg [dreg:$0x0];
	s2 =	stileid.u32  }
0x8b: {  	s1 =	rddreg [dreg:$0x1];
	p0 =	sne.s32 s2, $0x0  }
0x8c: {  	s3 =	rddreg [dreg:$0x2];
	[bflag:$0x3] =	sbarrier.arrive $0xFFFF;
	s2 =	simm.s32 @!p0 $0x1C03  }
0x8d: {  	[timem:s3], [sflag:s2] =	dma.local @!p0 [hbm:s0], s1  }
0x8e: {  	s0 =	simm.s32 @!p0 $0x3  }
0x8f: {  	_ =	swait.ge @!p0 [sflag:s0], s1  }
0x90: {  	s1 =	ssub.s32 @!p0 $0x0, s1;
	[sflag:s0] =	ssyncset.done @!p0 $0x0  }
0x91: {  	[sflag:s0] =	ssyncadd.s32 @!p0 s1  }
0x92: {  	[bflag:$0x3] =	sbarrier.arrive $0xFFFF  }
0x93: {  	_ =	shalt  }

// kernel: sparse-core-data-format-call.cloned.1.call-start
scs
called_computation_lowered:
.L_overlay_start_0:
0x0: {  	s1 =	sld [smem:$0x3FD9]  }
0x1: {  	s2 =	sld [smem:$0x3FFE];
	_ =	sdelay $0x1  }
0x2: {  	s3 =	srdreg.scid  }
0x3: {  	s0 =	sand.u32 $0x1, s3  }
0x4: {  	s17 =	sshll.u32 s0, $0xA;
	s1 =	sadd.s32 s2, s1  }
0x5: {  	s1 =	sadd.s32 s1, s17  }
0x6: {  	[smem:$0x3FB8] =	sst s1  }
0x7: {  	_ = 	snop  }
0x8: {  	(tm) =	ssettm $0x1  }
0x9: {  	s18 =	sld [smem:$0x3FFB];
	_ =	sdelay $0x3  }
0xa: {  	_ =	strace s18  }
0xb: {  	s1 =	sld [smem:$0x3FFC];
	_ =	sdelay $0x3  }
0xc: {  	_ =	strace s1  }
0xd: {  	s1 =	sld [smem:$0x3FFD];
	_ =	sdelay $0x3  }
0xe: {  	_ =	strace s1  }
0xf: {  	_ =	strace $0x8FFFFFFF  }
0x10: {  	s19 =	sld [smem:$0x3FDB];
	_ =	sdelay $0x1  }
0x11: {  	s20 =	simm.s32 $_scs_section_size  }
0x12: {  	s4 =	simm.s32 $_size__tile_overlayer_lowered;
	s5 =	simm.s32 $_tile_overlayer_lowered  }
0x13: {  	s23 =	simm.s32 $0x1BFF;
	s22 =	sshll.u32 s5, $0x1;
	s1 =	sadd.s32 s20, s19  }
0x14: {  	s6 =	simm.s32 $0x0;
	s21 =	sshll.u32 s4, $0x1;
	s4 =	sadd.s32 s22, s1  }
0x15: {  	[timem:s6], [sflag:s23] =	dma.local [hbm:s4], s21  }
0x16: {  	_ =	swait.ge [sflag:s23], s21  }
0x17: {  	s2 =	ssub.s32 $0x0, s21;
	[sflag:s23] =	ssyncset.done $0x0  }
0x18: {  	[sflag:s23] =	ssyncadd.s32 s2;
	_ =	sdelay $0x1  }
0x19: {  	s24 =	simm.s32 $0x1B8B  }
0x1a: {  	_ =	swait.ge [sflag:s24], $0x1  }
0x1b: {  	[sflag:s24] =	ssyncset.done $0x0  }
0x1c: {  	s26 =	simm.s32 $0x1B8E;
	s25 =	sld [smem:$0x3FFE];
	[sflag:s24] =	ssyncadd.s32 $0xFFFFFFFF  }
0x1d: {  	s27 =	simm.s32 $execute0_lowered;
	[smem:$0x3FD2] =	sst s26  }
0x1e: {  	s4 =	sshll.u32 s27, $0x1;
	_ =	strace $0x80000046;
	[dreg:$0x1] =	wrdreg $0xFFFFFFFF  }
0x1f: {  	s28 =	simm.s32 $_size_execute0_lowered;
	s1 =	sadd.s32 s1, s4;
	[dreg:$0x0] =	wrdreg $0x0  }
0x20: {  	s4 =	sshll.u32 s28, $0x1;
	[dreg:$0x2] =	wrdreg s1  }
0x21: {  	[dreg:$0x3] =	wrdreg s4  }
0x22: {  	[dreg:$0x4] =	wrdreg $0xC0  }
0x23: {  	_ =	task [dreg:s6], $0x5FFFF  }
0x24: {  	[dreg:$0x1] =	wrdreg $0xFFFFFFFF  }
0x25: {  	[dreg:$0x0] =	wrdreg $0x60  }
0x26: {  	[dreg:$0x2] =	wrdreg s25  }
0x27: {  	[dreg:$0x3] =	wrdreg $0x9  }
0x28: {  	_ =	task.clear_ibuf [dreg:s6], $0x4FFFF;
	_ =	strace $0x90000046  }
0x29: {  	s29 =	simm.s32 $0x9;
	_ =	strace $0x80000048  }
0x2a: {  	_ =	swait.ge [sflag:s29], $0x1  }
0x2b: {  	[sflag:s29] =	ssyncadd.s32 $0xFFFFFFFF  }
0x2c: {  	_ =	strace $0x90000048  }
0x2d: {  	_ =	sfence  }
0x2e: {  	s30 =	sld [smem:$0x0];
	_ =	sdelay $0x2  }
0x2f: {  	s31 =	sshll.u32 s3, $0xD;
	s3 =	sshrl.u32 s3, $0x2  }
0x30: {  	s2 =	sand.u32 $0x4000, s31;
	s1 =	sadd.s32 s3, s30  }
0x31: {  	s0 =	sor.u32 s2, s0;
	s1 =	sshll.u32 s1, $0x11  }
0x32: {  	s0 =	sor.u32 s1, s0  }
0x33: {  	s0 =	sadd.s32 $0x8F2B, s0  }
0x34: {  	[sflag:s0] =	ssyncadd.remote.s32 $0x1  }
0x35: {  	_ =	sfence.sel $0xFFFF  }
0x36: {  	[dreg:$0x0] =	wrdreg $0xFFFFFFFF;
	(pc) =	sbr.abs _section_cstart, $3  }
0x37: {  	[dreg:$0x1] =	wrdreg $0xFFFFFFFF  }
0x38: {  	_ =	task.clear_ibuf [dreg:s6], $0x2FFFF;
	_ =	strace $0x9FFFFFFF  }
0x39: {  	(tm) =	ssettm $0x7FFFFFFF  }
tec
execute0_lowered:
.L_overlay_start_1:
0x0: {  	(tag) =	ssettag $0x1  }
0x1: {  	s0 =	srdreg.scid  }
0x2: {  	s5 =	rddreg [dreg:$0x0];
	s1 =	sshll.u32 s0, $0x4  }
0x3: {  	s4 =	simm.s32 $0x1;
	s0 =	stileid.u32;
	s1 =	sand.u32 $0x10, s1  }
0x4: {  	s8 =	simm.s32 $0x2;
	s12 =	simm.s32 $0x0;
	s2 =	sor.u32 s0, s1  }
0x5: {  	s11 =	simm.s32 $0x0;
	s9 =	simm.s32 $0x0;
	s2 =	sshll.u32 s2, $0x7  }
0x6: {  	s10 =	simm.s32 $0x0;
	s3 =	sadd.s32 $0x4E00, s5;
	s6 =	ssub.s32 $0x50000, s2  }
.Ltmp0:
0x7: {  	s1 =	rddreg [dreg:$0x1];
	s7 =	sand.u32 $0xF80, s6;
	(pc) =	sbr.rel .LBB1_1-.Ltmp0, $4  }
0x8: {  	_ =	strace $0x80000047;
	p0 =	sne.s32 s7, $0x0;
	s7 =	simm.s32 $0x1  }
0x9: {  	[sflag:s4] =	ssyncpa.u1 $0x0;
	s6 =	sshrl.u32 s6, $0xC;
	s7 =	simm.s32 @!p0 $0x0  }
0xa: {  	s5 =	sadd.s32 $0x504E00, s5;
	[sflag:s8] =	ssyncpa.u1 $0x0;
	s6 =	sadd.s32 s7, s6  }
0xb: {  	s8 =	smov.u32 s2;
	p0 =	por $0x0, $0x0;
	s7 =	sadd.s32 $0x1, s6  }
.LBB1_4:
0xc: {  	s12 =	sshll.u32 s12, $0x7;
	s18 =	sshll.u32 s11, $0x3  }
0xd: {  	v5 =	vld [tilespmem:s16+$0xFFFFFFD0];
	[tilespmem:s15+$0x2040 ss:$0x81] =	vst.msk $0xffff, v4;
	s19 =	sand.u32 $0xFFFFFC00, s12;
	s18 =	sand.u32 $0xFFFFFC00, s18  }
0xe: {  	v58 =	vld [tilespmem:s16+$0xFFFFFFE0];
	[tilespmem:s15+$0x2850 ss:$0x81] =	vst.msk $0xffff, v3;
	s12 =	sand.u32 $0x380, s12;
	s18 =	sadd.s32 s18, s19  }
0xf: {  	s17 =	sshra.s32 s17, $0x2;
	v59 =	vld [tilespmem:s16+$0xFFFFFFF0];
	[tilespmem:s15+$0x3060 ss:$0x81] =	vst.msk $0xffff, v2;
	s12 =	sor.u32 s12, s18  }
0x10: {  	v60 =	vld [tilespmem:s16+$0x0];
	[tilespmem:s15+$0x0 ss:$0x81] =	vst.msk $0xffff, v0;
	s14 =	sadd.s32 s17, s14;
	s12 =	sshrl.u32 s12, $0x7  }
0x11: {  	v61 =	vld [tilespmem:s16+$0x10];
	[tilespmem:s14+$0x3870 ss:$0x81] =	vst.msk $0xffff, v1;
	s28 =	smulhi.u32 $0xCCCCCD, s12  }
0x12: {  	v62 =	vld [tilespmem:s16+$0x20];
	[tilespmem:s14+$0x810 ss:$0x81] =	vst.msk $0xffff, v5  }
0x13: {  	v63 =	vld [tilespmem:s16+$0xFFFFFFC0];
	[tilespmem:s14+$0x1020 ss:$0x81] =	vst.msk $0xffff, v58;
	s15 =	sshrl.u32 s28, $0xA  }
0x14: {  	[tilespmem:s14+$0x1830 ss:$0x81] =	vst.msk $0xffff, v59;
	s15 =	smul.u32 $0x50000, s15  }
0x15: {  	s29 =	sshrl.u32 s11, $0x3;
	[tilespmem:s14+$0x2040 ss:$0x81] =	vst.msk $0xffff, v60  }
0x16: {  	s30 =	sand.u32 $0xF, s29;
	[tilespmem:s14+$0x2850 ss:$0x81] =	vst.msk $0xffff, v61;
	s12 =	ssub.s32 s12, s15  }
0x17: {  	[tilespmem:s14+$0x3060 ss:$0x81] =	vst.msk $0xffff, v62;
	s15 =	sadd.s32 s5, s30;
	s12 =	sshll.u32 s12, $0x4  }
0x18: {  	s31 =	sand.u32 $0x7, s11;
	[tilespmem:s14+$0x0 ss:$0x81] =	vst.msk $0xffff, v63;
	s12 =	sadd.s32 s12, s15  }
0x19: {  	[hbm4b:s12+s31] =	stream.linear.scatter [tilespmem:s13], [sflag:$0x2], $0x4000, $0x20;
	[tilespmem:$0x10100] =	vst v63  }
.LBB1_5:
0x1a: {  	s13 =	sadd.s32 $0x1000, s8  }
0x1b: {  	s11 =	sadd.s32 $0x80, s9;
	s15 =	smov.u32 s9;
	p2 =	sgt.s32 s13, $0x4FFFF  }
0x1c: {  	s15 =	smov.u32 @p2 s11  }
0x1d: {  	s13 =	smov.u32 @p2 s2;
	p2 =	sgt.s32 s15, $0x7F  }
0x1e: {  	s15 =	simm.s32 @p2 $0x0;
	p2 =	sne.s32 s10, s7  }
.Ltmp1:
0x1f: {  	p1 =	slt.u32 s10, $0x2;
	(pc) =	sbr.rel @!p2 .LBB1_6-.Ltmp1, $4  }
0x20: {  	s14 =	simm.s32 @!p1 $0x2  }
0x21: {  	s12 =	smov.u32 s8;
	p0 =	por !p0, !p0;
	_ =	swait.ge @!p1 [sflag:s14], $0x4000  }
0x22: {  	s11 =	smov.u32 s9;
	[sflag:s14] =	ssyncset.done @!p1 $0x0;
	s8 =	smov.u32 s13  }
0x23: {  	s10 =	sadd.s32 $0x1, s10;
	[sflag:s14] =	ssyncadd.s32 @!p1 $0xFFFFC000;
	s9 =	smov.u32 s15  }
.LBB1_1:
0x24: {  	p1 =	sge.u32 s10, s6  }
0x25: {  	s13 =	sshrl.u32 @!p1 s9, $0x3  }
0x26: {  	s14 =	sshll.u32 @!p1 s8, $0x3;
	s15 =	sshll.u32 @!p1 s9, $0x7;
	s13 =	smul.u32 @!p1 $0x280000, s13  }
0x27: {  	s16 =	sand.u32 @!p1 $0x7F, s8;
	s14 =	sand.u32 @!p1 $0xFFFFFC00, s14;
	s15 =	sand.u32 @!p1 $0x380, s15  }
0x28: {  	s13 =	sadd.s32 @!p1 s13, s14;
	s14 =	sor.u32 @!p1 s16, s15  }
0x29: {  	s14 =	sor.u32 @!p1 s13, s14  }
0x2a: {  	s15 =	smulhi.u32 @!p1 $0xCCCCCCCD, s14;
	_ =	sdelay $0x1  }
0x2b: {  	s13 =	smulhi.u32 @!p1 $0xCCCCCCCD, s13;
	s15 =	sshrl.u32 @!p1 s15, $0x12  }
0x2c: {  	s15 =	smul.u32 @!p1 $0x50000, s15  }
0x2d: {  	s31 =	sadd.s32 $0xFFFFFFFF, s10;
	s16 =	sxor.u32 @!p1 $0xFFFFFFFF, s10;
	s13 =	sshrl.u32 @!p1 s13, $0x12  }
0x2e: {  	s16 =	sshll.u32 @!p1 s16, $0xE;
	s13 =	sand.u32 @!p1 $0x7F, s13;
	s14 =	ssub.s32 @!p1 s14, s15  }
0x2f: {  	s13 =	smul.u32 @!p1 $0xA000, s13;
	s15 =	sshrl.u32 @!p1 s14, $0x3;
	s14 =	sand.u32 @!p1 $0x7, s14  }
0x30: {  	s16 =	sand.u32 @!p1 $0x4000, s16;
	s15 =	sadd.s32 @!p1 s3, s15;
	s14 =	sshll.u32 @!p1 s14, $0x12  }
0x31: {  	s13 =	sadd.s32 @!p1 s13, s15;
	s14 =	sor.u32 @!p1 $0x400, s14;
	s15 =	simm.s32 @!p1 $0x280000  }
0x32: {  	[tilespmem:s16], [sflag:$0x1] =	stream.strided.gather @!p1 [hbm4b:s13+s14], $0x4000, s15, s14, $0x38;
	[tilespmem:$0x10100] =	vst v63  }
0x33: {  	p1 =	sge.u32 s31, s6  }
.Ltmp2:
0x34: {  	_ = 	snop;
	(pc) =	sbr.rel @p1 .LBB1_5-.Ltmp2, $1  }
0x35: {  	_ =	sdelay $0x3  }
0x36: {  	s13 =	simm.s32 $0x1  }
0x37: {  	_ =	swait.ge [sflag:s4], $0x4000;
	s13 =	simm.s32 @!p0 $0x0  }
0x38: {  	[sflag:s4] =	ssyncset.done $0x0;
	s14 =	sshll.u32 s13, $0xE  }
0x39: {  	[sflag:s4] =	ssyncadd.s32 $0xFFFFC000;
	s16 =	sor.u32 $0x40, s14  }
0x3a: {  	s13 =	smul.u32 $0x10200, s13;
	v0 =	vld [tilespmem:s16+$0x30]  }
0x3b: {  	v1 =	vld [tilespmem:s16+$0xFFFFFFD0]  }
0x3c: {  	s13 =	sshrl.u32 s13, $0x2;
	v5 =	vld [tilespmem:s16+$0xFFFFFFE0]  }
0x3d: {  	v6 =	vld [tilespmem:s16+$0xFFFFFFF0];
	s14 =	sor.u32 $0x8000, s13  }
0x3e: {  	s31 =	sand.u32 $0x1, s10;
	v4 =	vld [tilespmem:s16+$0x0];
	s15 =	sadd.s32 $0x0, s14  }
0x3f: {  	v3 =	vld [tilespmem:s16+$0x10];
	s13 =	smul.u32 $0x10200, s31;
	[tilespmem:s15+$0x3870 ss:$0x81] =	vst.msk $0xffff, v0  }
0x40: {  	v2 =	vld [tilespmem:s16+$0x20];
	[tilespmem:s15+$0x810 ss:$0x81] =	vst.msk $0xffff, v1  }
0x41: {  	s13 =	sshrl.u32 s13, $0x2;
	v0 =	vld [tilespmem:s16+$0xFFFFFFC0];
	[tilespmem:s15+$0x1020 ss:$0x81] =	vst.msk $0xffff, v5;
	s16 =	sadd.s32 $0x80, s16  }
0x42: {  	s17 =	simm.s32 $0x4;
	s18 =	simm.s32 $0x8;
	s13 =	sor.u32 $0x8000, s13;
	[tilespmem:s15+$0x1830 ss:$0x81] =	vst.msk $0xffff, v6;
	v1 =	vld [tilespmem:s16+$0x30]  }
.LBB1_3:
0x43: {  	p1 =	sne.s32 s18, $0x1FC;
	v5 =	vld [tilespmem:s16+$0xFFFFFFD0];
	[tilespmem:s15+$0x2040 ss:$0x81] =	vst.msk $0xffff, v4  }
0x44: {  	v6 =	vld [tilespmem:s16+$0xFFFFFFE0];
	[tilespmem:s15+$0x2850 ss:$0x81] =	vst.msk $0xffff, v3  }
0x45: {  	s19 =	sshra.s32 s17, $0x2;
	s17 =	smov.u32 s18;
	v7 =	vld [tilespmem:s16+$0xFFFFFFF0];
	[tilespmem:s15+$0x3060 ss:$0x81] =	vst.msk $0xffff, v2  }
.Ltmp3:
0x46: {  	v4 =	vld [tilespmem:s16+$0x0];
	[tilespmem:s15+$0x0 ss:$0x81] =	vst.msk $0xffff, v0;
	s15 =	sadd.s32 s19, s14;
	(pc) =	sbr.rel @p1 .LBB1_3-.Ltmp3, $4  }
0x47: {  	v3 =	vld [tilespmem:s16+$0x10];
	[tilespmem:s15+$0x3870 ss:$0x81] =	vst.msk $0xffff, v1  }
0x48: {  	[tilespmem:s15+$0x810 ss:$0x81] =	vst.msk $0xffff, v5;
	v2 =	vld [tilespmem:s16+$0x20]  }
0x49: {  	v0 =	vld [tilespmem:s16+$0xFFFFFFC0];
	[tilespmem:s15+$0x1020 ss:$0x81] =	vst.msk $0xffff, v6;
	s16 =	sadd.s32 $0x80, s16  }
0x4a: {  	s18 =	sadd.s32 $0x4, s18;
	v1 =	vld [tilespmem:s16+$0x30];
	[tilespmem:s15+$0x1830 ss:$0x81] =	vst.msk $0xffff, v7  }
.Ltmp4:
0x4b: {  	_ = 	snop;
	(pc) =	sbr.rel .LBB1_4-.Ltmp4, $1  }
0x4c: {  	_ =	sdelay $0x3  }
.LBB1_6:
0x4d: {  	_ =	sfence.sel $0x180000  }
0x4e: {  	s2 =	simm.s32 $0x1;
	[bflag:$0x0] =	sbarrier.arrive $0xFFFF  }
0x4f: {  	s31 =	simm.s32 $0x2;
	[sflag:s2] =	ssyncpa.u1 $0x1  }
0x50: {  	[sflag:s31] =	ssyncpa.u1 $0x1  }
0x51: {  	p0 =	sne.s32 s0, $0x0;
	_ =	strace $0x90000047  }
0x52: {  	s0 =	sadd.s32 @!p0 $0x100000, s1;
	[bflag:$0x2] =	sbarrier.arrive $0xFFFF  }
0x53: {  	[sflag:s0] =	ssyncadd.tile.s32 @!p0 $0x1;
	_ =	shalt  }
.Lfunc_end1:
_tile_overlayer_lowered:
.L_overlay_start_2:
0x54: {  	(tag) =	ssettag $0x2  }
0x55: {  	s0 =	rddreg [dreg:$0x0];
	s2 =	stileid.u32  }
0x56: {  	s1 =	rddreg [dreg:$0x1];
	p0 =	sne.s32 s2, $0x0  }
0x57: {  	s3 =	rddreg [dreg:$0x2];
	[bflag:$0x3] =	sbarrier.arrive $0xFFFF;
	s2 =	simm.s32 @!p0 $0x1C01  }
0x58: {  	[timem:s3], [sflag:s2] =	dma.local @!p0 [hbm:s0], s1  }
0x59: {  	s0 =	simm.s32 @!p0 $0x1  }
0x5a: {  	_ =	swait.ge @!p0 [sflag:s0], s1  }
0x5b: {  	s1 =	ssub.s32 @!p0 $0x0, s1;
	[sflag:s0] =	ssyncset.done @!p0 $0x0  }
0x5c: {  	[sflag:s0] =	ssyncadd.s32 @!p0 s1  }
0x5d: {  	[bflag:$0x3] =	sbarrier.arrive $0xFFFF  }
0x5e: {  	_ =	shalt  }

</sc_bundles>
